<compile_context>
chip_gen: v7x
topology: tpu7x:2x2x1
jax: 0.10.2.dev20260603
libtpu: 0.0.44.dev20260713+nightly
codegen_flags: <defaults>
</compile_context>

<pallas_src>
import functools

import jax
import jax.numpy as jnp
from jax import lax
from jax.experimental import pallas as pl
from jax.experimental.pallas import tpu as pltpu
from jax.experimental.pallas import tpu_sc as plsc

N = 10000
DM = 128
G = 64
E = 320000

NT = 16
RPT = 632
NP = NT * RPT
TRASH = N + 8

CHUNK = 128
NCH = 2560
EP = NCH * CHUNK
CPP = 32
PH0 = 4
PH1 = 1
CPT0 = PH0 * CPP
CPT1 = PH1 * CPP

_MESH = plsc.VectorSubcoreMesh(core_axis_name="c", subcore_axis_name="s")



@functools.partial(
    pl.kernel,
    out_type=jax.ShapeDtypeStruct((2 * NP, DM), jnp.float32),
    mesh=_MESH,
    scratch_types=[
        pltpu.VMEM((NCH // 32, CHUNK), jnp.int32),
        pltpu.VMEM((CHUNK, DM), jnp.float32),
        pltpu.VMEM_SHARED((NP, DM), jnp.float32),
    ],
)
def _deg_kernel(dst_h, ones_h, zeros_h, deg_out, dst_v, ones_v, degsh):
    c = lax.axis_index("c")
    s = lax.axis_index("s")
    w = c * NT + s
    pltpu.sync_copy(dst_h.at[pl.ds(w * (NCH // 32), NCH // 32)], dst_v)
    pltpu.sync_copy(ones_h, ones_v)
    pltpu.sync_copy(zeros_h, degsh.at[pl.ds(s * RPT, RPT)])
    plsc.subcore_barrier()

    def body(j, carry):
        pltpu.sync_copy(ones_v, degsh.at[dst_v.at[j]], add=True)
        return carry

    lax.fori_loop(0, NCH // 32, body, 0)
    plsc.subcore_barrier()
    pltpu.sync_copy(degsh.at[pl.ds(s * RPT, RPT)],
                    deg_out.at[pl.ds(c * NP + s * RPT, RPT)])


@functools.partial(
    pl.kernel,
    out_type=jax.ShapeDtypeStruct((2 * NP, DM), jnp.float32),
    mesh=_MESH,
    scratch_types=[
        pltpu.VMEM((CPP, CHUNK), jnp.int32),
        pltpu.VMEM((CPP, CHUNK), jnp.int32),
        pltpu.VMEM((2, CHUNK, DM), jnp.float32),
        pltpu.VMEM_SHARED((NP, DM), jnp.float32),
        pltpu.SemaphoreType.DMA,
        pltpu.SemaphoreType.DMA,
    ],
)
def _edge_scatter(y_h, src_h, dst_h, zeros_h, z_out, src_v, dst_v, rows_v,
                  zsh, sem_g, sem_s):
    c = lax.axis_index("c")
    s = lax.axis_index("s")
    pltpu.sync_copy(zeros_h, zsh.at[pl.ds(s * RPT, RPT)])
    plsc.subcore_barrier()

    def run_phase(base, pri):
        pltpu.sync_copy(src_h.at[pl.ds(base, CPP)], src_v)
        pltpu.sync_copy(dst_h.at[pl.ds(base, CPP)], dst_v)

        def gather(j, b):
            return pltpu.async_copy(y_h.at[src_v.at[j]], rows_v.at[b],
                                    sem_g, priority=pri)

        def scatter(j, b):
            return pltpu.async_copy(rows_v.at[b], zsh.at[dst_v.at[j]],
                                    sem_s, add=True)

        gather(0, 0).wait()
        scatter(0, 0)
        gather(1, 1)

        def body(j, carry):
            b = lax.rem(j, 2)
            pltpu.make_async_copy(y_h.at[src_v.at[j]], rows_v.at[b],
                                  sem_g).wait()
            scatter(j, b)
            pltpu.make_async_copy(rows_v.at[1 - b], zsh.at[dst_v.at[j]],
                                  sem_s).wait()

            @pl.when(j < CPP - 1)
            def _():
                gather(j + 1, 1 - b)

            return carry

        lax.fori_loop(1, CPP, body, 0)
        pltpu.make_async_copy(rows_v.at[0], zsh.at[dst_v.at[0]],
                              sem_s).wait()

    for p in range(PH0):
        if p < PH1:

            @pl.when(c == 0)
            def _():
                run_phase(s * CPT0 + p * CPP, 0)

            @pl.when(c == 1)
            def _():
                run_phase(16 * CPT0 + s * CPT1 + p * CPP, 1)

        else:

            @pl.when(c == 0)
            def _():
                run_phase(s * CPT0 + p * CPP, 0)

    plsc.subcore_barrier()
    pltpu.sync_copy(zsh.at[pl.ds(s * RPT, RPT)],
                    z_out.at[pl.ds(c * NP + s * RPT, RPT)])



def _tc_embed_body(x_ref, wemb_ref, w0_ref, deg_ref, y_ref, dinv_ref):
    deg = deg_ref[0:N, 0] + deg_ref[NP:NP + N, 0] + 1.0
    dinv = lax.rsqrt(deg)
    w = jnp.dot(wemb_ref[...], w0_ref[...], preferred_element_type=jnp.float32)
    xw = jnp.dot(x_ref[...], w, preferred_element_type=jnp.float32)
    y_ref[0:N, :] = xw * dinv[:, None]
    dinv_ref[0:N] = dinv
    dinv_ref[N:NP] = jnp.zeros((NP - N,), jnp.float32)


def _bn_from(z_ref, y_ref, dinv_ref, b_ref, g_ref, bb_ref):
    dinv = dinv_ref[0:N]
    z = z_ref[0:N, :] + z_ref[NP:NP + N, :]
    out = dinv[:, None] * (z + y_ref[0:N, :]) + b_ref[...]
    mean = jnp.mean(out, axis=0)
    cent = out - mean
    var = jnp.mean(cent * cent, axis=0)
    return cent * lax.rsqrt(var + 1e-5) * g_ref[...] + bb_ref[...], dinv


def _tc_mid_body(z_ref, y_ref, dinv_ref, b_ref, g_ref, bb_ref, w1_ref, y1_ref):
    hn, dinv = _bn_from(z_ref, y_ref, dinv_ref, b_ref, g_ref, bb_ref)
    h1 = jnp.maximum(hn, 0.0)
    xw1 = jnp.dot(h1, w1_ref[...], preferred_element_type=jnp.float32)
    y1_ref[0:N, :] = xw1 * dinv[:, None]


def _tc_tail_body(z_ref, y_ref, dinv_ref, b_ref, g_ref, bb_ref, batch_ref,
                  fcw_ref, fcb_ref, out_ref):
    h2, _ = _bn_from(z_ref, y_ref, dinv_ref, b_ref, g_ref, bb_ref)
    onehot = (lax.broadcasted_iota(jnp.int32, (G, N), 0)
              == batch_ref[...][None, :]).astype(jnp.float32)
    pool = jnp.dot(onehot, h2, preferred_element_type=jnp.float32)
    fw = fcw_ref[...][:, 0]
    out_ref[...] = (jnp.sum(pool * fw[None, :], axis=1, keepdims=True)
                    + fcb_ref[...])


_tc_embed = pl.pallas_call(
    _tc_embed_body,
    out_shape=(jax.ShapeDtypeStruct((NP, DM), jnp.float32),
               jax.ShapeDtypeStruct((NP,), jnp.float32)),
)

_tc_mid = pl.pallas_call(
    _tc_mid_body,
    out_shape=jax.ShapeDtypeStruct((NP, DM), jnp.float32),
)

_tc_tail = pl.pallas_call(
    _tc_tail_body,
    out_shape=jax.ShapeDtypeStruct((G, 1), jnp.float32),
)



def kernel(x, edge_index, batch, W_emb, conv_W0, conv_b0, bn_g0, bn_b0,
           conv_W1, conv_b1, bn_g1, bn_b1, fc_W, fc_b):
    src = edge_index[0]
    dst = edge_index[1]
    pad = EP - E
    src_c = jnp.concatenate([src, jnp.zeros((pad,), jnp.int32)]
                            ).reshape(NCH, CHUNK)
    dst_c = jnp.concatenate([dst, jnp.full((pad,), TRASH, jnp.int32)]
                            ).reshape(NCH, CHUNK)
    zeros128 = jnp.zeros((RPT, DM), jnp.float32)
    ones128 = jnp.ones((CHUNK, DM), jnp.float32)

    deg = _deg_kernel(dst_c, ones128, zeros128)
    y0, dinv = _tc_embed(x, W_emb, conv_W0, deg)
    z0 = _edge_scatter(y0, src_c, dst_c, zeros128)
    y1 = _tc_mid(z0, y0, dinv, conv_b0, bn_g0, bn_b0, conv_W1)
    z1 = _edge_scatter(y1, src_c, dst_c, zeros128)
    return _tc_tail(z1, y1, dinv, conv_b1, bn_g1, bn_b1, batch, fc_W, fc_b)

# --- scband reference (transcript-rebuilt; emitter-appended) ---
"""Pipeline reference for scband-gnn-31825707664028 (READ-ONLY COPY).

The authoritative reference and input builder live on the scoring server;
editing this copy changes nothing except your own understanding.
"""

import jax, jax.numpy as jnp
import numpy as np

N = 10000
E = 320000
D = 128
G = 64

def _init(key, shape, scale):
    return jax.random.normal(key, shape, dtype=jnp.float32) * scale

def setup_inputs(seed: int = 0):
    key = jax.random.key(seed)
    ks = jax.random.split(key, 16)
    x = jax.random.normal(ks[0], (N, D), dtype=jnp.float32)
    edge_index = jax.random.randint(ks[1], (2, E), 0, N, dtype=jnp.int32)
    batch = jnp.sort(jax.random.randint(ks[2], (N,), 0, G, dtype=jnp.int32))
    s = 1.0 / np.sqrt(D)
    return {
        "x": x,
        "edge_index": edge_index,
        "batch": batch,
        "W_emb": _init(ks[3], (D, D), s),
        "conv_W0": _init(ks[4], (D, D), s),
        "conv_b0": jnp.zeros((D,), jnp.float32),
        "bn_g0": jnp.ones((D,), jnp.float32),
        "bn_b0": jnp.zeros((D,), jnp.float32),
        "conv_W1": _init(ks[5], (D, D), s),
        "conv_b1": jnp.zeros((D,), jnp.float32),
        "bn_g1": jnp.ones((D,), jnp.float32),
        "bn_b1": jnp.zeros((D,), jnp.float32),
        "fc_W": _init(ks[6], (D, 1), s),
        "fc_b": jnp.zeros((1,), jnp.float32),
    }

def _gcn_conv(h, src, dst, W, b):
    n = h.shape[0]
    xw = h @ W
    loop = jnp.arange(n, dtype=src.dtype)
    src_f = jnp.concatenate([src, loop])
    dst_f = jnp.concatenate([dst, loop])
    deg = jax.ops.segment_sum(jnp.ones(src_f.shape[0], dtype=h.dtype), dst_f, num_segments=n)
    dinv = jnp.where(deg > 0, jax.lax.rsqrt(jnp.maximum(deg, 1e-12)), 0.0)
    norm = dinv[src_f] * dinv[dst_f]
    msg = xw[src_f] * norm[:, None]
    return jax.ops.segment_sum(msg, dst_f, num_segments=n) + b

def _bn(h, g, b):
    mean = jnp.mean(h, axis=0)
    var = jnp.var(h, axis=0)
    return (h - mean) * jax.lax.rsqrt(var + 1e-5) * g + b

def reference(x, edge_index, batch, W_emb, conv_W0, conv_b0, bn_g0, bn_b0, conv_W1, conv_b1, bn_g1, bn_b1, fc_W, fc_b):
    src = edge_index[0]
    dst = edge_index[1]
    h = x @ W_emb
    h = _gcn_conv(h, src, dst, conv_W0, conv_b0)
    h = _bn(h, bn_g0, bn_b0)
    h = jax.nn.relu(h)
    h = _gcn_conv(h, src, dst, conv_W1, conv_b1)
    h = _bn(h, bn_g1, bn_b1)
    h_pool = jax.ops.segment_sum(h, batch, num_segments=G)
    return h_pool @ fc_W + fc_b

if __name__ == "__main__":
    import jax
    _d = setup_inputs()
    print(jax.jit(kernel)(*tuple(_d.values())))

</pallas_src>

<mosaic_0001>
#map = affine_map<(d0, d1) -> (0, 0)>
module attributes {stable_mosaic.version = 14 : i64} {
  func.func @_deg_kernel(%arg0: i32, %arg1: i32, %arg2: memref<2560x128xi32, #tpu.memory_space<hbm>>, %arg3: memref<128x128xf32, #tpu.memory_space<hbm>>, %arg4: memref<632x128xf32, #tpu.memory_space<hbm>>, %arg5: memref<20224x128xf32, #tpu.memory_space<hbm>>, %arg6: memref<80x128xi32, #tpu.memory_space<vmem>>, %arg7: memref<128x128xf32, #tpu.memory_space<vmem>>, %arg8: memref<10112x128xf32, #tpu.memory_space<vmem_shared>>) attributes {dimension_semantics = [#tpu.dimension_semantics<core_parallel>, #tpu.dimension_semantics<subcore_parallel>], iteration_bounds = array<i64: 2, 16>, scalar_prefetch = 0 : i64, scratch_operands = 3 : i64, tpu.core_type = #tpu.core_type<sc_vector_subcore>, window_params = [{transform_indices = #map}, {transform_indices = #map}, {transform_indices = #map}, {transform_indices = #map}]} {
    %mul3A = arith.constant 16 : i32
    %mul3A_0 = arith.muli %arg0, %mul3A : i32
    %add3A = arith.addi %mul3A_0, %arg1 : i32
    %mul3A_1 = arith.constant 80 : i32
    %mul3A_2 = arith.muli %add3A, %mul3A_1 : i32
    "tpu.region"() ({
      %run_scoped3A = tpu.sem_alloc : memref<!tpu.dma_semaphore, #tpu.memory_space<semaphore_mem>>
      %dma_start3A = arith.constant 0 : i32
      %dma_start3A_18 = tpu.memref_slice %arg2[%mul3A_2, %dma_start3A] : memref<2560x128xi32, #tpu.memory_space<hbm>> -> memref<80x128xi32, #tpu.memory_space<hbm>>
      %dma_start3A_19 = arith.constant 0 : i32
      %dma_start3A_20 = tpu.memref_slice %arg2[%mul3A_2, %dma_start3A_19] : memref<2560x128xi32, #tpu.memory_space<hbm>> -> memref<80x128xi32, #tpu.memory_space<hbm>>
      tpu.enqueue_dma source(%dma_start3A_20 : memref<80x128xi32, #tpu.memory_space<hbm>>) target(%arg6 : memref<80x128xi32, #tpu.memory_space<vmem>>) target_semaphore(%run_scoped3A : memref<!tpu.dma_semaphore, #tpu.memory_space<semaphore_mem>>)
      %dma_wait3A = arith.constant 0 : i32
      %dma_wait3A_21 = tpu.memref_slice %arg2[%mul3A_2, %dma_wait3A] : memref<2560x128xi32, #tpu.memory_space<hbm>> -> memref<80x128xi32, #tpu.memory_space<hbm>>
      %dma_wait3A_22 = arith.constant 0 : i32
      %dma_wait3A_23 = tpu.memref_slice %arg2[%mul3A_2, %dma_wait3A_22] : memref<2560x128xi32, #tpu.memory_space<hbm>> -> memref<80x128xi32, #tpu.memory_space<hbm>>
      tpu.wait_dma2 semaphore(%run_scoped3A : memref<!tpu.dma_semaphore, #tpu.memory_space<semaphore_mem>>) src(%dma_wait3A_23 : memref<80x128xi32, #tpu.memory_space<hbm>>) dst(%arg6 : memref<80x128xi32, #tpu.memory_space<vmem>>)
      tpu.yield
    }) : () -> ()
    "tpu.region"() ({
      %run_scoped3A = tpu.sem_alloc : memref<!tpu.dma_semaphore, #tpu.memory_space<semaphore_mem>>
      tpu.enqueue_dma source(%arg3 : memref<128x128xf32, #tpu.memory_space<hbm>>) target(%arg7 : memref<128x128xf32, #tpu.memory_space<vmem>>) target_semaphore(%run_scoped3A : memref<!tpu.dma_semaphore, #tpu.memory_space<semaphore_mem>>)
      tpu.wait_dma2 semaphore(%run_scoped3A : memref<!tpu.dma_semaphore, #tpu.memory_space<semaphore_mem>>) src(%arg3 : memref<128x128xf32, #tpu.memory_space<hbm>>) dst(%arg7 : memref<128x128xf32, #tpu.memory_space<vmem>>)
      tpu.yield
    }) : () -> ()
    %mul3A_3 = arith.constant 632 : i32
    %mul3A_4 = arith.muli %arg1, %mul3A_3 : i32
    "tpu.region"() ({
      %run_scoped3A = tpu.sem_alloc : memref<!tpu.dma_semaphore, #tpu.memory_space<semaphore_mem>>
      %dma_start3A = arith.constant 0 : i32
      %dma_start3A_18 = tpu.memref_slice %arg8[%mul3A_4, %dma_start3A] : memref<10112x128xf32, #tpu.memory_space<vmem_shared>> -> memref<632x128xf32, #tpu.memory_space<vmem_shared>>
      tpu.enqueue_dma source(%arg4 : memref<632x128xf32, #tpu.memory_space<hbm>>) target(%dma_start3A_18 : memref<632x128xf32, #tpu.memory_space<vmem_shared>>) target_semaphore(%run_scoped3A : memref<!tpu.dma_semaphore, #tpu.memory_space<semaphore_mem>>)
      %dma_wait3A = arith.constant 0 : i32
      %dma_wait3A_19 = tpu.memref_slice %arg8[%mul3A_4, %dma_wait3A] : memref<10112x128xf32, #tpu.memory_space<vmem_shared>> -> memref<632x128xf32, #tpu.memory_space<vmem_shared>>
      tpu.wait_dma2 semaphore(%run_scoped3A : memref<!tpu.dma_semaphore, #tpu.memory_space<semaphore_mem>>) src(%arg4 : memref<632x128xf32, #tpu.memory_space<hbm>>) dst(%dma_wait3A_19 : memref<632x128xf32, #tpu.memory_space<vmem_shared>>)
      tpu.yield
    }) : () -> ()
    %barrier3A = arith.constant 0 : index
    tpu.barrier barrier_id(%barrier3A)
    %scan3A = arith.constant 0 : i32
    %scan3A_5 = arith.constant 0 : i32
    %scan3A_6 = arith.constant 80 : i32
    %scan3A_7 = arith.addi %scan3A_5, %scan3A_6 : i32
    %scan3A_8 = arith.constant 1 : i32
    scf.for %scan3A_18 = %scan3A_5 to %scan3A_7 step %scan3A_8  : i32 {
      "tpu.region"() ({
        %run_scoped3A = tpu.sem_alloc : memref<!tpu.dma_semaphore, #tpu.memory_space<semaphore_mem>>
        %dma_start3A = arith.constant 0 : i32
        %dma_start3A_19 = tpu.memref_slice %arg6[%scan3A_18, %dma_start3A] : memref<80x128xi32, #tpu.memory_space<vmem>> -> memref<1x128xi32, #tpu.memory_space<vmem>>
        %dma_start3A_20 = tpu.memref_squeeze %dma_start3A_19 : memref<1x128xi32, #tpu.memory_space<vmem>> -> memref<128xi32, #tpu.memory_space<vmem>>
        %dma_start3A_21 = arith.constant 0 : i32
        %dma_start3A_22 = arith.constant 0 : i32
        %dma_start3A_23 = tpu.memref_slice %arg8[%dma_start3A_21, %dma_start3A_22] : memref<10112x128xf32, #tpu.memory_space<vmem_shared>> -> memref<10112x128xf32, #tpu.memory_space<vmem_shared>>
        tpu.enqueue_indirect_dma source(%arg7 : memref<128x128xf32, #tpu.memory_space<vmem>>) target(%dma_start3A_23 : memref<10112x128xf32, #tpu.memory_space<vmem_shared>>) offsets(%dma_start3A_20 : memref<128xi32, #tpu.memory_space<vmem>>) semaphore(%run_scoped3A : memref<!tpu.dma_semaphore, #tpu.memory_space<semaphore_mem>>) {add = true}
        %dma_wait3A = arith.constant 0 : i32
        %dma_wait3A_24 = tpu.memref_slice %arg6[%scan3A_18, %dma_wait3A] : memref<80x128xi32, #tpu.memory_space<vmem>> -> memref<1x128xi32, #tpu.memory_space<vmem>>
        %dma_wait3A_25 = tpu.memref_squeeze %dma_wait3A_24 : memref<1x128xi32, #tpu.memory_space<vmem>> -> memref<128xi32, #tpu.memory_space<vmem>>
        %dma_wait3A_26 = arith.constant 0 : i32
        %dma_wait3A_27 = arith.constant 0 : i32
        %dma_wait3A_28 = tpu.memref_slice %arg8[%dma_wait3A_26, %dma_wait3A_27] : memref<10112x128xf32, #tpu.memory_space<vmem_shared>> -> memref<10112x128xf32, #tpu.memory_space<vmem_shared>>
        tpu.wait_indirect_dma semaphore(%run_scoped3A : memref<!tpu.dma_semaphore, #tpu.memory_space<semaphore_mem>>) src(%arg7 : memref<128x128xf32, #tpu.memory_space<vmem>>) dst(%dma_wait3A_28 : memref<10112x128xf32, #tpu.memory_space<vmem_shared>>)
        tpu.yield
      }) : () -> ()
    }
    %scan3A_9 = arith.constant 80 : i32
    %barrier3A_10 = arith.constant 0 : index
    tpu.barrier barrier_id(%barrier3A_10)
    %mul3A_11 = arith.constant 632 : i32
    %mul3A_12 = arith.muli %arg1, %mul3A_11 : i32
    %mul3A_13 = arith.constant 10112 : i32
    %mul3A_14 = arith.muli %arg0, %mul3A_13 : i32
    %mul3A_15 = arith.constant 632 : i32
    %mul3A_16 = arith.muli %arg1, %mul3A_15 : i32
    %add3A_17 = arith.addi %mul3A_14, %mul3A_16 : i32
    "tpu.region"() ({
      %run_scoped3A = tpu.sem_alloc : memref<!tpu.dma_semaphore, #tpu.memory_space<semaphore_mem>>
      %dma_start3A = arith.constant 0 : i32
      %dma_start3A_18 = tpu.memref_slice %arg5[%add3A_17, %dma_start3A] : memref<20224x128xf32, #tpu.memory_space<hbm>> -> memref<632x128xf32, #tpu.memory_space<hbm>>
      %dma_start3A_19 = arith.constant 0 : i32
      %dma_start3A_20 = tpu.memref_slice %arg8[%mul3A_12, %dma_start3A_19] : memref<10112x128xf32, #tpu.memory_space<vmem_shared>> -> memref<632x128xf32, #tpu.memory_space<vmem_shared>>
      tpu.enqueue_dma source(%dma_start3A_20 : memref<632x128xf32, #tpu.memory_space<vmem_shared>>) target(%dma_start3A_18 : memref<632x128xf32, #tpu.memory_space<hbm>>) target_semaphore(%run_scoped3A : memref<!tpu.dma_semaphore, #tpu.memory_space<semaphore_mem>>)
      %dma_wait3A = arith.constant 0 : i32
      %dma_wait3A_21 = tpu.memref_slice %arg5[%add3A_17, %dma_wait3A] : memref<20224x128xf32, #tpu.memory_space<hbm>> -> memref<632x128xf32, #tpu.memory_space<hbm>>
      %dma_wait3A_22 = arith.constant 0 : i32
      %dma_wait3A_23 = tpu.memref_slice %arg8[%mul3A_12, %dma_wait3A_22] : memref<10112x128xf32, #tpu.memory_space<vmem_shared>> -> memref<632x128xf32, #tpu.memory_space<vmem_shared>>
      tpu.wait_dma2 semaphore(%run_scoped3A : memref<!tpu.dma_semaphore, #tpu.memory_space<semaphore_mem>>) src(%dma_wait3A_23 : memref<632x128xf32, #tpu.memory_space<vmem_shared>>) dst(%dma_wait3A_21 : memref<632x128xf32, #tpu.memory_space<hbm>>)
      tpu.yield
    }) : () -> ()
    return
  }
}

#map = affine_map<(d0, d1) -> (0, 0)>
module attributes {stable_mosaic.version = 14 : i64} {
  func.func @_edge_scatter(%arg0: i32, %arg1: i32, %arg2: memref<10112x128xf32, #tpu.memory_space<hbm>>, %arg3: memref<2560x128xi32, #tpu.memory_space<hbm>>, %arg4: memref<2560x128xi32, #tpu.memory_space<hbm>>, %arg5: memref<632x128xf32, #tpu.memory_space<hbm>>, %arg6: memref<20224x128xf32, #tpu.memory_space<hbm>>, %arg7: memref<32x128xi32, #tpu.memory_space<vmem>>, %arg8: memref<32x128xi32, #tpu.memory_space<vmem>>, %arg9: memref<2x128x128xf32, #tpu.memory_space<vmem>>, %arg10: memref<10112x128xf32, #tpu.memory_space<vmem_shared>>, %arg11: memref<!tpu.dma_semaphore, #tpu.memory_space<semaphore_mem>>, %arg12: memref<!tpu.dma_semaphore, #tpu.memory_space<semaphore_mem>>) attributes {dimension_semantics = [#tpu.dimension_semantics<core_parallel>, #tpu.dimension_semantics<subcore_parallel>], iteration_bounds = array<i64: 2, 16>, scalar_prefetch = 0 : i64, scratch_operands = 6 : i64, tpu.core_type = #tpu.core_type<sc_vector_subcore>, window_params = [{transform_indices = #map}, {transform_indices = #map}, {transform_indices = #map}, {transform_indices = #map}, {transform_indices = #map}]} {
    %mul3A = arith.constant 632 : i32
    %mul3A_0 = arith.muli %arg1, %mul3A : i32
    "tpu.region"() ({
      %run_scoped3A = tpu.sem_alloc : memref<!tpu.dma_semaphore, #tpu.memory_space<semaphore_mem>>
      %dma_start3A = arith.constant 0 : i32
      %dma_start3A_30 = tpu.memref_slice %arg10[%mul3A_0, %dma_start3A] : memref<10112x128xf32, #tpu.memory_space<vmem_shared>> -> memref<632x128xf32, #tpu.memory_space<vmem_shared>>
      tpu.enqueue_dma source(%arg5 : memref<632x128xf32, #tpu.memory_space<hbm>>) target(%dma_start3A_30 : memref<632x128xf32, #tpu.memory_space<vmem_shared>>) target_semaphore(%run_scoped3A : memref<!tpu.dma_semaphore, #tpu.memory_space<semaphore_mem>>)
      %dma_wait3A = arith.constant 0 : i32
      %dma_wait3A_31 = tpu.memref_slice %arg10[%mul3A_0, %dma_wait3A] : memref<10112x128xf32, #tpu.memory_space<vmem_shared>> -> memref<632x128xf32, #tpu.memory_space<vmem_shared>>
      tpu.wait_dma2 semaphore(%run_scoped3A : memref<!tpu.dma_semaphore, #tpu.memory_space<semaphore_mem>>) src(%arg5 : memref<632x128xf32, #tpu.memory_space<hbm>>) dst(%dma_wait3A_31 : memref<632x128xf32, #tpu.memory_space<vmem_shared>>)
      tpu.yield
    }) : () -> ()
    %barrier3A = arith.constant 0 : index
    tpu.barrier barrier_id(%barrier3A)
    %eq3A = arith.constant 0 : i32
    %eq3A_1 = arith.cmpi eq, %arg0, %eq3A : i32
    %convert_element_type3A = arith.extui %eq3A_1 : i1 to i32
    %cond3A = arith.constant 0 : i32
    %cond3A_2 = arith.cmpi ne, %convert_element_type3A, %cond3A : i32
    scf.if %cond3A_2 {
      %mul3A_30 = arith.constant 128 : i32
      %mul3A_31 = arith.muli %arg1, %mul3A_30 : i32
      %add3A_32 = arith.constant 0 : i32
      %add3A_33 = arith.addi %mul3A_31, %add3A_32 : i32
      "tpu.region"() ({
        %run_scoped3A = tpu.sem_alloc : memref<!tpu.dma_semaphore, #tpu.memory_space<semaphore_mem>>
        %dma_start3A_97 = arith.constant 0 : i32
        %dma_start3A_98 = tpu.memref_slice %arg3[%add3A_33, %dma_start3A_97] : memref<2560x128xi32, #tpu.memory_space<hbm>> -> memref<32x128xi32, #tpu.memory_space<hbm>>
        %dma_start3A_99 = arith.constant 0 : i32
        %dma_start3A_100 = tpu.memref_slice %arg3[%add3A_33, %dma_start3A_99] : memref<2560x128xi32, #tpu.memory_space<hbm>> -> memref<32x128xi32, #tpu.memory_space<hbm>>
        tpu.enqueue_dma source(%dma_start3A_100 : memref<32x128xi32, #tpu.memory_space<hbm>>) target(%arg7 : memref<32x128xi32, #tpu.memory_space<vmem>>) target_semaphore(%run_scoped3A : memref<!tpu.dma_semaphore, #tpu.memory_space<semaphore_mem>>)
        %dma_wait3A_101 = arith.constant 0 : i32
        %dma_wait3A_102 = tpu.memref_slice %arg3[%add3A_33, %dma_wait3A_101] : memref<2560x128xi32, #tpu.memory_space<hbm>> -> memref<32x128xi32, #tpu.memory_space<hbm>>
        %dma_wait3A_103 = arith.constant 0 : i32
        %dma_wait3A_104 = tpu.memref_slice %arg3[%add3A_33, %dma_wait3A_103] : memref<2560x128xi32, #tpu.memory_space<hbm>> -> memref<32x128xi32, #tpu.memory_space<hbm>>
        tpu.wait_dma2 semaphore(%run_scoped3A : memref<!tpu.dma_semaphore, #tpu.memory_space<semaphore_mem>>) src(%dma_wait3A_104 : memref<32x128xi32, #tpu.memory_space<hbm>>) dst(%arg7 : memref<32x128xi32, #tpu.memory_space<vmem>>)
        tpu.yield
      }) : () -> ()
      "tpu.region"() ({
        %run_scoped3A = tpu.sem_alloc : memref<!tpu.dma_semaphore, #tpu.memory_space<semaphore_mem>>
        %dma_start3A_97 = arith.constant 0 : i32
        %dma_start3A_98 = tpu.memref_slice %arg4[%add3A_33, %dma_start3A_97] : memref<2560x128xi32, #tpu.memory_space<hbm>> -> memref<32x128xi32, #tpu.memory_space<hbm>>
        %dma_start3A_99 = arith.constant 0 : i32
        %dma_start3A_100 = tpu.memref_slice %arg4[%add3A_33, %dma_start3A_99] : memref<2560x128xi32, #tpu.memory_space<hbm>> -> memref<32x128xi32, #tpu.memory_space<hbm>>
        tpu.enqueue_dma source(%dma_start3A_100 : memref<32x128xi32, #tpu.memory_space<hbm>>) target(%arg8 : memref<32x128xi32, #tpu.memory_space<vmem>>) target_semaphore(%run_scoped3A : memref<!tpu.dma_semaphore, #tpu.memory_space<semaphore_mem>>)
        %dma_wait3A_101 = arith.constant 0 : i32
        %dma_wait3A_102 = tpu.memref_slice %arg4[%add3A_33, %dma_wait3A_101] : memref<2560x128xi32, #tpu.memory_space<hbm>> -> memref<32x128xi32, #tpu.memory_space<hbm>>
        %dma_wait3A_103 = arith.constant 0 : i32
        %dma_wait3A_104 = tpu.memref_slice %arg4[%add3A_33, %dma_wait3A_103] : memref<2560x128xi32, #tpu.memory_space<hbm>> -> memref<32x128xi32, #tpu.memory_space<hbm>>
        tpu.wait_dma2 semaphore(%run_scoped3A : memref<!tpu.dma_semaphore, #tpu.memory_space<semaphore_mem>>) src(%dma_wait3A_104 : memref<32x128xi32, #tpu.memory_space<hbm>>) dst(%arg8 : memref<32x128xi32, #tpu.memory_space<vmem>>)
        tpu.yield
      }) : () -> ()
      %dma_start3A = arith.constant 0 : i32
      %dma_start3A_34 = arith.constant 0 : i32
      %dma_start3A_35 = arith.constant 0 : i32
      %dma_start3A_36 = arith.constant 0 : i32
      %dma_start3A_37 = tpu.memref_slice %arg9[%dma_start3A_34, %dma_start3A_35, %dma_start3A_36] : memref<2x128x128xf32, #tpu.memory_space<vmem>> -> memref<1x128x128xf32, #tpu.memory_space<vmem>>
      %dma_start3A_38 = tpu.memref_squeeze %dma_start3A_37 : memref<1x128x128xf32, #tpu.memory_space<vmem>> -> memref<128x128xf32, #tpu.memory_space<vmem>>
      %dma_start3A_39 = arith.constant 0 : i32
      %dma_start3A_40 = tpu.memref_slice %arg7[%dma_start3A, %dma_start3A_39] : memref<32x128xi32, #tpu.memory_space<vmem>> -> memref<1x128xi32, #tpu.memory_space<vmem>>
      %dma_start3A_41 = tpu.memref_squeeze %dma_start3A_40 : memref<1x128xi32, #tpu.memory_space<vmem>> -> memref<128xi32, #tpu.memory_space<vmem>>
      %dma_start3A_42 = arith.constant 0 : i32
      %dma_start3A_43 = arith.constant 0 : i32
      %dma_start3A_44 = tpu.memref_slice %arg2[%dma_start3A_42, %dma_start3A_43] : memref<10112x128xf32, #tpu.memory_space<hbm>> -> memref<10112x128xf32, #tpu.memory_space<hbm>>
      tpu.enqueue_indirect_dma source(%dma_start3A_44 : memref<10112x128xf32, #tpu.memory_space<hbm>>) target(%dma_start3A_38 : memref<128x128xf32, #tpu.memory_space<vmem>>) offsets(%dma_start3A_41 : memref<128xi32, #tpu.memory_space<vmem>>) semaphore(%arg11 : memref<!tpu.dma_semaphore, #tpu.memory_space<semaphore_mem>>)
      %dma_wait3A = arith.constant 0 : i32
      %dma_wait3A_45 = arith.constant 0 : i32
      %dma_wait3A_46 = arith.constant 0 : i32
      %dma_wait3A_47 = arith.constant 0 : i32
      %dma_wait3A_48 = tpu.memref_slice %arg9[%dma_wait3A_45, %dma_wait3A_46, %dma_wait3A_47] : memref<2x128x128xf32, #tpu.memory_space<vmem>> -> memref<1x128x128xf32, #tpu.memory_space<vmem>>
      %dma_wait3A_49 = tpu.memref_squeeze %dma_wait3A_48 : memref<1x128x128xf32, #tpu.memory_space<vmem>> -> memref<128x128xf32, #tpu.memory_space<vmem>>
      %dma_wait3A_50 = arith.constant 0 : i32
      %dma_wait3A_51 = tpu.memref_slice %arg7[%dma_wait3A, %dma_wait3A_50] : memref<32x128xi32, #tpu.memory_space<vmem>> -> memref<1x128xi32, #tpu.memory_space<vmem>>
      %dma_wait3A_52 = tpu.memref_squeeze %dma_wait3A_51 : memref<1x128xi32, #tpu.memory_space<vmem>> -> memref<128xi32, #tpu.memory_space<vmem>>
      %dma_wait3A_53 = arith.constant 0 : i32
      %dma_wait3A_54 = arith.constant 0 : i32
      %dma_wait3A_55 = tpu.memref_slice %arg2[%dma_wait3A_53, %dma_wait3A_54] : memref<10112x128xf32, #tpu.memory_space<hbm>> -> memref<10112x128xf32, #tpu.memory_space<hbm>>
      tpu.wait_indirect_dma semaphore(%arg11 : memref<!tpu.dma_semaphore, #tpu.memory_space<semaphore_mem>>) src(%dma_wait3A_55 : memref<10112x128xf32, #tpu.memory_space<hbm>>) dst(%dma_wait3A_49 : memref<128x128xf32, #tpu.memory_space<vmem>>)
      %dma_start3A_56 = arith.constant 0 : i32
      %dma_start3A_57 = arith.constant 0 : i32
      %dma_start3A_58 = arith.constant 0 : i32
      %dma_start3A_59 = arith.constant 0 : i32
      %dma_start3A_60 = tpu.memref_slice %arg9[%dma_start3A_56, %dma_start3A_58, %dma_start3A_59] : memref<2x128x128xf32, #tpu.memory_space<vmem>> -> memref<1x128x128xf32, #tpu.memory_space<vmem>>
      %dma_start3A_61 = tpu.memref_squeeze %dma_start3A_60 : memref<1x128x128xf32, #tpu.memory_space<vmem>> -> memref<128x128xf32, #tpu.memory_space<vmem>>
      %dma_start3A_62 = arith.constant 0 : i32
      %dma_start3A_63 = tpu.memref_slice %arg8[%dma_start3A_57, %dma_start3A_62] : memref<32x128xi32, #tpu.memory_space<vmem>> -> memref<1x128xi32, #tpu.memory_space<vmem>>
      %dma_start3A_64 = tpu.memref_squeeze %dma_start3A_63 : memref<1x128xi32, #tpu.memory_space<vmem>> -> memref<128xi32, #tpu.memory_space<vmem>>
      %dma_start3A_65 = arith.constant 0 : i32
      %dma_start3A_66 = arith.constant 0 : i32
      %dma_start3A_67 = tpu.memref_slice %arg10[%dma_start3A_65, %dma_start3A_66] : memref<10112x128xf32, #tpu.memory_space<vmem_shared>> -> memref<10112x128xf32, #tpu.memory_space<vmem_shared>>
      tpu.enqueue_indirect_dma source(%dma_start3A_61 : memref<128x128xf32, #tpu.memory_space<vmem>>) target(%dma_start3A_67 : memref<10112x128xf32, #tpu.memory_space<vmem_shared>>) offsets(%dma_start3A_64 : memref<128xi32, #tpu.memory_space<vmem>>) semaphore(%arg12 : memref<!tpu.dma_semaphore, #tpu.memory_space<semaphore_mem>>) {add = true}
      %dma_start3A_68 = arith.constant 1 : i32
      %dma_start3A_69 = arith.constant 1 : i32
      %dma_start3A_70 = arith.constant 0 : i32
      %dma_start3A_71 = arith.constant 0 : i32
      %dma_start3A_72 = tpu.memref_slice %arg9[%dma_start3A_69, %dma_start3A_70, %dma_start3A_71] : memref<2x128x128xf32, #tpu.memory_space<vmem>> -> memref<1x128x128xf32, #tpu.memory_space<vmem>>
      %dma_start3A_73 = tpu.memref_squeeze %dma_start3A_72 : memref<1x128x128xf32, #tpu.memory_space<vmem>> -> memref<128x128xf32, #tpu.memory_space<vmem>>
      %dma_start3A_74 = arith.constant 0 : i32
      %dma_start3A_75 = tpu.memref_slice %arg7[%dma_start3A_68, %dma_start3A_74] : memref<32x128xi32, #tpu.memory_space<vmem>> -> memref<1x128xi32, #tpu.memory_space<vmem>>
      %dma_start3A_76 = tpu.memref_squeeze %dma_start3A_75 : memref<1x128xi32, #tpu.memory_space<vmem>> -> memref<128xi32, #tpu.memory_space<vmem>>
      %dma_start3A_77 = arith.constant 0 : i32
      %dma_start3A_78 = arith.constant 0 : i32
      %dma_start3A_79 = tpu.memref_slice %arg2[%dma_start3A_77, %dma_start3A_78] : memref<10112x128xf32, #tpu.memory_space<hbm>> -> memref<10112x128xf32, #tpu.memory_space<hbm>>
      tpu.enqueue_indirect_dma source(%dma_start3A_79 : memref<10112x128xf32, #tpu.memory_space<hbm>>) target(%dma_start3A_73 : memref<128x128xf32, #tpu.memory_space<vmem>>) offsets(%dma_start3A_76 : memref<128xi32, #tpu.memory_space<vmem>>) semaphore(%arg11 : memref<!tpu.dma_semaphore, #tpu.memory_space<semaphore_mem>>)
      %scan3A = arith.constant 0 : i32
      %scan3A_80 = arith.constant 1 : i32
      %scan3A_81 = arith.constant 31 : i32
      %scan3A_82 = arith.addi %scan3A_80, %scan3A_81 : i32
      %scan3A_83 = arith.constant 1 : i32
      scf.for %scan3A_97 = %scan3A_80 to %scan3A_82 step %scan3A_83  : i32 {
        %rem3A = arith.constant 2 : i32
        %rem3A_98 = arith.remsi %scan3A_97, %rem3A : i32
        %dma_wait3A_99 = arith.constant 0 : i32
        %dma_wait3A_100 = arith.constant 0 : i32
        %dma_wait3A_101 = tpu.memref_slice %arg9[%rem3A_98, %dma_wait3A_99, %dma_wait3A_100] : memref<2x128x128xf32, #tpu.memory_space<vmem>> -> memref<1x128x128xf32, #tpu.memory_space<vmem>>
        %dma_wait3A_102 = tpu.memref_squeeze %dma_wait3A_101 : memref<1x128x128xf32, #tpu.memory_space<vmem>> -> memref<128x128xf32, #tpu.memory_space<vmem>>
        %dma_wait3A_103 = arith.constant 0 : i32
        %dma_wait3A_104 = tpu.memref_slice %arg7[%scan3A_97, %dma_wait3A_103] : memref<32x128xi32, #tpu.memory_space<vmem>> -> memref<1x128xi32, #tpu.memory_space<vmem>>
        %dma_wait3A_105 = tpu.memref_squeeze %dma_wait3A_104 : memref<1x128xi32, #tpu.memory_space<vmem>> -> memref<128xi32, #tpu.memory_space<vmem>>
        %dma_wait3A_106 = arith.constant 0 : i32
        %dma_wait3A_107 = arith.constant 0 : i32
        %dma_wait3A_108 = tpu.memref_slice %arg2[%dma_wait3A_106, %dma_wait3A_107] : memref<10112x128xf32, #tpu.memory_space<hbm>> -> memref<10112x128xf32, #tpu.memory_space<hbm>>
        tpu.wait_indirect_dma semaphore(%arg11 : memref<!tpu.dma_semaphore, #tpu.memory_space<semaphore_mem>>) src(%dma_wait3A_108 : memref<10112x128xf32, #tpu.memory_space<hbm>>) dst(%dma_wait3A_102 : memref<128x128xf32, #tpu.memory_space<vmem>>)
        %dma_start3A_109 = arith.constant 0 : i32
        %dma_start3A_110 = arith.constant 0 : i32
        %dma_start3A_111 = tpu.memref_slice %arg9[%rem3A_98, %dma_start3A_109, %dma_start3A_110] : memref<2x128x128xf32, #tpu.memory_space<vmem>> -> memref<1x128x128xf32, #tpu.memory_space<vmem>>
        %dma_start3A_112 = tpu.memref_squeeze %dma_start3A_111 : memref<1x128x128xf32, #tpu.memory_space<vmem>> -> memref<128x128xf32, #tpu.memory_space<vmem>>
        %dma_start3A_113 = arith.constant 0 : i32
        %dma_start3A_114 = tpu.memref_slice %arg8[%scan3A_97, %dma_start3A_113] : memref<32x128xi32, #tpu.memory_space<vmem>> -> memref<1x128xi32, #tpu.memory_space<vmem>>
        %dma_start3A_115 = tpu.memref_squeeze %dma_start3A_114 : memref<1x128xi32, #tpu.memory_space<vmem>> -> memref<128xi32, #tpu.memory_space<vmem>>
        %dma_start3A_116 = arith.constant 0 : i32
        %dma_start3A_117 = arith.constant 0 : i32
        %dma_start3A_118 = tpu.memref_slice %arg10[%dma_start3A_116, %dma_start3A_117] : memref<10112x128xf32, #tpu.memory_space<vmem_shared>> -> memref<10112x128xf32, #tpu.memory_space<vmem_shared>>
        tpu.enqueue_indirect_dma source(%dma_start3A_112 : memref<128x128xf32, #tpu.memory_space<vmem>>) target(%dma_start3A_118 : memref<10112x128xf32, #tpu.memory_space<vmem_shared>>) offsets(%dma_start3A_115 : memref<128xi32, #tpu.memory_space<vmem>>) semaphore(%arg12 : memref<!tpu.dma_semaphore, #tpu.memory_space<semaphore_mem>>) {add = true}
        %sub3A = arith.constant 1 : i32
        %sub3A_119 = arith.subi %sub3A, %rem3A_98 : i32
        %dma_wait3A_120 = arith.constant 0 : i32
        %dma_wait3A_121 = arith.constant 0 : i32
        %dma_wait3A_122 = tpu.memref_slice %arg9[%sub3A_119, %dma_wait3A_120, %dma_wait3A_121] : memref<2x128x128xf32, #tpu.memory_space<vmem>> -> memref<1x128x128xf32, #tpu.memory_space<vmem>>
        %dma_wait3A_123 = tpu.memref_squeeze %dma_wait3A_122 : memref<1x128x128xf32, #tpu.memory_space<vmem>> -> memref<128x128xf32, #tpu.memory_space<vmem>>
        %dma_wait3A_124 = arith.constant 0 : i32
        %dma_wait3A_125 = tpu.memref_slice %arg8[%scan3A_97, %dma_wait3A_124] : memref<32x128xi32, #tpu.memory_space<vmem>> -> memref<1x128xi32, #tpu.memory_space<vmem>>
        %dma_wait3A_126 = tpu.memref_squeeze %dma_wait3A_125 : memref<1x128xi32, #tpu.memory_space<vmem>> -> memref<128xi32, #tpu.memory_space<vmem>>
        %dma_wait3A_127 = arith.constant 0 : i32
        %dma_wait3A_128 = arith.constant 0 : i32
        %dma_wait3A_129 = tpu.memref_slice %arg10[%dma_wait3A_127, %dma_wait3A_128] : memref<10112x128xf32, #tpu.memory_space<vmem_shared>> -> memref<10112x128xf32, #tpu.memory_space<vmem_shared>>
        tpu.wait_indirect_dma semaphore(%arg12 : memref<!tpu.dma_semaphore, #tpu.memory_space<semaphore_mem>>) src(%dma_wait3A_123 : memref<128x128xf32, #tpu.memory_space<vmem>>) dst(%dma_wait3A_129 : memref<10112x128xf32, #tpu.memory_space<vmem_shared>>)
        %lt3A = arith.constant 31 : i32
        %lt3A_130 = arith.cmpi slt, %scan3A_97, %lt3A : i32
        %convert_element_type3A_131 = arith.extui %lt3A_130 : i1 to i32
        %cond3A_132 = arith.constant 0 : i32
        %cond3A_133 = arith.cmpi ne, %convert_element_type3A_131, %cond3A_132 : i32
        scf.if %cond3A_133 {
          %add3A_134 = arith.constant 1 : i32
          %add3A_135 = arith.addi %scan3A_97, %add3A_134 : i32
          %sub3A_136 = arith.constant 1 : i32
          %sub3A_137 = arith.subi %sub3A_136, %rem3A_98 : i32
          %dma_start3A_138 = arith.constant 0 : i32
          %dma_start3A_139 = arith.constant 0 : i32
          %dma_start3A_140 = tpu.memref_slice %arg9[%sub3A_137, %dma_start3A_138, %dma_start3A_139] : memref<2x128x128xf32, #tpu.memory_space<vmem>> -> memref<1x128x128xf32, #tpu.memory_space<vmem>>
          %dma_start3A_141 = tpu.memref_squeeze %dma_start3A_140 : memref<1x128x128xf32, #tpu.memory_space<vmem>> -> memref<128x128xf32, #tpu.memory_space<vmem>>
          %dma_start3A_142 = arith.constant 0 : i32
          %dma_start3A_143 = tpu.memref_slice %arg7[%add3A_135, %dma_start3A_142] : memref<32x128xi32, #tpu.memory_space<vmem>> -> memref<1x128xi32, #tpu.memory_space<vmem>>
          %dma_start3A_144 = tpu.memref_squeeze %dma_start3A_143 : memref<1x128xi32, #tpu.memory_space<vmem>> -> memref<128xi32, #tpu.memory_space<vmem>>
          %dma_start3A_145 = arith.constant 0 : i32
          %dma_start3A_146 = arith.constant 0 : i32
          %dma_start3A_147 = tpu.memref_slice %arg2[%dma_start3A_145, %dma_start3A_146] : memref<10112x128xf32, #tpu.memory_space<hbm>> -> memref<10112x128xf32, #tpu.memory_space<hbm>>
          tpu.enqueue_indirect_dma source(%dma_start3A_147 : memref<10112x128xf32, #tpu.memory_space<hbm>>) target(%dma_start3A_141 : memref<128x128xf32, #tpu.memory_space<vmem>>) offsets(%dma_start3A_144 : memref<128xi32, #tpu.memory_space<vmem>>) semaphore(%arg11 : memref<!tpu.dma_semaphore, #tpu.memory_space<semaphore_mem>>)
        } else {
        }
      }
      %scan3A_84 = arith.constant 31 : i32
      %dma_wait3A_85 = arith.constant 0 : i32
      %dma_wait3A_86 = arith.constant 0 : i32
      %dma_wait3A_87 = arith.constant 0 : i32
      %dma_wait3A_88 = arith.constant 0 : i32
      %dma_wait3A_89 = tpu.memref_slice %arg9[%dma_wait3A_85, %dma_wait3A_87, %dma_wait3A_88] : memref<2x128x128xf32, #tpu.memory_space<vmem>> -> memref<1x128x128xf32, #tpu.memory_space<vmem>>
      %dma_wait3A_90 = tpu.memref_squeeze %dma_wait3A_89 : memref<1x128x128xf32, #tpu.memory_space<vmem>> -> memref<128x128xf32, #tpu.memory_space<vmem>>
      %dma_wait3A_91 = arith.constant 0 : i32
      %dma_wait3A_92 = tpu.memref_slice %arg8[%dma_wait3A_86, %dma_wait3A_91] : memref<32x128xi32, #tpu.memory_space<vmem>> -> memref<1x128xi32, #tpu.memory_space<vmem>>
      %dma_wait3A_93 = tpu.memref_squeeze %dma_wait3A_92 : memref<1x128xi32, #tpu.memory_space<vmem>> -> memref<128xi32, #tpu.memory_space<vmem>>
      %dma_wait3A_94 = arith.constant 0 : i32
      %dma_wait3A_95 = arith.constant 0 : i32
      %dma_wait3A_96 = tpu.memref_slice %arg10[%dma_wait3A_94, %dma_wait3A_95] : memref<10112x128xf32, #tpu.memory_space<vmem_shared>> -> memref<10112x128xf32, #tpu.memory_space<vmem_shared>>
      tpu.wait_indirect_dma semaphore(%arg12 : memref<!tpu.dma_semaphore, #tpu.memory_space<semaphore_mem>>) src(%dma_wait3A_90 : memref<128x128xf32, #tpu.memory_space<vmem>>) dst(%dma_wait3A_96 : memref<10112x128xf32, #tpu.memory_space<vmem_shared>>)
    } else {
    }
    %eq3A_3 = arith.constant 1 : i32
    %eq3A_4 = arith.cmpi eq, %arg0, %eq3A_3 : i32
    %convert_element_type3A_5 = arith.extui %eq3A_4 : i1 to i32
    %cond3A_6 = arith.constant 0 : i32
    %cond3A_7 = arith.cmpi ne, %convert_element_type3A_5, %cond3A_6 : i32
    scf.if %cond3A_7 {
      %mul3A_30 = arith.constant 32 : i32
      %mul3A_31 = arith.muli %arg1, %mul3A_30 : i32
      %add3A_32 = arith.constant 2048 : i32
      %add3A_33 = arith.addi %add3A_32, %mul3A_31 : i32
      %add3A_34 = arith.constant 0 : i32
      %add3A_35 = arith.addi %add3A_33, %add3A_34 : i32
      "tpu.region"() ({
        %run_scoped3A = tpu.sem_alloc : memref<!tpu.dma_semaphore, #tpu.memory_space<semaphore_mem>>
        %dma_start3A_99 = arith.constant 0 : i32
        %dma_start3A_100 = tpu.memref_slice %arg3[%add3A_35, %dma_start3A_99] : memref<2560x128xi32, #tpu.memory_space<hbm>> -> memref<32x128xi32, #tpu.memory_space<hbm>>
        %dma_start3A_101 = arith.constant 0 : i32
        %dma_start3A_102 = tpu.memref_slice %arg3[%add3A_35, %dma_start3A_101] : memref<2560x128xi32, #tpu.memory_space<hbm>> -> memref<32x128xi32, #tpu.memory_space<hbm>>
        tpu.enqueue_dma source(%dma_start3A_102 : memref<32x128xi32, #tpu.memory_space<hbm>>) target(%arg7 : memref<32x128xi32, #tpu.memory_space<vmem>>) target_semaphore(%run_scoped3A : memref<!tpu.dma_semaphore, #tpu.memory_space<semaphore_mem>>)
        %dma_wait3A_103 = arith.constant 0 : i32
        %dma_wait3A_104 = tpu.memref_slice %arg3[%add3A_35, %dma_wait3A_103] : memref<2560x128xi32, #tpu.memory_space<hbm>> -> memref<32x128xi32, #tpu.memory_space<hbm>>
        %dma_wait3A_105 = arith.constant 0 : i32
        %dma_wait3A_106 = tpu.memref_slice %arg3[%add3A_35, %dma_wait3A_105] : memref<2560x128xi32, #tpu.memory_space<hbm>> -> memref<32x128xi32, #tpu.memory_space<hbm>>
        tpu.wait_dma2 semaphore(%run_scoped3A : memref<!tpu.dma_semaphore, #tpu.memory_space<semaphore_mem>>) src(%dma_wait3A_106 : memref<32x128xi32, #tpu.memory_space<hbm>>) dst(%arg7 : memref<32x128xi32, #tpu.memory_space<vmem>>)
        tpu.yield
      }) : () -> ()
      "tpu.region"() ({
        %run_scoped3A = tpu.sem_alloc : memref<!tpu.dma_semaphore, #tpu.memory_space<semaphore_mem>>
        %dma_start3A_99 = arith.constant 0 : i32
        %dma_start3A_100 = tpu.memref_slice %arg4[%add3A_35, %dma_start3A_99] : memref<2560x128xi32, #tpu.memory_space<hbm>> -> memref<32x128xi32, #tpu.memory_space<hbm>>
        %dma_start3A_101 = arith.constant 0 : i32
        %dma_start3A_102 = tpu.memref_slice %arg4[%add3A_35, %dma_start3A_101] : memref<2560x128xi32, #tpu.memory_space<hbm>> -> memref<32x128xi32, #tpu.memory_space<hbm>>
        tpu.enqueue_dma source(%dma_start3A_102 : memref<32x128xi32, #tpu.memory_space<hbm>>) target(%arg8 : memref<32x128xi32, #tpu.memory_space<vmem>>) target_semaphore(%run_scoped3A : memref<!tpu.dma_semaphore, #tpu.memory_space<semaphore_mem>>)
        %dma_wait3A_103 = arith.constant 0 : i32
        %dma_wait3A_104 = tpu.memref_slice %arg4[%add3A_35, %dma_wait3A_103] : memref<2560x128xi32, #tpu.memory_space<hbm>> -> memref<32x128xi32, #tpu.memory_space<hbm>>
        %dma_wait3A_105 = arith.constant 0 : i32
        %dma_wait3A_106 = tpu.memref_slice %arg4[%add3A_35, %dma_wait3A_105] : memref<2560x128xi32, #tpu.memory_space<hbm>> -> memref<32x128xi32, #tpu.memory_space<hbm>>
        tpu.wait_dma2 semaphore(%run_scoped3A : memref<!tpu.dma_semaphore, #tpu.memory_space<semaphore_mem>>) src(%dma_wait3A_106 : memref<32x128xi32, #tpu.memory_space<hbm>>) dst(%arg8 : memref<32x128xi32, #tpu.memory_space<vmem>>)
        tpu.yield
      }) : () -> ()
      %dma_start3A = arith.constant 0 : i32
      %dma_start3A_36 = arith.constant 0 : i32
      %dma_start3A_37 = arith.constant 0 : i32
      %dma_start3A_38 = arith.constant 0 : i32
      %dma_start3A_39 = tpu.memref_slice %arg9[%dma_start3A_36, %dma_start3A_37, %dma_start3A_38] : memref<2x128x128xf32, #tpu.memory_space<vmem>> -> memref<1x128x128xf32, #tpu.memory_space<vmem>>
      %dma_start3A_40 = tpu.memref_squeeze %dma_start3A_39 : memref<1x128x128xf32, #tpu.memory_space<vmem>> -> memref<128x128xf32, #tpu.memory_space<vmem>>
      %dma_start3A_41 = arith.constant 0 : i32
      %dma_start3A_42 = tpu.memref_slice %arg7[%dma_start3A, %dma_start3A_41] : memref<32x128xi32, #tpu.memory_space<vmem>> -> memref<1x128xi32, #tpu.memory_space<vmem>>
      %dma_start3A_43 = tpu.memref_squeeze %dma_start3A_42 : memref<1x128xi32, #tpu.memory_space<vmem>> -> memref<128xi32, #tpu.memory_space<vmem>>
      %dma_start3A_44 = arith.constant 0 : i32
      %dma_start3A_45 = arith.constant 0 : i32
      %dma_start3A_46 = tpu.memref_slice %arg2[%dma_start3A_44, %dma_start3A_45] : memref<10112x128xf32, #tpu.memory_space<hbm>> -> memref<10112x128xf32, #tpu.memory_space<hbm>>
      tpu.enqueue_indirect_dma source(%dma_start3A_46 : memref<10112x128xf32, #tpu.memory_space<hbm>>) target(%dma_start3A_40 : memref<128x128xf32, #tpu.memory_space<vmem>>) offsets(%dma_start3A_43 : memref<128xi32, #tpu.memory_space<vmem>>) semaphore(%arg11 : memref<!tpu.dma_semaphore, #tpu.memory_space<semaphore_mem>>)
      %dma_wait3A = arith.constant 0 : i32
      %dma_wait3A_47 = arith.constant 0 : i32
      %dma_wait3A_48 = arith.constant 0 : i32
      %dma_wait3A_49 = arith.constant 0 : i32
      %dma_wait3A_50 = tpu.memref_slice %arg9[%dma_wait3A_47, %dma_wait3A_48, %dma_wait3A_49] : memref<2x128x128xf32, #tpu.memory_space<vmem>> -> memref<1x128x128xf32, #tpu.memory_space<vmem>>
      %dma_wait3A_51 = tpu.memref_squeeze %dma_wait3A_50 : memref<1x128x128xf32, #tpu.memory_space<vmem>> -> memref<128x128xf32, #tpu.memory_space<vmem>>
      %dma_wait3A_52 = arith.constant 0 : i32
      %dma_wait3A_53 = tpu.memref_slice %arg7[%dma_wait3A, %dma_wait3A_52] : memref<32x128xi32, #tpu.memory_space<vmem>> -> memref<1x128xi32, #tpu.memory_space<vmem>>
      %dma_wait3A_54 = tpu.memref_squeeze %dma_wait3A_53 : memref<1x128xi32, #tpu.memory_space<vmem>> -> memref<128xi32, #tpu.memory_space<vmem>>
      %dma_wait3A_55 = arith.constant 0 : i32
      %dma_wait3A_56 = arith.constant 0 : i32
      %dma_wait3A_57 = tpu.memref_slice %arg2[%dma_wait3A_55, %dma_wait3A_56] : memref<10112x128xf32, #tpu.memory_space<hbm>> -> memref<10112x128xf32, #tpu.memory_space<hbm>>
      tpu.wait_indirect_dma semaphore(%arg11 : memref<!tpu.dma_semaphore, #tpu.memory_space<semaphore_mem>>) src(%dma_wait3A_57 : memref<10112x128xf32, #tpu.memory_space<hbm>>) dst(%dma_wait3A_51 : memref<128x128xf32, #tpu.memory_space<vmem>>)
      %dma_start3A_58 = arith.constant 0 : i32
      %dma_start3A_59 = arith.constant 0 : i32
      %dma_start3A_60 = arith.constant 0 : i32
      %dma_start3A_61 = arith.constant 0 : i32
      %dma_start3A_62 = tpu.memref_slice %arg9[%dma_start3A_58, %dma_start3A_60, %dma_start3A_61] : memref<2x128x128xf32, #tpu.memory_space<vmem>> -> memref<1x128x128xf32, #tpu.memory_space<vmem>>
      %dma_start3A_63 = tpu.memref_squeeze %dma_start3A_62 : memref<1x128x128xf32, #tpu.memory_space<vmem>> -> memref<128x128xf32, #tpu.memory_space<vmem>>
      %dma_start3A_64 = arith.constant 0 : i32
      %dma_start3A_65 = tpu.memref_slice %arg8[%dma_start3A_59, %dma_start3A_64] : memref<32x128xi32, #tpu.memory_space<vmem>> -> memref<1x128xi32, #tpu.memory_space<vmem>>
      %dma_start3A_66 = tpu.memref_squeeze %dma_start3A_65 : memref<1x128xi32, #tpu.memory_space<vmem>> -> memref<128xi32, #tpu.memory_space<vmem>>
      %dma_start3A_67 = arith.constant 0 : i32
      %dma_start3A_68 = arith.constant 0 : i32
      %dma_start3A_69 = tpu.memref_slice %arg10[%dma_start3A_67, %dma_start3A_68] : memref<10112x128xf32, #tpu.memory_space<vmem_shared>> -> memref<10112x128xf32, #tpu.memory_space<vmem_shared>>
      tpu.enqueue_indirect_dma source(%dma_start3A_63 : memref<128x128xf32, #tpu.memory_space<vmem>>) target(%dma_start3A_69 : memref<10112x128xf32, #tpu.memory_space<vmem_shared>>) offsets(%dma_start3A_66 : memref<128xi32, #tpu.memory_space<vmem>>) semaphore(%arg12 : memref<!tpu.dma_semaphore, #tpu.memory_space<semaphore_mem>>) {add = true}
      %dma_start3A_70 = arith.constant 1 : i32
      %dma_start3A_71 = arith.constant 1 : i32
      %dma_start3A_72 = arith.constant 0 : i32
      %dma_start3A_73 = arith.constant 0 : i32
      %dma_start3A_74 = tpu.memref_slice %arg9[%dma_start3A_71, %dma_start3A_72, %dma_start3A_73] : memref<2x128x128xf32, #tpu.memory_space<vmem>> -> memref<1x128x128xf32, #tpu.memory_space<vmem>>
      %dma_start3A_75 = tpu.memref_squeeze %dma_start3A_74 : memref<1x128x128xf32, #tpu.memory_space<vmem>> -> memref<128x128xf32, #tpu.memory_space<vmem>>
      %dma_start3A_76 = arith.constant 0 : i32
      %dma_start3A_77 = tpu.memref_slice %arg7[%dma_start3A_70, %dma_start3A_76] : memref<32x128xi32, #tpu.memory_space<vmem>> -> memref<1x128xi32, #tpu.memory_space<vmem>>
      %dma_start3A_78 = tpu.memref_squeeze %dma_start3A_77 : memref<1x128xi32, #tpu.memory_space<vmem>> -> memref<128xi32, #tpu.memory_space<vmem>>
      %dma_start3A_79 = arith.constant 0 : i32
      %dma_start3A_80 = arith.constant 0 : i32
      %dma_start3A_81 = tpu.memref_slice %arg2[%dma_start3A_79, %dma_start3A_80] : memref<10112x128xf32, #tpu.memory_space<hbm>> -> memref<10112x128xf32, #tpu.memory_space<hbm>>
      tpu.enqueue_indirect_dma source(%dma_start3A_81 : memref<10112x128xf32, #tpu.memory_space<hbm>>) target(%dma_start3A_75 : memref<128x128xf32, #tpu.memory_space<vmem>>) offsets(%dma_start3A_78 : memref<128xi32, #tpu.memory_space<vmem>>) semaphore(%arg11 : memref<!tpu.dma_semaphore, #tpu.memory_space<semaphore_mem>>)
      %scan3A = arith.constant 0 : i32
      %scan3A_82 = arith.constant 1 : i32
      %scan3A_83 = arith.constant 31 : i32
      %scan3A_84 = arith.addi %scan3A_82, %scan3A_83 : i32
      %scan3A_85 = arith.constant 1 : i32
      scf.for %scan3A_99 = %scan3A_82 to %scan3A_84 step %scan3A_85  : i32 {
        %rem3A = arith.constant 2 : i32
        %rem3A_100 = arith.remsi %scan3A_99, %rem3A : i32
        %dma_wait3A_101 = arith.constant 0 : i32
        %dma_wait3A_102 = arith.constant 0 : i32
        %dma_wait3A_103 = tpu.memref_slice %arg9[%rem3A_100, %dma_wait3A_101, %dma_wait3A_102] : memref<2x128x128xf32, #tpu.memory_space<vmem>> -> memref<1x128x128xf32, #tpu.memory_space<vmem>>
        %dma_wait3A_104 = tpu.memref_squeeze %dma_wait3A_103 : memref<1x128x128xf32, #tpu.memory_space<vmem>> -> memref<128x128xf32, #tpu.memory_space<vmem>>
        %dma_wait3A_105 = arith.constant 0 : i32
        %dma_wait3A_106 = tpu.memref_slice %arg7[%scan3A_99, %dma_wait3A_105] : memref<32x128xi32, #tpu.memory_space<vmem>> -> memref<1x128xi32, #tpu.memory_space<vmem>>
        %dma_wait3A_107 = tpu.memref_squeeze %dma_wait3A_106 : memref<1x128xi32, #tpu.memory_space<vmem>> -> memref<128xi32, #tpu.memory_space<vmem>>
        %dma_wait3A_108 = arith.constant 0 : i32
        %dma_wait3A_109 = arith.constant 0 : i32
        %dma_wait3A_110 = tpu.memref_slice %arg2[%dma_wait3A_108, %dma_wait3A_109] : memref<10112x128xf32, #tpu.memory_space<hbm>> -> memref<10112x128xf32, #tpu.memory_space<hbm>>
        tpu.wait_indirect_dma semaphore(%arg11 : memref<!tpu.dma_semaphore, #tpu.memory_space<semaphore_mem>>) src(%dma_wait3A_110 : memref<10112x128xf32, #tpu.memory_space<hbm>>) dst(%dma_wait3A_104 : memref<128x128xf32, #tpu.memory_space<vmem>>)
        %dma_start3A_111 = arith.constant 0 : i32
        %dma_start3A_112 = arith.constant 0 : i32
        %dma_start3A_113 = tpu.memref_slice %arg9[%rem3A_100, %dma_start3A_111, %dma_start3A_112] : memref<2x128x128xf32, #tpu.memory_space<vmem>> -> memref<1x128x128xf32, #tpu.memory_space<vmem>>
        %dma_start3A_114 = tpu.memref_squeeze %dma_start3A_113 : memref<1x128x128xf32, #tpu.memory_space<vmem>> -> memref<128x128xf32, #tpu.memory_space<vmem>>
        %dma_start3A_115 = arith.constant 0 : i32
        %dma_start3A_116 = tpu.memref_slice %arg8[%scan3A_99, %dma_start3A_115] : memref<32x128xi32, #tpu.memory_space<vmem>> -> memref<1x128xi32, #tpu.memory_space<vmem>>
        %dma_start3A_117 = tpu.memref_squeeze %dma_start3A_116 : memref<1x128xi32, #tpu.memory_space<vmem>> -> memref<128xi32, #tpu.memory_space<vmem>>
        %dma_start3A_118 = arith.constant 0 : i32
        %dma_start3A_119 = arith.constant 0 : i32
        %dma_start3A_120 = tpu.memref_slice %arg10[%dma_start3A_118, %dma_start3A_119] : memref<10112x128xf32, #tpu.memory_space<vmem_shared>> -> memref<10112x128xf32, #tpu.memory_space<vmem_shared>>
        tpu.enqueue_indirect_dma source(%dma_start3A_114 : memref<128x128xf32, #tpu.memory_space<vmem>>) target(%dma_start3A_120 : memref<10112x128xf32, #tpu.memory_space<vmem_shared>>) offsets(%dma_start3A_117 : memref<128xi32, #tpu.memory_space<vmem>>) semaphore(%arg12 : memref<!tpu.dma_semaphore, #tpu.memory_space<semaphore_mem>>) {add = true}
        %sub3A = arith.constant 1 : i32
        %sub3A_121 = arith.subi %sub3A, %rem3A_100 : i32
        %dma_wait3A_122 = arith.constant 0 : i32
        %dma_wait3A_123 = arith.constant 0 : i32
        %dma_wait3A_124 = tpu.memref_slice %arg9[%sub3A_121, %dma_wait3A_122, %dma_wait3A_123] : memref<2x128x128xf32, #tpu.memory_space<vmem>> -> memref<1x128x128xf32, #tpu.memory_space<vmem>>
        %dma_wait3A_125 = tpu.memref_squeeze %dma_wait3A_124 : memref<1x128x128xf32, #tpu.memory_space<vmem>> -> memref<128x128xf32, #tpu.memory_space<vmem>>
        %dma_wait3A_126 = arith.constant 0 : i32
        %dma_wait3A_127 = tpu.memref_slice %arg8[%scan3A_99, %dma_wait3A_126] : memref<32x128xi32, #tpu.memory_space<vmem>> -> memref<1x128xi32, #tpu.memory_space<vmem>>
        %dma_wait3A_128 = tpu.memref_squeeze %dma_wait3A_127 : memref<1x128xi32, #tpu.memory_space<vmem>> -> memref<128xi32, #tpu.memory_space<vmem>>
        %dma_wait3A_129 = arith.constant 0 : i32
        %dma_wait3A_130 = arith.constant 0 : i32
        %dma_wait3A_131 = tpu.memref_slice %arg10[%dma_wait3A_129, %dma_wait3A_130] : memref<10112x128xf32, #tpu.memory_space<vmem_shared>> -> memref<10112x128xf32, #tpu.memory_space<vmem_shared>>
        tpu.wait_indirect_dma semaphore(%arg12 : memref<!tpu.dma_semaphore, #tpu.memory_space<semaphore_mem>>) src(%dma_wait3A_125 : memref<128x128xf32, #tpu.memory_space<vmem>>) dst(%dma_wait3A_131 : memref<10112x128xf32, #tpu.memory_space<vmem_shared>>)
        %lt3A = arith.constant 31 : i32
        %lt3A_132 = arith.cmpi slt, %scan3A_99, %lt3A : i32
        %convert_element_type3A_133 = arith.extui %lt3A_132 : i1 to i32
        %cond3A_134 = arith.constant 0 : i32
        %cond3A_135 = arith.cmpi ne, %convert_element_type3A_133, %cond3A_134 : i32
        scf.if %cond3A_135 {
          %add3A_136 = arith.constant 1 : i32
          %add3A_137 = arith.addi %scan3A_99, %add3A_136 : i32
          %sub3A_138 = arith.constant 1 : i32
          %sub3A_139 = arith.subi %sub3A_138, %rem3A_100 : i32
          %dma_start3A_140 = arith.constant 0 : i32
          %dma_start3A_141 = arith.constant 0 : i32
          %dma_start3A_142 = tpu.memref_slice %arg9[%sub3A_139, %dma_start3A_140, %dma_start3A_141] : memref<2x128x128xf32, #tpu.memory_space<vmem>> -> memref<1x128x128xf32, #tpu.memory_space<vmem>>
          %dma_start3A_143 = tpu.memref_squeeze %dma_start3A_142 : memref<1x128x128xf32, #tpu.memory_space<vmem>> -> memref<128x128xf32, #tpu.memory_space<vmem>>
          %dma_start3A_144 = arith.constant 0 : i32
          %dma_start3A_145 = tpu.memref_slice %arg7[%add3A_137, %dma_start3A_144] : memref<32x128xi32, #tpu.memory_space<vmem>> -> memref<1x128xi32, #tpu.memory_space<vmem>>
          %dma_start3A_146 = tpu.memref_squeeze %dma_start3A_145 : memref<1x128xi32, #tpu.memory_space<vmem>> -> memref<128xi32, #tpu.memory_space<vmem>>
          %dma_start3A_147 = arith.constant 0 : i32
          %dma_start3A_148 = arith.constant 0 : i32
          %dma_start3A_149 = tpu.memref_slice %arg2[%dma_start3A_147, %dma_start3A_148] : memref<10112x128xf32, #tpu.memory_space<hbm>> -> memref<10112x128xf32, #tpu.memory_space<hbm>>
          tpu.enqueue_indirect_dma source(%dma_start3A_149 : memref<10112x128xf32, #tpu.memory_space<hbm>>) target(%dma_start3A_143 : memref<128x128xf32, #tpu.memory_space<vmem>>) offsets(%dma_start3A_146 : memref<128xi32, #tpu.memory_space<vmem>>) semaphore(%arg11 : memref<!tpu.dma_semaphore, #tpu.memory_space<semaphore_mem>>)
        } else {
        }
      }
      %scan3A_86 = arith.constant 31 : i32
      %dma_wait3A_87 = arith.constant 0 : i32
      %dma_wait3A_88 = arith.constant 0 : i32
      %dma_wait3A_89 = arith.constant 0 : i32
      %dma_wait3A_90 = arith.constant 0 : i32
      %dma_wait3A_91 = tpu.memref_slice %arg9[%dma_wait3A_87, %dma_wait3A_89, %dma_wait3A_90] : memref<2x128x128xf32, #tpu.memory_space<vmem>> -> memref<1x128x128xf32, #tpu.memory_space<vmem>>
      %dma_wait3A_92 = tpu.memref_squeeze %dma_wait3A_91 : memref<1x128x128xf32, #tpu.memory_space<vmem>> -> memref<128x128xf32, #tpu.memory_space<vmem>>
      %dma_wait3A_93 = arith.constant 0 : i32
      %dma_wait3A_94 = tpu.memref_slice %arg8[%dma_wait3A_88, %dma_wait3A_93] : memref<32x128xi32, #tpu.memory_space<vmem>> -> memref<1x128xi32, #tpu.memory_space<vmem>>
      %dma_wait3A_95 = tpu.memref_squeeze %dma_wait3A_94 : memref<1x128xi32, #tpu.memory_space<vmem>> -> memref<128xi32, #tpu.memory_space<vmem>>
      %dma_wait3A_96 = arith.constant 0 : i32
      %dma_wait3A_97 = arith.constant 0 : i32
      %dma_wait3A_98 = tpu.memref_slice %arg10[%dma_wait3A_96, %dma_wait3A_97] : memref<10112x128xf32, #tpu.memory_space<vmem_shared>> -> memref<10112x128xf32, #tpu.memory_space<vmem_shared>>
      tpu.wait_indirect_dma semaphore(%arg12 : memref<!tpu.dma_semaphore, #tpu.memory_space<semaphore_mem>>) src(%dma_wait3A_92 : memref<128x128xf32, #tpu.memory_space<vmem>>) dst(%dma_wait3A_98 : memref<10112x128xf32, #tpu.memory_space<vmem_shared>>)
    } else {
    }
    %eq3A_8 = arith.constant 0 : i32
    %eq3A_9 = arith.cmpi eq, %arg0, %eq3A_8 : i32
    %convert_element_type3A_10 = arith.extui %eq3A_9 : i1 to i32
    %cond3A_11 = arith.constant 0 : i32
    %cond3A_12 = arith.cmpi ne, %convert_element_type3A_10, %cond3A_11 : i32
    scf.if %cond3A_12 {
      %mul3A_30 = arith.constant 128 : i32
      %mul3A_31 = arith.muli %arg1, %mul3A_30 : i32
      %add3A_32 = arith.constant 32 : i32
      %add3A_33 = arith.addi %mul3A_31, %add3A_32 : i32
      "tpu.region"() ({
        %run_scoped3A = tpu.sem_alloc : memref<!tpu.dma_semaphore, #tpu.memory_space<semaphore_mem>>
        %dma_start3A_97 = arith.constant 0 : i32
        %dma_start3A_98 = tpu.memref_slice %arg3[%add3A_33, %dma_start3A_97] : memref<2560x128xi32, #tpu.memory_space<hbm>> -> memref<32x128xi32, #tpu.memory_space<hbm>>
        %dma_start3A_99 = arith.constant 0 : i32
        %dma_start3A_100 = tpu.memref_slice %arg3[%add3A_33, %dma_start3A_99] : memref<2560x128xi32, #tpu.memory_space<hbm>> -> memref<32x128xi32, #tpu.memory_space<hbm>>
        tpu.enqueue_dma source(%dma_start3A_100 : memref<32x128xi32, #tpu.memory_space<hbm>>) target(%arg7 : memref<32x128xi32, #tpu.memory_space<vmem>>) target_semaphore(%run_scoped3A : memref<!tpu.dma_semaphore, #tpu.memory_space<semaphore_mem>>)
        %dma_wait3A_101 = arith.constant 0 : i32
        %dma_wait3A_102 = tpu.memref_slice %arg3[%add3A_33, %dma_wait3A_101] : memref<2560x128xi32, #tpu.memory_space<hbm>> -> memref<32x128xi32, #tpu.memory_space<hbm>>
        %dma_wait3A_103 = arith.constant 0 : i32
        %dma_wait3A_104 = tpu.memref_slice %arg3[%add3A_33, %dma_wait3A_103] : memref<2560x128xi32, #tpu.memory_space<hbm>> -> memref<32x128xi32, #tpu.memory_space<hbm>>
        tpu.wait_dma2 semaphore(%run_scoped3A : memref<!tpu.dma_semaphore, #tpu.memory_space<semaphore_mem>>) src(%dma_wait3A_104 : memref<32x128xi32, #tpu.memory_space<hbm>>) dst(%arg7 : memref<32x128xi32, #tpu.memory_space<vmem>>)
        tpu.yield
      }) : () -> ()
      "tpu.region"() ({
        %run_scoped3A = tpu.sem_alloc : memref<!tpu.dma_semaphore, #tpu.memory_space<semaphore_mem>>
        %dma_start3A_97 = arith.constant 0 : i32
        %dma_start3A_98 = tpu.memref_slice %arg4[%add3A_33, %dma_start3A_97] : memref<2560x128xi32, #tpu.memory_space<hbm>> -> memref<32x128xi32, #tpu.memory_space<hbm>>
        %dma_start3A_99 = arith.constant 0 : i32
        %dma_start3A_100 = tpu.memref_slice %arg4[%add3A_33, %dma_start3A_99] : memref<2560x128xi32, #tpu.memory_space<hbm>> -> memref<32x128xi32, #tpu.memory_space<hbm>>
        tpu.enqueue_dma source(%dma_start3A_100 : memref<32x128xi32, #tpu.memory_space<hbm>>) target(%arg8 : memref<32x128xi32, #tpu.memory_space<vmem>>) target_semaphore(%run_scoped3A : memref<!tpu.dma_semaphore, #tpu.memory_space<semaphore_mem>>)
        %dma_wait3A_101 = arith.constant 0 : i32
        %dma_wait3A_102 = tpu.memref_slice %arg4[%add3A_33, %dma_wait3A_101] : memref<2560x128xi32, #tpu.memory_space<hbm>> -> memref<32x128xi32, #tpu.memory_space<hbm>>
        %dma_wait3A_103 = arith.constant 0 : i32
        %dma_wait3A_104 = tpu.memref_slice %arg4[%add3A_33, %dma_wait3A_103] : memref<2560x128xi32, #tpu.memory_space<hbm>> -> memref<32x128xi32, #tpu.memory_space<hbm>>
        tpu.wait_dma2 semaphore(%run_scoped3A : memref<!tpu.dma_semaphore, #tpu.memory_space<semaphore_mem>>) src(%dma_wait3A_104 : memref<32x128xi32, #tpu.memory_space<hbm>>) dst(%arg8 : memref<32x128xi32, #tpu.memory_space<vmem>>)
        tpu.yield
      }) : () -> ()
      %dma_start3A = arith.constant 0 : i32
      %dma_start3A_34 = arith.constant 0 : i32
      %dma_start3A_35 = arith.constant 0 : i32
      %dma_start3A_36 = arith.constant 0 : i32
      %dma_start3A_37 = tpu.memref_slice %arg9[%dma_start3A_34, %dma_start3A_35, %dma_start3A_36] : memref<2x128x128xf32, #tpu.memory_space<vmem>> -> memref<1x128x128xf32, #tpu.memory_space<vmem>>
      %dma_start3A_38 = tpu.memref_squeeze %dma_start3A_37 : memref<1x128x128xf32, #tpu.memory_space<vmem>> -> memref<128x128xf32, #tpu.memory_space<vmem>>
      %dma_start3A_39 = arith.constant 0 : i32
      %dma_start3A_40 = tpu.memref_slice %arg7[%dma_start3A, %dma_start3A_39] : memref<32x128xi32, #tpu.memory_space<vmem>> -> memref<1x128xi32, #tpu.memory_space<vmem>>
      %dma_start3A_41 = tpu.memref_squeeze %dma_start3A_40 : memref<1x128xi32, #tpu.memory_space<vmem>> -> memref<128xi32, #tpu.memory_space<vmem>>
      %dma_start3A_42 = arith.constant 0 : i32
      %dma_start3A_43 = arith.constant 0 : i32
      %dma_start3A_44 = tpu.memref_slice %arg2[%dma_start3A_42, %dma_start3A_43] : memref<10112x128xf32, #tpu.memory_space<hbm>> -> memref<10112x128xf32, #tpu.memory_space<hbm>>
      tpu.enqueue_indirect_dma source(%dma_start3A_44 : memref<10112x128xf32, #tpu.memory_space<hbm>>) target(%dma_start3A_38 : memref<128x128xf32, #tpu.memory_space<vmem>>) offsets(%dma_start3A_41 : memref<128xi32, #tpu.memory_space<vmem>>) semaphore(%arg11 : memref<!tpu.dma_semaphore, #tpu.memory_space<semaphore_mem>>)
      %dma_wait3A = arith.constant 0 : i32
      %dma_wait3A_45 = arith.constant 0 : i32
      %dma_wait3A_46 = arith.constant 0 : i32
      %dma_wait3A_47 = arith.constant 0 : i32
      %dma_wait3A_48 = tpu.memref_slice %arg9[%dma_wait3A_45, %dma_wait3A_46, %dma_wait3A_47] : memref<2x128x128xf32, #tpu.memory_space<vmem>> -> memref<1x128x128xf32, #tpu.memory_space<vmem>>
      %dma_wait3A_49 = tpu.memref_squeeze %dma_wait3A_48 : memref<1x128x128xf32, #tpu.memory_space<vmem>> -> memref<128x128xf32, #tpu.memory_space<vmem>>
      %dma_wait3A_50 = arith.constant 0 : i32
      %dma_wait3A_51 = tpu.memref_slice %arg7[%dma_wait3A, %dma_wait3A_50] : memref<32x128xi32, #tpu.memory_space<vmem>> -> memref<1x128xi32, #tpu.memory_space<vmem>>
      %dma_wait3A_52 = tpu.memref_squeeze %dma_wait3A_51 : memref<1x128xi32, #tpu.memory_space<vmem>> -> memref<128xi32, #tpu.memory_space<vmem>>
      %dma_wait3A_53 = arith.constant 0 : i32
      %dma_wait3A_54 = arith.constant 0 : i32
      %dma_wait3A_55 = tpu.memref_slice %arg2[%dma_wait3A_53, %dma_wait3A_54] : memref<10112x128xf32, #tpu.memory_space<hbm>> -> memref<10112x128xf32, #tpu.memory_space<hbm>>
      tpu.wait_indirect_dma semaphore(%arg11 : memref<!tpu.dma_semaphore, #tpu.memory_space<semaphore_mem>>) src(%dma_wait3A_55 : memref<10112x128xf32, #tpu.memory_space<hbm>>) dst(%dma_wait3A_49 : memref<128x128xf32, #tpu.memory_space<vmem>>)
      %dma_start3A_56 = arith.constant 0 : i32
      %dma_start3A_57 = arith.constant 0 : i32
      %dma_start3A_58 = arith.constant 0 : i32
      %dma_start3A_59 = arith.constant 0 : i32
      %dma_start3A_60 = tpu.memref_slice %arg9[%dma_start3A_56, %dma_start3A_58, %dma_start3A_59] : memref<2x128x128xf32, #tpu.memory_space<vmem>> -> memref<1x128x128xf32, #tpu.memory_space<vmem>>
      %dma_start3A_61 = tpu.memref_squeeze %dma_start3A_60 : memref<1x128x128xf32, #tpu.memory_space<vmem>> -> memref<128x128xf32, #tpu.memory_space<vmem>>
      %dma_start3A_62 = arith.constant 0 : i32
      %dma_start3A_63 = tpu.memref_slice %arg8[%dma_start3A_57, %dma_start3A_62] : memref<32x128xi32, #tpu.memory_space<vmem>> -> memref<1x128xi32, #tpu.memory_space<vmem>>
      %dma_start3A_64 = tpu.memref_squeeze %dma_start3A_63 : memref<1x128xi32, #tpu.memory_space<vmem>> -> memref<128xi32, #tpu.memory_space<vmem>>
      %dma_start3A_65 = arith.constant 0 : i32
      %dma_start3A_66 = arith.constant 0 : i32
      %dma_start3A_67 = tpu.memref_slice %arg10[%dma_start3A_65, %dma_start3A_66] : memref<10112x128xf32, #tpu.memory_space<vmem_shared>> -> memref<10112x128xf32, #tpu.memory_space<vmem_shared>>
      tpu.enqueue_indirect_dma source(%dma_start3A_61 : memref<128x128xf32, #tpu.memory_space<vmem>>) target(%dma_start3A_67 : memref<10112x128xf32, #tpu.memory_space<vmem_shared>>) offsets(%dma_start3A_64 : memref<128xi32, #tpu.memory_space<vmem>>) semaphore(%arg12 : memref<!tpu.dma_semaphore, #tpu.memory_space<semaphore_mem>>) {add = true}
      %dma_start3A_68 = arith.constant 1 : i32
      %dma_start3A_69 = arith.constant 1 : i32
      %dma_start3A_70 = arith.constant 0 : i32
      %dma_start3A_71 = arith.constant 0 : i32
      %dma_start3A_72 = tpu.memref_slice %arg9[%dma_start3A_69, %dma_start3A_70, %dma_start3A_71] : memref<2x128x128xf32, #tpu.memory_space<vmem>> -> memref<1x128x128xf32, #tpu.memory_space<vmem>>
      %dma_start3A_73 = tpu.memref_squeeze %dma_start3A_72 : memref<1x128x128xf32, #tpu.memory_space<vmem>> -> memref<128x128xf32, #tpu.memory_space<vmem>>
      %dma_start3A_74 = arith.constant 0 : i32
      %dma_start3A_75 = tpu.memref_slice %arg7[%dma_start3A_68, %dma_start3A_74] : memref<32x128xi32, #tpu.memory_space<vmem>> -> memref<1x128xi32, #tpu.memory_space<vmem>>
      %dma_start3A_76 = tpu.memref_squeeze %dma_start3A_75 : memref<1x128xi32, #tpu.memory_space<vmem>> -> memref<128xi32, #tpu.memory_space<vmem>>
      %dma_start3A_77 = arith.constant 0 : i32
      %dma_start3A_78 = arith.constant 0 : i32
      %dma_start3A_79 = tpu.memref_slice %arg2[%dma_start3A_77, %dma_start3A_78] : memref<10112x128xf32, #tpu.memory_space<hbm>> -> memref<10112x128xf32, #tpu.memory_space<hbm>>
      tpu.enqueue_indirect_dma source(%dma_start3A_79 : memref<10112x128xf32, #tpu.memory_space<hbm>>) target(%dma_start3A_73 : memref<128x128xf32, #tpu.memory_space<vmem>>) offsets(%dma_start3A_76 : memref<128xi32, #tpu.memory_space<vmem>>) semaphore(%arg11 : memref<!tpu.dma_semaphore, #tpu.memory_space<semaphore_mem>>)
      %scan3A = arith.constant 0 : i32
      %scan3A_80 = arith.constant 1 : i32
      %scan3A_81 = arith.constant 31 : i32
      %scan3A_82 = arith.addi %scan3A_80, %scan3A_81 : i32
      %scan3A_83 = arith.constant 1 : i32
      scf.for %scan3A_97 = %scan3A_80 to %scan3A_82 step %scan3A_83  : i32 {
        %rem3A = arith.constant 2 : i32
        %rem3A_98 = arith.remsi %scan3A_97, %rem3A : i32
        %dma_wait3A_99 = arith.constant 0 : i32
        %dma_wait3A_100 = arith.constant 0 : i32
        %dma_wait3A_101 = tpu.memref_slice %arg9[%rem3A_98, %dma_wait3A_99, %dma_wait3A_100] : memref<2x128x128xf32, #tpu.memory_space<vmem>> -> memref<1x128x128xf32, #tpu.memory_space<vmem>>
        %dma_wait3A_102 = tpu.memref_squeeze %dma_wait3A_101 : memref<1x128x128xf32, #tpu.memory_space<vmem>> -> memref<128x128xf32, #tpu.memory_space<vmem>>
        %dma_wait3A_103 = arith.constant 0 : i32
        %dma_wait3A_104 = tpu.memref_slice %arg7[%scan3A_97, %dma_wait3A_103] : memref<32x128xi32, #tpu.memory_space<vmem>> -> memref<1x128xi32, #tpu.memory_space<vmem>>
        %dma_wait3A_105 = tpu.memref_squeeze %dma_wait3A_104 : memref<1x128xi32, #tpu.memory_space<vmem>> -> memref<128xi32, #tpu.memory_space<vmem>>
        %dma_wait3A_106 = arith.constant 0 : i32
        %dma_wait3A_107 = arith.constant 0 : i32
        %dma_wait3A_108 = tpu.memref_slice %arg2[%dma_wait3A_106, %dma_wait3A_107] : memref<10112x128xf32, #tpu.memory_space<hbm>> -> memref<10112x128xf32, #tpu.memory_space<hbm>>
        tpu.wait_indirect_dma semaphore(%arg11 : memref<!tpu.dma_semaphore, #tpu.memory_space<semaphore_mem>>) src(%dma_wait3A_108 : memref<10112x128xf32, #tpu.memory_space<hbm>>) dst(%dma_wait3A_102 : memref<128x128xf32, #tpu.memory_space<vmem>>)
        %dma_start3A_109 = arith.constant 0 : i32
        %dma_start3A_110 = arith.constant 0 : i32
        %dma_start3A_111 = tpu.memref_slice %arg9[%rem3A_98, %dma_start3A_109, %dma_start3A_110] : memref<2x128x128xf32, #tpu.memory_space<vmem>> -> memref<1x128x128xf32, #tpu.memory_space<vmem>>
        %dma_start3A_112 = tpu.memref_squeeze %dma_start3A_111 : memref<1x128x128xf32, #tpu.memory_space<vmem>> -> memref<128x128xf32, #tpu.memory_space<vmem>>
        %dma_start3A_113 = arith.constant 0 : i32
        %dma_start3A_114 = tpu.memref_slice %arg8[%scan3A_97, %dma_start3A_113] : memref<32x128xi32, #tpu.memory_space<vmem>> -> memref<1x128xi32, #tpu.memory_space<vmem>>
        %dma_start3A_115 = tpu.memref_squeeze %dma_start3A_114 : memref<1x128xi32, #tpu.memory_space<vmem>> -> memref<128xi32, #tpu.memory_space<vmem>>
        %dma_start3A_116 = arith.constant 0 : i32
        %dma_start3A_117 = arith.constant 0 : i32
        %dma_start3A_118 = tpu.memref_slice %arg10[%dma_start3A_116, %dma_start3A_117] : memref<10112x128xf32, #tpu.memory_space<vmem_shared>> -> memref<10112x128xf32, #tpu.memory_space<vmem_shared>>
        tpu.enqueue_indirect_dma source(%dma_start3A_112 : memref<128x128xf32, #tpu.memory_space<vmem>>) target(%dma_start3A_118 : memref<10112x128xf32, #tpu.memory_space<vmem_shared>>) offsets(%dma_start3A_115 : memref<128xi32, #tpu.memory_space<vmem>>) semaphore(%arg12 : memref<!tpu.dma_semaphore, #tpu.memory_space<semaphore_mem>>) {add = true}
        %sub3A = arith.constant 1 : i32
        %sub3A_119 = arith.subi %sub3A, %rem3A_98 : i32
        %dma_wait3A_120 = arith.constant 0 : i32
        %dma_wait3A_121 = arith.constant 0 : i32
        %dma_wait3A_122 = tpu.memref_slice %arg9[%sub3A_119, %dma_wait3A_120, %dma_wait3A_121] : memref<2x128x128xf32, #tpu.memory_space<vmem>> -> memref<1x128x128xf32, #tpu.memory_space<vmem>>
        %dma_wait3A_123 = tpu.memref_squeeze %dma_wait3A_122 : memref<1x128x128xf32, #tpu.memory_space<vmem>> -> memref<128x128xf32, #tpu.memory_space<vmem>>
        %dma_wait3A_124 = arith.constant 0 : i32
        %dma_wait3A_125 = tpu.memref_slice %arg8[%scan3A_97, %dma_wait3A_124] : memref<32x128xi32, #tpu.memory_space<vmem>> -> memref<1x128xi32, #tpu.memory_space<vmem>>
        %dma_wait3A_126 = tpu.memref_squeeze %dma_wait3A_125 : memref<1x128xi32, #tpu.memory_space<vmem>> -> memref<128xi32, #tpu.memory_space<vmem>>
        %dma_wait3A_127 = arith.constant 0 : i32
        %dma_wait3A_128 = arith.constant 0 : i32
        %dma_wait3A_129 = tpu.memref_slice %arg10[%dma_wait3A_127, %dma_wait3A_128] : memref<10112x128xf32, #tpu.memory_space<vmem_shared>> -> memref<10112x128xf32, #tpu.memory_space<vmem_shared>>
        tpu.wait_indirect_dma semaphore(%arg12 : memref<!tpu.dma_semaphore, #tpu.memory_space<semaphore_mem>>) src(%dma_wait3A_123 : memref<128x128xf32, #tpu.memory_space<vmem>>) dst(%dma_wait3A_129 : memref<10112x128xf32, #tpu.memory_space<vmem_shared>>)
        %lt3A = arith.constant 31 : i32
        %lt3A_130 = arith.cmpi slt, %scan3A_97, %lt3A : i32
        %convert_element_type3A_131 = arith.extui %lt3A_130 : i1 to i32
        %cond3A_132 = arith.constant 0 : i32
        %cond3A_133 = arith.cmpi ne, %convert_element_type3A_131, %cond3A_132 : i32
        scf.if %cond3A_133 {
          %add3A_134 = arith.constant 1 : i32
          %add3A_135 = arith.addi %scan3A_97, %add3A_134 : i32
          %sub3A_136 = arith.constant 1 : i32
          %sub3A_137 = arith.subi %sub3A_136, %rem3A_98 : i32
          %dma_start3A_138 = arith.constant 0 : i32
          %dma_start3A_139 = arith.constant 0 : i32
          %dma_start3A_140 = tpu.memref_slice %arg9[%sub3A_137, %dma_start3A_138, %dma_start3A_139] : memref<2x128x128xf32, #tpu.memory_space<vmem>> -> memref<1x128x128xf32, #tpu.memory_space<vmem>>
          %dma_start3A_141 = tpu.memref_squeeze %dma_start3A_140 : memref<1x128x128xf32, #tpu.memory_space<vmem>> -> memref<128x128xf32, #tpu.memory_space<vmem>>
          %dma_start3A_142 = arith.constant 0 : i32
          %dma_start3A_143 = tpu.memref_slice %arg7[%add3A_135, %dma_start3A_142] : memref<32x128xi32, #tpu.memory_space<vmem>> -> memref<1x128xi32, #tpu.memory_space<vmem>>
          %dma_start3A_144 = tpu.memref_squeeze %dma_start3A_143 : memref<1x128xi32, #tpu.memory_space<vmem>> -> memref<128xi32, #tpu.memory_space<vmem>>
          %dma_start3A_145 = arith.constant 0 : i32
          %dma_start3A_146 = arith.constant 0 : i32
          %dma_start3A_147 = tpu.memref_slice %arg2[%dma_start3A_145, %dma_start3A_146] : memref<10112x128xf32, #tpu.memory_space<hbm>> -> memref<10112x128xf32, #tpu.memory_space<hbm>>
          tpu.enqueue_indirect_dma source(%dma_start3A_147 : memref<10112x128xf32, #tpu.memory_space<hbm>>) target(%dma_start3A_141 : memref<128x128xf32, #tpu.memory_space<vmem>>) offsets(%dma_start3A_144 : memref<128xi32, #tpu.memory_space<vmem>>) semaphore(%arg11 : memref<!tpu.dma_semaphore, #tpu.memory_space<semaphore_mem>>)
        } else {
        }
      }
      %scan3A_84 = arith.constant 31 : i32
      %dma_wait3A_85 = arith.constant 0 : i32
      %dma_wait3A_86 = arith.constant 0 : i32
      %dma_wait3A_87 = arith.constant 0 : i32
      %dma_wait3A_88 = arith.constant 0 : i32
      %dma_wait3A_89 = tpu.memref_slice %arg9[%dma_wait3A_85, %dma_wait3A_87, %dma_wait3A_88] : memref<2x128x128xf32, #tpu.memory_space<vmem>> -> memref<1x128x128xf32, #tpu.memory_space<vmem>>
      %dma_wait3A_90 = tpu.memref_squeeze %dma_wait3A_89 : memref<1x128x128xf32, #tpu.memory_space<vmem>> -> memref<128x128xf32, #tpu.memory_space<vmem>>
      %dma_wait3A_91 = arith.constant 0 : i32
      %dma_wait3A_92 = tpu.memref_slice %arg8[%dma_wait3A_86, %dma_wait3A_91] : memref<32x128xi32, #tpu.memory_space<vmem>> -> memref<1x128xi32, #tpu.memory_space<vmem>>
      %dma_wait3A_93 = tpu.memref_squeeze %dma_wait3A_92 : memref<1x128xi32, #tpu.memory_space<vmem>> -> memref<128xi32, #tpu.memory_space<vmem>>
      %dma_wait3A_94 = arith.constant 0 : i32
      %dma_wait3A_95 = arith.constant 0 : i32
      %dma_wait3A_96 = tpu.memref_slice %arg10[%dma_wait3A_94, %dma_wait3A_95] : memref<10112x128xf32, #tpu.memory_space<vmem_shared>> -> memref<10112x128xf32, #tpu.memory_space<vmem_shared>>
      tpu.wait_indirect_dma semaphore(%arg12 : memref<!tpu.dma_semaphore, #tpu.memory_space<semaphore_mem>>) src(%dma_wait3A_90 : memref<128x128xf32, #tpu.memory_space<vmem>>) dst(%dma_wait3A_96 : memref<10112x128xf32, #tpu.memory_space<vmem_shared>>)
    } else {
    }
    %eq3A_13 = arith.constant 0 : i32
    %eq3A_14 = arith.cmpi eq, %arg0, %eq3A_13 : i32
    %convert_element_type3A_15 = arith.extui %eq3A_14 : i1 to i32
    %cond3A_16 = arith.constant 0 : i32
    %cond3A_17 = arith.cmpi ne, %convert_element_type3A_15, %cond3A_16 : i32
    scf.if %cond3A_17 {
      %mul3A_30 = arith.constant 128 : i32
      %mul3A_31 = arith.muli %arg1, %mul3A_30 : i32
      %add3A_32 = arith.constant 64 : i32
      %add3A_33 = arith.addi %mul3A_31, %add3A_32 : i32
      "tpu.region"() ({
        %run_scoped3A = tpu.sem_alloc : memref<!tpu.dma_semaphore, #tpu.memory_space<semaphore_mem>>
        %dma_start3A_97 = arith.constant 0 : i32
        %dma_start3A_98 = tpu.memref_slice %arg3[%add3A_33, %dma_start3A_97] : memref<2560x128xi32, #tpu.memory_space<hbm>> -> memref<32x128xi32, #tpu.memory_space<hbm>>
        %dma_start3A_99 = arith.constant 0 : i32
        %dma_start3A_100 = tpu.memref_slice %arg3[%add3A_33, %dma_start3A_99] : memref<2560x128xi32, #tpu.memory_space<hbm>> -> memref<32x128xi32, #tpu.memory_space<hbm>>
        tpu.enqueue_dma source(%dma_start3A_100 : memref<32x128xi32, #tpu.memory_space<hbm>>) target(%arg7 : memref<32x128xi32, #tpu.memory_space<vmem>>) target_semaphore(%run_scoped3A : memref<!tpu.dma_semaphore, #tpu.memory_space<semaphore_mem>>)
        %dma_wait3A_101 = arith.constant 0 : i32
        %dma_wait3A_102 = tpu.memref_slice %arg3[%add3A_33, %dma_wait3A_101] : memref<2560x128xi32, #tpu.memory_space<hbm>> -> memref<32x128xi32, #tpu.memory_space<hbm>>
        %dma_wait3A_103 = arith.constant 0 : i32
        %dma_wait3A_104 = tpu.memref_slice %arg3[%add3A_33, %dma_wait3A_103] : memref<2560x128xi32, #tpu.memory_space<hbm>> -> memref<32x128xi32, #tpu.memory_space<hbm>>
        tpu.wait_dma2 semaphore(%run_scoped3A : memref<!tpu.dma_semaphore, #tpu.memory_space<semaphore_mem>>) src(%dma_wait3A_104 : memref<32x128xi32, #tpu.memory_space<hbm>>) dst(%arg7 : memref<32x128xi32, #tpu.memory_space<vmem>>)
        tpu.yield
      }) : () -> ()
      "tpu.region"() ({
        %run_scoped3A = tpu.sem_alloc : memref<!tpu.dma_semaphore, #tpu.memory_space<semaphore_mem>>
        %dma_start3A_97 = arith.constant 0 : i32
        %dma_start3A_98 = tpu.memref_slice %arg4[%add3A_33, %dma_start3A_97] : memref<2560x128xi32, #tpu.memory_space<hbm>> -> memref<32x128xi32, #tpu.memory_space<hbm>>
        %dma_start3A_99 = arith.constant 0 : i32
        %dma_start3A_100 = tpu.memref_slice %arg4[%add3A_33, %dma_start3A_99] : memref<2560x128xi32, #tpu.memory_space<hbm>> -> memref<32x128xi32, #tpu.memory_space<hbm>>
        tpu.enqueue_dma source(%dma_start3A_100 : memref<32x128xi32, #tpu.memory_space<hbm>>) target(%arg8 : memref<32x128xi32, #tpu.memory_space<vmem>>) target_semaphore(%run_scoped3A : memref<!tpu.dma_semaphore, #tpu.memory_space<semaphore_mem>>)
        %dma_wait3A_101 = arith.constant 0 : i32
        %dma_wait3A_102 = tpu.memref_slice %arg4[%add3A_33, %dma_wait3A_101] : memref<2560x128xi32, #tpu.memory_space<hbm>> -> memref<32x128xi32, #tpu.memory_space<hbm>>
        %dma_wait3A_103 = arith.constant 0 : i32
        %dma_wait3A_104 = tpu.memref_slice %arg4[%add3A_33, %dma_wait3A_103] : memref<2560x128xi32, #tpu.memory_space<hbm>> -> memref<32x128xi32, #tpu.memory_space<hbm>>
        tpu.wait_dma2 semaphore(%run_scoped3A : memref<!tpu.dma_semaphore, #tpu.memory_space<semaphore_mem>>) src(%dma_wait3A_104 : memref<32x128xi32, #tpu.memory_space<hbm>>) dst(%arg8 : memref<32x128xi32, #tpu.memory_space<vmem>>)
        tpu.yield
      }) : () -> ()
      %dma_start3A = arith.constant 0 : i32
      %dma_start3A_34 = arith.constant 0 : i32
      %dma_start3A_35 = arith.constant 0 : i32
      %dma_start3A_36 = arith.constant 0 : i32
      %dma_start3A_37 = tpu.memref_slice %arg9[%dma_start3A_34, %dma_start3A_35, %dma_start3A_36] : memref<2x128x128xf32, #tpu.memory_space<vmem>> -> memref<1x128x128xf32, #tpu.memory_space<vmem>>
      %dma_start3A_38 = tpu.memref_squeeze %dma_start3A_37 : memref<1x128x128xf32, #tpu.memory_space<vmem>> -> memref<128x128xf32, #tpu.memory_space<vmem>>
      %dma_start3A_39 = arith.constant 0 : i32
      %dma_start3A_40 = tpu.memref_slice %arg7[%dma_start3A, %dma_start3A_39] : memref<32x128xi32, #tpu.memory_space<vmem>> -> memref<1x128xi32, #tpu.memory_space<vmem>>
      %dma_start3A_41 = tpu.memref_squeeze %dma_start3A_40 : memref<1x128xi32, #tpu.memory_space<vmem>> -> memref<128xi32, #tpu.memory_space<vmem>>
      %dma_start3A_42 = arith.constant 0 : i32
      %dma_start3A_43 = arith.constant 0 : i32
      %dma_start3A_44 = tpu.memref_slice %arg2[%dma_start3A_42, %dma_start3A_43] : memref<10112x128xf32, #tpu.memory_space<hbm>> -> memref<10112x128xf32, #tpu.memory_space<hbm>>
      tpu.enqueue_indirect_dma source(%dma_start3A_44 : memref<10112x128xf32, #tpu.memory_space<hbm>>) target(%dma_start3A_38 : memref<128x128xf32, #tpu.memory_space<vmem>>) offsets(%dma_start3A_41 : memref<128xi32, #tpu.memory_space<vmem>>) semaphore(%arg11 : memref<!tpu.dma_semaphore, #tpu.memory_space<semaphore_mem>>)
      %dma_wait3A = arith.constant 0 : i32
      %dma_wait3A_45 = arith.constant 0 : i32
      %dma_wait3A_46 = arith.constant 0 : i32
      %dma_wait3A_47 = arith.constant 0 : i32
      %dma_wait3A_48 = tpu.memref_slice %arg9[%dma_wait3A_45, %dma_wait3A_46, %dma_wait3A_47] : memref<2x128x128xf32, #tpu.memory_space<vmem>> -> memref<1x128x128xf32, #tpu.memory_space<vmem>>
      %dma_wait3A_49 = tpu.memref_squeeze %dma_wait3A_48 : memref<1x128x128xf32, #tpu.memory_space<vmem>> -> memref<128x128xf32, #tpu.memory_space<vmem>>
      %dma_wait3A_50 = arith.constant 0 : i32
      %dma_wait3A_51 = tpu.memref_slice %arg7[%dma_wait3A, %dma_wait3A_50] : memref<32x128xi32, #tpu.memory_space<vmem>> -> memref<1x128xi32, #tpu.memory_space<vmem>>
      %dma_wait3A_52 = tpu.memref_squeeze %dma_wait3A_51 : memref<1x128xi32, #tpu.memory_space<vmem>> -> memref<128xi32, #tpu.memory_space<vmem>>
      %dma_wait3A_53 = arith.constant 0 : i32
      %dma_wait3A_54 = arith.constant 0 : i32
      %dma_wait3A_55 = tpu.memref_slice %arg2[%dma_wait3A_53, %dma_wait3A_54] : memref<10112x128xf32, #tpu.memory_space<hbm>> -> memref<10112x128xf32, #tpu.memory_space<hbm>>
      tpu.wait_indirect_dma semaphore(%arg11 : memref<!tpu.dma_semaphore, #tpu.memory_space<semaphore_mem>>) src(%dma_wait3A_55 : memref<10112x128xf32, #tpu.memory_space<hbm>>) dst(%dma_wait3A_49 : memref<128x128xf32, #tpu.memory_space<vmem>>)
      %dma_start3A_56 = arith.constant 0 : i32
      %dma_start3A_57 = arith.constant 0 : i32
      %dma_start3A_58 = arith.constant 0 : i32
      %dma_start3A_59 = arith.constant 0 : i32
      %dma_start3A_60 = tpu.memref_slice %arg9[%dma_start3A_56, %dma_start3A_58, %dma_start3A_59] : memref<2x128x128xf32, #tpu.memory_space<vmem>> -> memref<1x128x128xf32, #tpu.memory_space<vmem>>
      %dma_start3A_61 = tpu.memref_squeeze %dma_start3A_60 : memref<1x128x128xf32, #tpu.memory_space<vmem>> -> memref<128x128xf32, #tpu.memory_space<vmem>>
      %dma_start3A_62 = arith.constant 0 : i32
      %dma_start3A_63 = tpu.memref_slice %arg8[%dma_start3A_57, %dma_start3A_62] : memref<32x128xi32, #tpu.memory_space<vmem>> -> memref<1x128xi32, #tpu.memory_space<vmem>>
      %dma_start3A_64 = tpu.memref_squeeze %dma_start3A_63 : memref<1x128xi32, #tpu.memory_space<vmem>> -> memref<128xi32, #tpu.memory_space<vmem>>
      %dma_start3A_65 = arith.constant 0 : i32
      %dma_start3A_66 = arith.constant 0 : i32
      %dma_start3A_67 = tpu.memref_slice %arg10[%dma_start3A_65, %dma_start3A_66] : memref<10112x128xf32, #tpu.memory_space<vmem_shared>> -> memref<10112x128xf32, #tpu.memory_space<vmem_shared>>
      tpu.enqueue_indirect_dma source(%dma_start3A_61 : memref<128x128xf32, #tpu.memory_space<vmem>>) target(%dma_start3A_67 : memref<10112x128xf32, #tpu.memory_space<vmem_shared>>) offsets(%dma_start3A_64 : memref<128xi32, #tpu.memory_space<vmem>>) semaphore(%arg12 : memref<!tpu.dma_semaphore, #tpu.memory_space<semaphore_mem>>) {add = true}
      %dma_start3A_68 = arith.constant 1 : i32
      %dma_start3A_69 = arith.constant 1 : i32
      %dma_start3A_70 = arith.constant 0 : i32
      %dma_start3A_71 = arith.constant 0 : i32
      %dma_start3A_72 = tpu.memref_slice %arg9[%dma_start3A_69, %dma_start3A_70, %dma_start3A_71] : memref<2x128x128xf32, #tpu.memory_space<vmem>> -> memref<1x128x128xf32, #tpu.memory_space<vmem>>
      %dma_start3A_73 = tpu.memref_squeeze %dma_start3A_72 : memref<1x128x128xf32, #tpu.memory_space<vmem>> -> memref<128x128xf32, #tpu.memory_space<vmem>>
      %dma_start3A_74 = arith.constant 0 : i32
      %dma_start3A_75 = tpu.memref_slice %arg7[%dma_start3A_68, %dma_start3A_74] : memref<32x128xi32, #tpu.memory_space<vmem>> -> memref<1x128xi32, #tpu.memory_space<vmem>>
      %dma_start3A_76 = tpu.memref_squeeze %dma_start3A_75 : memref<1x128xi32, #tpu.memory_space<vmem>> -> memref<128xi32, #tpu.memory_space<vmem>>
      %dma_start3A_77 = arith.constant 0 : i32
      %dma_start3A_78 = arith.constant 0 : i32
      %dma_start3A_79 = tpu.memref_slice %arg2[%dma_start3A_77, %dma_start3A_78] : memref<10112x128xf32, #tpu.memory_space<hbm>> -> memref<10112x128xf32, #tpu.memory_space<hbm>>
      tpu.enqueue_indirect_dma source(%dma_start3A_79 : memref<10112x128xf32, #tpu.memory_space<hbm>>) target(%dma_start3A_73 : memref<128x128xf32, #tpu.memory_space<vmem>>) offsets(%dma_start3A_76 : memref<128xi32, #tpu.memory_space<vmem>>) semaphore(%arg11 : memref<!tpu.dma_semaphore, #tpu.memory_space<semaphore_mem>>)
      %scan3A = arith.constant 0 : i32
      %scan3A_80 = arith.constant 1 : i32
      %scan3A_81 = arith.constant 31 : i32
      %scan3A_82 = arith.addi %scan3A_80, %scan3A_81 : i32
      %scan3A_83 = arith.constant 1 : i32
      scf.for %scan3A_97 = %scan3A_80 to %scan3A_82 step %scan3A_83  : i32 {
        %rem3A = arith.constant 2 : i32
        %rem3A_98 = arith.remsi %scan3A_97, %rem3A : i32
        %dma_wait3A_99 = arith.constant 0 : i32
        %dma_wait3A_100 = arith.constant 0 : i32
        %dma_wait3A_101 = tpu.memref_slice %arg9[%rem3A_98, %dma_wait3A_99, %dma_wait3A_100] : memref<2x128x128xf32, #tpu.memory_space<vmem>> -> memref<1x128x128xf32, #tpu.memory_space<vmem>>
        %dma_wait3A_102 = tpu.memref_squeeze %dma_wait3A_101 : memref<1x128x128xf32, #tpu.memory_space<vmem>> -> memref<128x128xf32, #tpu.memory_space<vmem>>
        %dma_wait3A_103 = arith.constant 0 : i32
        %dma_wait3A_104 = tpu.memref_slice %arg7[%scan3A_97, %dma_wait3A_103] : memref<32x128xi32, #tpu.memory_space<vmem>> -> memref<1x128xi32, #tpu.memory_space<vmem>>
        %dma_wait3A_105 = tpu.memref_squeeze %dma_wait3A_104 : memref<1x128xi32, #tpu.memory_space<vmem>> -> memref<128xi32, #tpu.memory_space<vmem>>
        %dma_wait3A_106 = arith.constant 0 : i32
        %dma_wait3A_107 = arith.constant 0 : i32
        %dma_wait3A_108 = tpu.memref_slice %arg2[%dma_wait3A_106, %dma_wait3A_107] : memref<10112x128xf32, #tpu.memory_space<hbm>> -> memref<10112x128xf32, #tpu.memory_space<hbm>>
        tpu.wait_indirect_dma semaphore(%arg11 : memref<!tpu.dma_semaphore, #tpu.memory_space<semaphore_mem>>) src(%dma_wait3A_108 : memref<10112x128xf32, #tpu.memory_space<hbm>>) dst(%dma_wait3A_102 : memref<128x128xf32, #tpu.memory_space<vmem>>)
        %dma_start3A_109 = arith.constant 0 : i32
        %dma_start3A_110 = arith.constant 0 : i32
        %dma_start3A_111 = tpu.memref_slice %arg9[%rem3A_98, %dma_start3A_109, %dma_start3A_110] : memref<2x128x128xf32, #tpu.memory_space<vmem>> -> memref<1x128x128xf32, #tpu.memory_space<vmem>>
        %dma_start3A_112 = tpu.memref_squeeze %dma_start3A_111 : memref<1x128x128xf32, #tpu.memory_space<vmem>> -> memref<128x128xf32, #tpu.memory_space<vmem>>
        %dma_start3A_113 = arith.constant 0 : i32
        %dma_start3A_114 = tpu.memref_slice %arg8[%scan3A_97, %dma_start3A_113] : memref<32x128xi32, #tpu.memory_space<vmem>> -> memref<1x128xi32, #tpu.memory_space<vmem>>
        %dma_start3A_115 = tpu.memref_squeeze %dma_start3A_114 : memref<1x128xi32, #tpu.memory_space<vmem>> -> memref<128xi32, #tpu.memory_space<vmem>>
        %dma_start3A_116 = arith.constant 0 : i32
        %dma_start3A_117 = arith.constant 0 : i32
        %dma_start3A_118 = tpu.memref_slice %arg10[%dma_start3A_116, %dma_start3A_117] : memref<10112x128xf32, #tpu.memory_space<vmem_shared>> -> memref<10112x128xf32, #tpu.memory_space<vmem_shared>>
        tpu.enqueue_indirect_dma source(%dma_start3A_112 : memref<128x128xf32, #tpu.memory_space<vmem>>) target(%dma_start3A_118 : memref<10112x128xf32, #tpu.memory_space<vmem_shared>>) offsets(%dma_start3A_115 : memref<128xi32, #tpu.memory_space<vmem>>) semaphore(%arg12 : memref<!tpu.dma_semaphore, #tpu.memory_space<semaphore_mem>>) {add = true}
        %sub3A = arith.constant 1 : i32
        %sub3A_119 = arith.subi %sub3A, %rem3A_98 : i32
        %dma_wait3A_120 = arith.constant 0 : i32
        %dma_wait3A_121 = arith.constant 0 : i32
        %dma_wait3A_122 = tpu.memref_slice %arg9[%sub3A_119, %dma_wait3A_120, %dma_wait3A_121] : memref<2x128x128xf32, #tpu.memory_space<vmem>> -> memref<1x128x128xf32, #tpu.memory_space<vmem>>
        %dma_wait3A_123 = tpu.memref_squeeze %dma_wait3A_122 : memref<1x128x128xf32, #tpu.memory_space<vmem>> -> memref<128x128xf32, #tpu.memory_space<vmem>>
        %dma_wait3A_124 = arith.constant 0 : i32
        %dma_wait3A_125 = tpu.memref_slice %arg8[%scan3A_97, %dma_wait3A_124] : memref<32x128xi32, #tpu.memory_space<vmem>> -> memref<1x128xi32, #tpu.memory_space<vmem>>
        %dma_wait3A_126 = tpu.memref_squeeze %dma_wait3A_125 : memref<1x128xi32, #tpu.memory_space<vmem>> -> memref<128xi32, #tpu.memory_space<vmem>>
        %dma_wait3A_127 = arith.constant 0 : i32
        %dma_wait3A_128 = arith.constant 0 : i32
        %dma_wait3A_129 = tpu.memref_slice %arg10[%dma_wait3A_127, %dma_wait3A_128] : memref<10112x128xf32, #tpu.memory_space<vmem_shared>> -> memref<10112x128xf32, #tpu.memory_space<vmem_shared>>
        tpu.wait_indirect_dma semaphore(%arg12 : memref<!tpu.dma_semaphore, #tpu.memory_space<semaphore_mem>>) src(%dma_wait3A_123 : memref<128x128xf32, #tpu.memory_space<vmem>>) dst(%dma_wait3A_129 : memref<10112x128xf32, #tpu.memory_space<vmem_shared>>)
        %lt3A = arith.constant 31 : i32
        %lt3A_130 = arith.cmpi slt, %scan3A_97, %lt3A : i32
        %convert_element_type3A_131 = arith.extui %lt3A_130 : i1 to i32
        %cond3A_132 = arith.constant 0 : i32
        %cond3A_133 = arith.cmpi ne, %convert_element_type3A_131, %cond3A_132 : i32
        scf.if %cond3A_133 {
          %add3A_134 = arith.constant 1 : i32
          %add3A_135 = arith.addi %scan3A_97, %add3A_134 : i32
          %sub3A_136 = arith.constant 1 : i32
          %sub3A_137 = arith.subi %sub3A_136, %rem3A_98 : i32
          %dma_start3A_138 = arith.constant 0 : i32
          %dma_start3A_139 = arith.constant 0 : i32
          %dma_start3A_140 = tpu.memref_slice %arg9[%sub3A_137, %dma_start3A_138, %dma_start3A_139] : memref<2x128x128xf32, #tpu.memory_space<vmem>> -> memref<1x128x128xf32, #tpu.memory_space<vmem>>
          %dma_start3A_141 = tpu.memref_squeeze %dma_start3A_140 : memref<1x128x128xf32, #tpu.memory_space<vmem>> -> memref<128x128xf32, #tpu.memory_space<vmem>>
          %dma_start3A_142 = arith.constant 0 : i32
          %dma_start3A_143 = tpu.memref_slice %arg7[%add3A_135, %dma_start3A_142] : memref<32x128xi32, #tpu.memory_space<vmem>> -> memref<1x128xi32, #tpu.memory_space<vmem>>
          %dma_start3A_144 = tpu.memref_squeeze %dma_start3A_143 : memref<1x128xi32, #tpu.memory_space<vmem>> -> memref<128xi32, #tpu.memory_space<vmem>>
          %dma_start3A_145 = arith.constant 0 : i32
          %dma_start3A_146 = arith.constant 0 : i32
          %dma_start3A_147 = tpu.memref_slice %arg2[%dma_start3A_145, %dma_start3A_146] : memref<10112x128xf32, #tpu.memory_space<hbm>> -> memref<10112x128xf32, #tpu.memory_space<hbm>>
          tpu.enqueue_indirect_dma source(%dma_start3A_147 : memref<10112x128xf32, #tpu.memory_space<hbm>>) target(%dma_start3A_141 : memref<128x128xf32, #tpu.memory_space<vmem>>) offsets(%dma_start3A_144 : memref<128xi32, #tpu.memory_space<vmem>>) semaphore(%arg11 : memref<!tpu.dma_semaphore, #tpu.memory_space<semaphore_mem>>)
        } else {
        }
      }
      %scan3A_84 = arith.constant 31 : i32
      %dma_wait3A_85 = arith.constant 0 : i32
      %dma_wait3A_86 = arith.constant 0 : i32
      %dma_wait3A_87 = arith.constant 0 : i32
      %dma_wait3A_88 = arith.constant 0 : i32
      %dma_wait3A_89 = tpu.memref_slice %arg9[%dma_wait3A_85, %dma_wait3A_87, %dma_wait3A_88] : memref<2x128x128xf32, #tpu.memory_space<vmem>> -> memref<1x128x128xf32, #tpu.memory_space<vmem>>
      %dma_wait3A_90 = tpu.memref_squeeze %dma_wait3A_89 : memref<1x128x128xf32, #tpu.memory_space<vmem>> -> memref<128x128xf32, #tpu.memory_space<vmem>>
      %dma_wait3A_91 = arith.constant 0 : i32
      %dma_wait3A_92 = tpu.memref_slice %arg8[%dma_wait3A_86, %dma_wait3A_91] : memref<32x128xi32, #tpu.memory_space<vmem>> -> memref<1x128xi32, #tpu.memory_space<vmem>>
      %dma_wait3A_93 = tpu.memref_squeeze %dma_wait3A_92 : memref<1x128xi32, #tpu.memory_space<vmem>> -> memref<128xi32, #tpu.memory_space<vmem>>
      %dma_wait3A_94 = arith.constant 0 : i32
      %dma_wait3A_95 = arith.constant 0 : i32
      %dma_wait3A_96 = tpu.memref_slice %arg10[%dma_wait3A_94, %dma_wait3A_95] : memref<10112x128xf32, #tpu.memory_space<vmem_shared>> -> memref<10112x128xf32, #tpu.memory_space<vmem_shared>>
      tpu.wait_indirect_dma semaphore(%arg12 : memref<!tpu.dma_semaphore, #tpu.memory_space<semaphore_mem>>) src(%dma_wait3A_90 : memref<128x128xf32, #tpu.memory_space<vmem>>) dst(%dma_wait3A_96 : memref<10112x128xf32, #tpu.memory_space<vmem_shared>>)
    } else {
    }
    %eq3A_18 = arith.constant 0 : i32
    %eq3A_19 = arith.cmpi eq, %arg0, %eq3A_18 : i32
    %convert_element_type3A_20 = arith.extui %eq3A_19 : i1 to i32
    %cond3A_21 = arith.constant 0 : i32
    %cond3A_22 = arith.cmpi ne, %convert_element_type3A_20, %cond3A_21 : i32
    scf.if %cond3A_22 {
      %mul3A_30 = arith.constant 128 : i32
      %mul3A_31 = arith.muli %arg1, %mul3A_30 : i32
      %add3A_32 = arith.constant 96 : i32
      %add3A_33 = arith.addi %mul3A_31, %add3A_32 : i32
      "tpu.region"() ({
        %run_scoped3A = tpu.sem_alloc : memref<!tpu.dma_semaphore, #tpu.memory_space<semaphore_mem>>
        %dma_start3A_97 = arith.constant 0 : i32
        %dma_start3A_98 = tpu.memref_slice %arg3[%add3A_33, %dma_start3A_97] : memref<2560x128xi32, #tpu.memory_space<hbm>> -> memref<32x128xi32, #tpu.memory_space<hbm>>
        %dma_start3A_99 = arith.constant 0 : i32
        %dma_start3A_100 = tpu.memref_slice %arg3[%add3A_33, %dma_start3A_99] : memref<2560x128xi32, #tpu.memory_space<hbm>> -> memref<32x128xi32, #tpu.memory_space<hbm>>
        tpu.enqueue_dma source(%dma_start3A_100 : memref<32x128xi32, #tpu.memory_space<hbm>>) target(%arg7 : memref<32x128xi32, #tpu.memory_space<vmem>>) target_semaphore(%run_scoped3A : memref<!tpu.dma_semaphore, #tpu.memory_space<semaphore_mem>>)
        %dma_wait3A_101 = arith.constant 0 : i32
        %dma_wait3A_102 = tpu.memref_slice %arg3[%add3A_33, %dma_wait3A_101] : memref<2560x128xi32, #tpu.memory_space<hbm>> -> memref<32x128xi32, #tpu.memory_space<hbm>>
        %dma_wait3A_103 = arith.constant 0 : i32
        %dma_wait3A_104 = tpu.memref_slice %arg3[%add3A_33, %dma_wait3A_103] : memref<2560x128xi32, #tpu.memory_space<hbm>> -> memref<32x128xi32, #tpu.memory_space<hbm>>
        tpu.wait_dma2 semaphore(%run_scoped3A : memref<!tpu.dma_semaphore, #tpu.memory_space<semaphore_mem>>) src(%dma_wait3A_104 : memref<32x128xi32, #tpu.memory_space<hbm>>) dst(%arg7 : memref<32x128xi32, #tpu.memory_space<vmem>>)
        tpu.yield
      }) : () -> ()
      "tpu.region"() ({
        %run_scoped3A = tpu.sem_alloc : memref<!tpu.dma_semaphore, #tpu.memory_space<semaphore_mem>>
        %dma_start3A_97 = arith.constant 0 : i32
        %dma_start3A_98 = tpu.memref_slice %arg4[%add3A_33, %dma_start3A_97] : memref<2560x128xi32, #tpu.memory_space<hbm>> -> memref<32x128xi32, #tpu.memory_space<hbm>>
        %dma_start3A_99 = arith.constant 0 : i32
        %dma_start3A_100 = tpu.memref_slice %arg4[%add3A_33, %dma_start3A_99] : memref<2560x128xi32, #tpu.memory_space<hbm>> -> memref<32x128xi32, #tpu.memory_space<hbm>>
        tpu.enqueue_dma source(%dma_start3A_100 : memref<32x128xi32, #tpu.memory_space<hbm>>) target(%arg8 : memref<32x128xi32, #tpu.memory_space<vmem>>) target_semaphore(%run_scoped3A : memref<!tpu.dma_semaphore, #tpu.memory_space<semaphore_mem>>)
        %dma_wait3A_101 = arith.constant 0 : i32
        %dma_wait3A_102 = tpu.memref_slice %arg4[%add3A_33, %dma_wait3A_101] : memref<2560x128xi32, #tpu.memory_space<hbm>> -> memref<32x128xi32, #tpu.memory_space<hbm>>
        %dma_wait3A_103 = arith.constant 0 : i32
        %dma_wait3A_104 = tpu.memref_slice %arg4[%add3A_33, %dma_wait3A_103] : memref<2560x128xi32, #tpu.memory_space<hbm>> -> memref<32x128xi32, #tpu.memory_space<hbm>>
        tpu.wait_dma2 semaphore(%run_scoped3A : memref<!tpu.dma_semaphore, #tpu.memory_space<semaphore_mem>>) src(%dma_wait3A_104 : memref<32x128xi32, #tpu.memory_space<hbm>>) dst(%arg8 : memref<32x128xi32, #tpu.memory_space<vmem>>)
        tpu.yield
      }) : () -> ()
      %dma_start3A = arith.constant 0 : i32
      %dma_start3A_34 = arith.constant 0 : i32
      %dma_start3A_35 = arith.constant 0 : i32
      %dma_start3A_36 = arith.constant 0 : i32
      %dma_start3A_37 = tpu.memref_slice %arg9[%dma_start3A_34, %dma_start3A_35, %dma_start3A_36] : memref<2x128x128xf32, #tpu.memory_space<vmem>> -> memref<1x128x128xf32, #tpu.memory_space<vmem>>
      %dma_start3A_38 = tpu.memref_squeeze %dma_start3A_37 : memref<1x128x128xf32, #tpu.memory_space<vmem>> -> memref<128x128xf32, #tpu.memory_space<vmem>>
      %dma_start3A_39 = arith.constant 0 : i32
      %dma_start3A_40 = tpu.memref_slice %arg7[%dma_start3A, %dma_start3A_39] : memref<32x128xi32, #tpu.memory_space<vmem>> -> memref<1x128xi32, #tpu.memory_space<vmem>>
      %dma_start3A_41 = tpu.memref_squeeze %dma_start3A_40 : memref<1x128xi32, #tpu.memory_space<vmem>> -> memref<128xi32, #tpu.memory_space<vmem>>
      %dma_start3A_42 = arith.constant 0 : i32
      %dma_start3A_43 = arith.constant 0 : i32
      %dma_start3A_44 = tpu.memref_slice %arg2[%dma_start3A_42, %dma_start3A_43] : memref<10112x128xf32, #tpu.memory_space<hbm>> -> memref<10112x128xf32, #tpu.memory_space<hbm>>
      tpu.enqueue_indirect_dma source(%dma_start3A_44 : memref<10112x128xf32, #tpu.memory_space<hbm>>) target(%dma_start3A_38 : memref<128x128xf32, #tpu.memory_space<vmem>>) offsets(%dma_start3A_41 : memref<128xi32, #tpu.memory_space<vmem>>) semaphore(%arg11 : memref<!tpu.dma_semaphore, #tpu.memory_space<semaphore_mem>>)
      %dma_wait3A = arith.constant 0 : i32
      %dma_wait3A_45 = arith.constant 0 : i32
      %dma_wait3A_46 = arith.constant 0 : i32
      %dma_wait3A_47 = arith.constant 0 : i32
      %dma_wait3A_48 = tpu.memref_slice %arg9[%dma_wait3A_45, %dma_wait3A_46, %dma_wait3A_47] : memref<2x128x128xf32, #tpu.memory_space<vmem>> -> memref<1x128x128xf32, #tpu.memory_space<vmem>>
      %dma_wait3A_49 = tpu.memref_squeeze %dma_wait3A_48 : memref<1x128x128xf32, #tpu.memory_space<vmem>> -> memref<128x128xf32, #tpu.memory_space<vmem>>
      %dma_wait3A_50 = arith.constant 0 : i32
      %dma_wait3A_51 = tpu.memref_slice %arg7[%dma_wait3A, %dma_wait3A_50] : memref<32x128xi32, #tpu.memory_space<vmem>> -> memref<1x128xi32, #tpu.memory_space<vmem>>
      %dma_wait3A_52 = tpu.memref_squeeze %dma_wait3A_51 : memref<1x128xi32, #tpu.memory_space<vmem>> -> memref<128xi32, #tpu.memory_space<vmem>>
      %dma_wait3A_53 = arith.constant 0 : i32
      %dma_wait3A_54 = arith.constant 0 : i32
      %dma_wait3A_55 = tpu.memref_slice %arg2[%dma_wait3A_53, %dma_wait3A_54] : memref<10112x128xf32, #tpu.memory_space<hbm>> -> memref<10112x128xf32, #tpu.memory_space<hbm>>
      tpu.wait_indirect_dma semaphore(%arg11 : memref<!tpu.dma_semaphore, #tpu.memory_space<semaphore_mem>>) src(%dma_wait3A_55 : memref<10112x128xf32, #tpu.memory_space<hbm>>) dst(%dma_wait3A_49 : memref<128x128xf32, #tpu.memory_space<vmem>>)
      %dma_start3A_56 = arith.constant 0 : i32
      %dma_start3A_57 = arith.constant 0 : i32
      %dma_start3A_58 = arith.constant 0 : i32
      %dma_start3A_59 = arith.constant 0 : i32
      %dma_start3A_60 = tpu.memref_slice %arg9[%dma_start3A_56, %dma_start3A_58, %dma_start3A_59] : memref<2x128x128xf32, #tpu.memory_space<vmem>> -> memref<1x128x128xf32, #tpu.memory_space<vmem>>
      %dma_start3A_61 = tpu.memref_squeeze %dma_start3A_60 : memref<1x128x128xf32, #tpu.memory_space<vmem>> -> memref<128x128xf32, #tpu.memory_space<vmem>>
      %dma_start3A_62 = arith.constant 0 : i32
      %dma_start3A_63 = tpu.memref_slice %arg8[%dma_start3A_57, %dma_start3A_62] : memref<32x128xi32, #tpu.memory_space<vmem>> -> memref<1x128xi32, #tpu.memory_space<vmem>>
      %dma_start3A_64 = tpu.memref_squeeze %dma_start3A_63 : memref<1x128xi32, #tpu.memory_space<vmem>> -> memref<128xi32, #tpu.memory_space<vmem>>
      %dma_start3A_65 = arith.constant 0 : i32
      %dma_start3A_66 = arith.constant 0 : i32
      %dma_start3A_67 = tpu.memref_slice %arg10[%dma_start3A_65, %dma_start3A_66] : memref<10112x128xf32, #tpu.memory_space<vmem_shared>> -> memref<10112x128xf32, #tpu.memory_space<vmem_shared>>
      tpu.enqueue_indirect_dma source(%dma_start3A_61 : memref<128x128xf32, #tpu.memory_space<vmem>>) target(%dma_start3A_67 : memref<10112x128xf32, #tpu.memory_space<vmem_shared>>) offsets(%dma_start3A_64 : memref<128xi32, #tpu.memory_space<vmem>>) semaphore(%arg12 : memref<!tpu.dma_semaphore, #tpu.memory_space<semaphore_mem>>) {add = true}
      %dma_start3A_68 = arith.constant 1 : i32
      %dma_start3A_69 = arith.constant 1 : i32
      %dma_start3A_70 = arith.constant 0 : i32
      %dma_start3A_71 = arith.constant 0 : i32
      %dma_start3A_72 = tpu.memref_slice %arg9[%dma_start3A_69, %dma_start3A_70, %dma_start3A_71] : memref<2x128x128xf32, #tpu.memory_space<vmem>> -> memref<1x128x128xf32, #tpu.memory_space<vmem>>
      %dma_start3A_73 = tpu.memref_squeeze %dma_start3A_72 : memref<1x128x128xf32, #tpu.memory_space<vmem>> -> memref<128x128xf32, #tpu.memory_space<vmem>>
      %dma_start3A_74 = arith.constant 0 : i32
      %dma_start3A_75 = tpu.memref_slice %arg7[%dma_start3A_68, %dma_start3A_74] : memref<32x128xi32, #tpu.memory_space<vmem>> -> memref<1x128xi32, #tpu.memory_space<vmem>>
      %dma_start3A_76 = tpu.memref_squeeze %dma_start3A_75 : memref<1x128xi32, #tpu.memory_space<vmem>> -> memref<128xi32, #tpu.memory_space<vmem>>
      %dma_start3A_77 = arith.constant 0 : i32
      %dma_start3A_78 = arith.constant 0 : i32
      %dma_start3A_79 = tpu.memref_slice %arg2[%dma_start3A_77, %dma_start3A_78] : memref<10112x128xf32, #tpu.memory_space<hbm>> -> memref<10112x128xf32, #tpu.memory_space<hbm>>
      tpu.enqueue_indirect_dma source(%dma_start3A_79 : memref<10112x128xf32, #tpu.memory_space<hbm>>) target(%dma_start3A_73 : memref<128x128xf32, #tpu.memory_space<vmem>>) offsets(%dma_start3A_76 : memref<128xi32, #tpu.memory_space<vmem>>) semaphore(%arg11 : memref<!tpu.dma_semaphore, #tpu.memory_space<semaphore_mem>>)
      %scan3A = arith.constant 0 : i32
      %scan3A_80 = arith.constant 1 : i32
      %scan3A_81 = arith.constant 31 : i32
      %scan3A_82 = arith.addi %scan3A_80, %scan3A_81 : i32
      %scan3A_83 = arith.constant 1 : i32
      scf.for %scan3A_97 = %scan3A_80 to %scan3A_82 step %scan3A_83  : i32 {
        %rem3A = arith.constant 2 : i32
        %rem3A_98 = arith.remsi %scan3A_97, %rem3A : i32
        %dma_wait3A_99 = arith.constant 0 : i32
        %dma_wait3A_100 = arith.constant 0 : i32
        %dma_wait3A_101 = tpu.memref_slice %arg9[%rem3A_98, %dma_wait3A_99, %dma_wait3A_100] : memref<2x128x128xf32, #tpu.memory_space<vmem>> -> memref<1x128x128xf32, #tpu.memory_space<vmem>>
        %dma_wait3A_102 = tpu.memref_squeeze %dma_wait3A_101 : memref<1x128x128xf32, #tpu.memory_space<vmem>> -> memref<128x128xf32, #tpu.memory_space<vmem>>
        %dma_wait3A_103 = arith.constant 0 : i32
        %dma_wait3A_104 = tpu.memref_slice %arg7[%scan3A_97, %dma_wait3A_103] : memref<32x128xi32, #tpu.memory_space<vmem>> -> memref<1x128xi32, #tpu.memory_space<vmem>>
        %dma_wait3A_105 = tpu.memref_squeeze %dma_wait3A_104 : memref<1x128xi32, #tpu.memory_space<vmem>> -> memref<128xi32, #tpu.memory_space<vmem>>
        %dma_wait3A_106 = arith.constant 0 : i32
        %dma_wait3A_107 = arith.constant 0 : i32
        %dma_wait3A_108 = tpu.memref_slice %arg2[%dma_wait3A_106, %dma_wait3A_107] : memref<10112x128xf32, #tpu.memory_space<hbm>> -> memref<10112x128xf32, #tpu.memory_space<hbm>>
        tpu.wait_indirect_dma semaphore(%arg11 : memref<!tpu.dma_semaphore, #tpu.memory_space<semaphore_mem>>) src(%dma_wait3A_108 : memref<10112x128xf32, #tpu.memory_space<hbm>>) dst(%dma_wait3A_102 : memref<128x128xf32, #tpu.memory_space<vmem>>)
        %dma_start3A_109 = arith.constant 0 : i32
        %dma_start3A_110 = arith.constant 0 : i32
        %dma_start3A_111 = tpu.memref_slice %arg9[%rem3A_98, %dma_start3A_109, %dma_start3A_110] : memref<2x128x128xf32, #tpu.memory_space<vmem>> -> memref<1x128x128xf32, #tpu.memory_space<vmem>>
        %dma_start3A_112 = tpu.memref_squeeze %dma_start3A_111 : memref<1x128x128xf32, #tpu.memory_space<vmem>> -> memref<128x128xf32, #tpu.memory_space<vmem>>
        %dma_start3A_113 = arith.constant 0 : i32
        %dma_start3A_114 = tpu.memref_slice %arg8[%scan3A_97, %dma_start3A_113] : memref<32x128xi32, #tpu.memory_space<vmem>> -> memref<1x128xi32, #tpu.memory_space<vmem>>
        %dma_start3A_115 = tpu.memref_squeeze %dma_start3A_114 : memref<1x128xi32, #tpu.memory_space<vmem>> -> memref<128xi32, #tpu.memory_space<vmem>>
        %dma_start3A_116 = arith.constant 0 : i32
        %dma_start3A_117 = arith.constant 0 : i32
        %dma_start3A_118 = tpu.memref_slice %arg10[%dma_start3A_116, %dma_start3A_117] : memref<10112x128xf32, #tpu.memory_space<vmem_shared>> -> memref<10112x128xf32, #tpu.memory_space<vmem_shared>>
        tpu.enqueue_indirect_dma source(%dma_start3A_112 : memref<128x128xf32, #tpu.memory_space<vmem>>) target(%dma_start3A_118 : memref<10112x128xf32, #tpu.memory_space<vmem_shared>>) offsets(%dma_start3A_115 : memref<128xi32, #tpu.memory_space<vmem>>) semaphore(%arg12 : memref<!tpu.dma_semaphore, #tpu.memory_space<semaphore_mem>>) {add = true}
        %sub3A = arith.constant 1 : i32
        %sub3A_119 = arith.subi %sub3A, %rem3A_98 : i32
        %dma_wait3A_120 = arith.constant 0 : i32
        %dma_wait3A_121 = arith.constant 0 : i32
        %dma_wait3A_122 = tpu.memref_slice %arg9[%sub3A_119, %dma_wait3A_120, %dma_wait3A_121] : memref<2x128x128xf32, #tpu.memory_space<vmem>> -> memref<1x128x128xf32, #tpu.memory_space<vmem>>
        %dma_wait3A_123 = tpu.memref_squeeze %dma_wait3A_122 : memref<1x128x128xf32, #tpu.memory_space<vmem>> -> memref<128x128xf32, #tpu.memory_space<vmem>>
        %dma_wait3A_124 = arith.constant 0 : i32
        %dma_wait3A_125 = tpu.memref_slice %arg8[%scan3A_97, %dma_wait3A_124] : memref<32x128xi32, #tpu.memory_space<vmem>> -> memref<1x128xi32, #tpu.memory_space<vmem>>
        %dma_wait3A_126 = tpu.memref_squeeze %dma_wait3A_125 : memref<1x128xi32, #tpu.memory_space<vmem>> -> memref<128xi32, #tpu.memory_space<vmem>>
        %dma_wait3A_127 = arith.constant 0 : i32
        %dma_wait3A_128 = arith.constant 0 : i32
        %dma_wait3A_129 = tpu.memref_slice %arg10[%dma_wait3A_127, %dma_wait3A_128] : memref<10112x128xf32, #tpu.memory_space<vmem_shared>> -> memref<10112x128xf32, #tpu.memory_space<vmem_shared>>
        tpu.wait_indirect_dma semaphore(%arg12 : memref<!tpu.dma_semaphore, #tpu.memory_space<semaphore_mem>>) src(%dma_wait3A_123 : memref<128x128xf32, #tpu.memory_space<vmem>>) dst(%dma_wait3A_129 : memref<10112x128xf32, #tpu.memory_space<vmem_shared>>)
        %lt3A = arith.constant 31 : i32
        %lt3A_130 = arith.cmpi slt, %scan3A_97, %lt3A : i32
        %convert_element_type3A_131 = arith.extui %lt3A_130 : i1 to i32
        %cond3A_132 = arith.constant 0 : i32
        %cond3A_133 = arith.cmpi ne, %convert_element_type3A_131, %cond3A_132 : i32
        scf.if %cond3A_133 {
          %add3A_134 = arith.constant 1 : i32
          %add3A_135 = arith.addi %scan3A_97, %add3A_134 : i32
          %sub3A_136 = arith.constant 1 : i32
          %sub3A_137 = arith.subi %sub3A_136, %rem3A_98 : i32
          %dma_start3A_138 = arith.constant 0 : i32
          %dma_start3A_139 = arith.constant 0 : i32
          %dma_start3A_140 = tpu.memref_slice %arg9[%sub3A_137, %dma_start3A_138, %dma_start3A_139] : memref<2x128x128xf32, #tpu.memory_space<vmem>> -> memref<1x128x128xf32, #tpu.memory_space<vmem>>
          %dma_start3A_141 = tpu.memref_squeeze %dma_start3A_140 : memref<1x128x128xf32, #tpu.memory_space<vmem>> -> memref<128x128xf32, #tpu.memory_space<vmem>>
          %dma_start3A_142 = arith.constant 0 : i32
          %dma_start3A_143 = tpu.memref_slice %arg7[%add3A_135, %dma_start3A_142] : memref<32x128xi32, #tpu.memory_space<vmem>> -> memref<1x128xi32, #tpu.memory_space<vmem>>
          %dma_start3A_144 = tpu.memref_squeeze %dma_start3A_143 : memref<1x128xi32, #tpu.memory_space<vmem>> -> memref<128xi32, #tpu.memory_space<vmem>>
          %dma_start3A_145 = arith.constant 0 : i32
          %dma_start3A_146 = arith.constant 0 : i32
          %dma_start3A_147 = tpu.memref_slice %arg2[%dma_start3A_145, %dma_start3A_146] : memref<10112x128xf32, #tpu.memory_space<hbm>> -> memref<10112x128xf32, #tpu.memory_space<hbm>>
          tpu.enqueue_indirect_dma source(%dma_start3A_147 : memref<10112x128xf32, #tpu.memory_space<hbm>>) target(%dma_start3A_141 : memref<128x128xf32, #tpu.memory_space<vmem>>) offsets(%dma_start3A_144 : memref<128xi32, #tpu.memory_space<vmem>>) semaphore(%arg11 : memref<!tpu.dma_semaphore, #tpu.memory_space<semaphore_mem>>)
        } else {
        }
      }
      %scan3A_84 = arith.constant 31 : i32
      %dma_wait3A_85 = arith.constant 0 : i32
      %dma_wait3A_86 = arith.constant 0 : i32
      %dma_wait3A_87 = arith.constant 0 : i32
      %dma_wait3A_88 = arith.constant 0 : i32
      %dma_wait3A_89 = tpu.memref_slice %arg9[%dma_wait3A_85, %dma_wait3A_87, %dma_wait3A_88] : memref<2x128x128xf32, #tpu.memory_space<vmem>> -> memref<1x128x128xf32, #tpu.memory_space<vmem>>
      %dma_wait3A_90 = tpu.memref_squeeze %dma_wait3A_89 : memref<1x128x128xf32, #tpu.memory_space<vmem>> -> memref<128x128xf32, #tpu.memory_space<vmem>>
      %dma_wait3A_91 = arith.constant 0 : i32
      %dma_wait3A_92 = tpu.memref_slice %arg8[%dma_wait3A_86, %dma_wait3A_91] : memref<32x128xi32, #tpu.memory_space<vmem>> -> memref<1x128xi32, #tpu.memory_space<vmem>>
      %dma_wait3A_93 = tpu.memref_squeeze %dma_wait3A_92 : memref<1x128xi32, #tpu.memory_space<vmem>> -> memref<128xi32, #tpu.memory_space<vmem>>
      %dma_wait3A_94 = arith.constant 0 : i32
      %dma_wait3A_95 = arith.constant 0 : i32
      %dma_wait3A_96 = tpu.memref_slice %arg10[%dma_wait3A_94, %dma_wait3A_95] : memref<10112x128xf32, #tpu.memory_space<vmem_shared>> -> memref<10112x128xf32, #tpu.memory_space<vmem_shared>>
      tpu.wait_indirect_dma semaphore(%arg12 : memref<!tpu.dma_semaphore, #tpu.memory_space<semaphore_mem>>) src(%dma_wait3A_90 : memref<128x128xf32, #tpu.memory_space<vmem>>) dst(%dma_wait3A_96 : memref<10112x128xf32, #tpu.memory_space<vmem_shared>>)
    } else {
    }
    %barrier3A_23 = arith.constant 0 : index
    tpu.barrier barrier_id(%barrier3A_23)
    %mul3A_24 = arith.constant 632 : i32
    %mul3A_25 = arith.muli %arg1, %mul3A_24 : i32
    %mul3A_26 = arith.constant 10112 : i32
    %mul3A_27 = arith.muli %arg0, %mul3A_26 : i32
    %mul3A_28 = arith.constant 632 : i32
    %mul3A_29 = arith.muli %arg1, %mul3A_28 : i32
    %add3A = arith.addi %mul3A_27, %mul3A_29 : i32
    "tpu.region"() ({
      %run_scoped3A = tpu.sem_alloc : memref<!tpu.dma_semaphore, #tpu.memory_space<semaphore_mem>>
      %dma_start3A = arith.constant 0 : i32
      %dma_start3A_30 = tpu.memref_slice %arg6[%add3A, %dma_start3A] : memref<20224x128xf32, #tpu.memory_space<hbm>> -> memref<632x128xf32, #tpu.memory_space<hbm>>
      %dma_start3A_31 = arith.constant 0 : i32
      %dma_start3A_32 = tpu.memref_slice %arg10[%mul3A_25, %dma_start3A_31] : memref<10112x128xf32, #tpu.memory_space<vmem_shared>> -> memref<632x128xf32, #tpu.memory_space<vmem_shared>>
      tpu.enqueue_dma source(%dma_start3A_32 : memref<632x128xf32, #tpu.memory_space<vmem_shared>>) target(%dma_start3A_30 : memref<632x128xf32, #tpu.memory_space<hbm>>) target_semaphore(%run_scoped3A : memref<!tpu.dma_semaphore, #tpu.memory_space<semaphore_mem>>)
      %dma_wait3A = arith.constant 0 : i32
      %dma_wait3A_33 = tpu.memref_slice %arg6[%add3A, %dma_wait3A] : memref<20224x128xf32, #tpu.memory_space<hbm>> -> memref<632x128xf32, #tpu.memory_space<hbm>>
      %dma_wait3A_34 = arith.constant 0 : i32
      %dma_wait3A_35 = tpu.memref_slice %arg10[%mul3A_25, %dma_wait3A_34] : memref<10112x128xf32, #tpu.memory_space<vmem_shared>> -> memref<632x128xf32, #tpu.memory_space<vmem_shared>>
      tpu.wait_dma2 semaphore(%run_scoped3A : memref<!tpu.dma_semaphore, #tpu.memory_space<semaphore_mem>>) src(%dma_wait3A_35 : memref<632x128xf32, #tpu.memory_space<vmem_shared>>) dst(%dma_wait3A_33 : memref<632x128xf32, #tpu.memory_space<hbm>>)
      tpu.yield
    }) : () -> ()
    return
  }
}

#map = affine_map<(d0, d1) -> (0, 0)>
module attributes {stable_mosaic.version = 14 : i64} {
  func.func @_edge_scatter(%arg0: i32, %arg1: i32, %arg2: memref<10112x128xf32, #tpu.memory_space<hbm>>, %arg3: memref<2560x128xi32, #tpu.memory_space<hbm>>, %arg4: memref<2560x128xi32, #tpu.memory_space<hbm>>, %arg5: memref<632x128xf32, #tpu.memory_space<hbm>>, %arg6: memref<20224x128xf32, #tpu.memory_space<hbm>>, %arg7: memref<32x128xi32, #tpu.memory_space<vmem>>, %arg8: memref<32x128xi32, #tpu.memory_space<vmem>>, %arg9: memref<2x128x128xf32, #tpu.memory_space<vmem>>, %arg10: memref<10112x128xf32, #tpu.memory_space<vmem_shared>>, %arg11: memref<!tpu.dma_semaphore, #tpu.memory_space<semaphore_mem>>, %arg12: memref<!tpu.dma_semaphore, #tpu.memory_space<semaphore_mem>>) attributes {dimension_semantics = [#tpu.dimension_semantics<core_parallel>, #tpu.dimension_semantics<subcore_parallel>], iteration_bounds = array<i64: 2, 16>, scalar_prefetch = 0 : i64, scratch_operands = 6 : i64, tpu.core_type = #tpu.core_type<sc_vector_subcore>, window_params = [{transform_indices = #map}, {transform_indices = #map}, {transform_indices = #map}, {transform_indices = #map}, {transform_indices = #map}]} {
    %mul3A = arith.constant 632 : i32
    %mul3A_0 = arith.muli %arg1, %mul3A : i32
    "tpu.region"() ({
      %run_scoped3A = tpu.sem_alloc : memref<!tpu.dma_semaphore, #tpu.memory_space<semaphore_mem>>
      %dma_start3A = arith.constant 0 : i32
      %dma_start3A_30 = tpu.memref_slice %arg10[%mul3A_0, %dma_start3A] : memref<10112x128xf32, #tpu.memory_space<vmem_shared>> -> memref<632x128xf32, #tpu.memory_space<vmem_shared>>
      tpu.enqueue_dma source(%arg5 : memref<632x128xf32, #tpu.memory_space<hbm>>) target(%dma_start3A_30 : memref<632x128xf32, #tpu.memory_space<vmem_shared>>) target_semaphore(%run_scoped3A : memref<!tpu.dma_semaphore, #tpu.memory_space<semaphore_mem>>)
      %dma_wait3A = arith.constant 0 : i32
      %dma_wait3A_31 = tpu.memref_slice %arg10[%mul3A_0, %dma_wait3A] : memref<10112x128xf32, #tpu.memory_space<vmem_shared>> -> memref<632x128xf32, #tpu.memory_space<vmem_shared>>
      tpu.wait_dma2 semaphore(%run_scoped3A : memref<!tpu.dma_semaphore, #tpu.memory_space<semaphore_mem>>) src(%arg5 : memref<632x128xf32, #tpu.memory_space<hbm>>) dst(%dma_wait3A_31 : memref<632x128xf32, #tpu.memory_space<vmem_shared>>)
      tpu.yield
    }) : () -> ()
    %barrier3A = arith.constant 0 : index
    tpu.barrier barrier_id(%barrier3A)
    %eq3A = arith.constant 0 : i32
    %eq3A_1 = arith.cmpi eq, %arg0, %eq3A : i32
    %convert_element_type3A = arith.extui %eq3A_1 : i1 to i32
    %cond3A = arith.constant 0 : i32
    %cond3A_2 = arith.cmpi ne, %convert_element_type3A, %cond3A : i32
    scf.if %cond3A_2 {
      %mul3A_30 = arith.constant 128 : i32
      %mul3A_31 = arith.muli %arg1, %mul3A_30 : i32
      %add3A_32 = arith.constant 0 : i32
      %add3A_33 = arith.addi %mul3A_31, %add3A_32 : i32
      "tpu.region"() ({
        %run_scoped3A = tpu.sem_alloc : memref<!tpu.dma_semaphore, #tpu.memory_space<semaphore_mem>>
        %dma_start3A_97 = arith.constant 0 : i32
        %dma_start3A_98 = tpu.memref_slice %arg3[%add3A_33, %dma_start3A_97] : memref<2560x128xi32, #tpu.memory_space<hbm>> -> memref<32x128xi32, #tpu.memory_space<hbm>>
        %dma_start3A_99 = arith.constant 0 : i32
        %dma_start3A_100 = tpu.memref_slice %arg3[%add3A_33, %dma_start3A_99] : memref<2560x128xi32, #tpu.memory_space<hbm>> -> memref<32x128xi32, #tpu.memory_space<hbm>>
        tpu.enqueue_dma source(%dma_start3A_100 : memref<32x128xi32, #tpu.memory_space<hbm>>) target(%arg7 : memref<32x128xi32, #tpu.memory_space<vmem>>) target_semaphore(%run_scoped3A : memref<!tpu.dma_semaphore, #tpu.memory_space<semaphore_mem>>)
        %dma_wait3A_101 = arith.constant 0 : i32
        %dma_wait3A_102 = tpu.memref_slice %arg3[%add3A_33, %dma_wait3A_101] : memref<2560x128xi32, #tpu.memory_space<hbm>> -> memref<32x128xi32, #tpu.memory_space<hbm>>
        %dma_wait3A_103 = arith.constant 0 : i32
        %dma_wait3A_104 = tpu.memref_slice %arg3[%add3A_33, %dma_wait3A_103] : memref<2560x128xi32, #tpu.memory_space<hbm>> -> memref<32x128xi32, #tpu.memory_space<hbm>>
        tpu.wait_dma2 semaphore(%run_scoped3A : memref<!tpu.dma_semaphore, #tpu.memory_space<semaphore_mem>>) src(%dma_wait3A_104 : memref<32x128xi32, #tpu.memory_space<hbm>>) dst(%arg7 : memref<32x128xi32, #tpu.memory_space<vmem>>)
        tpu.yield
      }) : () -> ()
      "tpu.region"() ({
        %run_scoped3A = tpu.sem_alloc : memref<!tpu.dma_semaphore, #tpu.memory_space<semaphore_mem>>
        %dma_start3A_97 = arith.constant 0 : i32
        %dma_start3A_98 = tpu.memref_slice %arg4[%add3A_33, %dma_start3A_97] : memref<2560x128xi32, #tpu.memory_space<hbm>> -> memref<32x128xi32, #tpu.memory_space<hbm>>
        %dma_start3A_99 = arith.constant 0 : i32
        %dma_start3A_100 = tpu.memref_slice %arg4[%add3A_33, %dma_start3A_99] : memref<2560x128xi32, #tpu.memory_space<hbm>> -> memref<32x128xi32, #tpu.memory_space<hbm>>
        tpu.enqueue_dma source(%dma_start3A_100 : memref<32x128xi32, #tpu.memory_space<hbm>>) target(%arg8 : memref<32x128xi32, #tpu.memory_space<vmem>>) target_semaphore(%run_scoped3A : memref<!tpu.dma_semaphore, #tpu.memory_space<semaphore_mem>>)
        %dma_wait3A_101 = arith.constant 0 : i32
        %dma_wait3A_102 = tpu.memref_slice %arg4[%add3A_33, %dma_wait3A_101] : memref<2560x128xi32, #tpu.memory_space<hbm>> -> memref<32x128xi32, #tpu.memory_space<hbm>>
        %dma_wait3A_103 = arith.constant 0 : i32
        %dma_wait3A_104 = tpu.memref_slice %arg4[%add3A_33, %dma_wait3A_103] : memref<2560x128xi32, #tpu.memory_space<hbm>> -> memref<32x128xi32, #tpu.memory_space<hbm>>
        tpu.wait_dma2 semaphore(%run_scoped3A : memref<!tpu.dma_semaphore, #tpu.memory_space<semaphore_mem>>) src(%dma_wait3A_104 : memref<32x128xi32, #tpu.memory_space<hbm>>) dst(%arg8 : memref<32x128xi32, #tpu.memory_space<vmem>>)
        tpu.yield
      }) : () -> ()
      %dma_start3A = arith.constant 0 : i32
      %dma_start3A_34 = arith.constant 0 : i32
      %dma_start3A_35 = arith.constant 0 : i32
      %dma_start3A_36 = arith.constant 0 : i32
      %dma_start3A_37 = tpu.memref_slice %arg9[%dma_start3A_34, %dma_start3A_35, %dma_start3A_36] : memref<2x128x128xf32, #tpu.memory_space<vmem>> -> memref<1x128x128xf32, #tpu.memory_space<vmem>>
      %dma_start3A_38 = tpu.memref_squeeze %dma_start3A_37 : memref<1x128x128xf32, #tpu.memory_space<vmem>> -> memref<128x128xf32, #tpu.memory_space<vmem>>
      %dma_start3A_39 = arith.constant 0 : i32
      %dma_start3A_40 = tpu.memref_slice %arg7[%dma_start3A, %dma_start3A_39] : memref<32x128xi32, #tpu.memory_space<vmem>> -> memref<1x128xi32, #tpu.memory_space<vmem>>
      %dma_start3A_41 = tpu.memref_squeeze %dma_start3A_40 : memref<1x128xi32, #tpu.memory_space<vmem>> -> memref<128xi32, #tpu.memory_space<vmem>>
      %dma_start3A_42 = arith.constant 0 : i32
      %dma_start3A_43 = arith.constant 0 : i32
      %dma_start3A_44 = tpu.memref_slice %arg2[%dma_start3A_42, %dma_start3A_43] : memref<10112x128xf32, #tpu.memory_space<hbm>> -> memref<10112x128xf32, #tpu.memory_space<hbm>>
      tpu.enqueue_indirect_dma source(%dma_start3A_44 : memref<10112x128xf32, #tpu.memory_space<hbm>>) target(%dma_start3A_38 : memref<128x128xf32, #tpu.memory_space<vmem>>) offsets(%dma_start3A_41 : memref<128xi32, #tpu.memory_space<vmem>>) semaphore(%arg11 : memref<!tpu.dma_semaphore, #tpu.memory_space<semaphore_mem>>)
      %dma_wait3A = arith.constant 0 : i32
      %dma_wait3A_45 = arith.constant 0 : i32
      %dma_wait3A_46 = arith.constant 0 : i32
      %dma_wait3A_47 = arith.constant 0 : i32
      %dma_wait3A_48 = tpu.memref_slice %arg9[%dma_wait3A_45, %dma_wait3A_46, %dma_wait3A_47] : memref<2x128x128xf32, #tpu.memory_space<vmem>> -> memref<1x128x128xf32, #tpu.memory_space<vmem>>
      %dma_wait3A_49 = tpu.memref_squeeze %dma_wait3A_48 : memref<1x128x128xf32, #tpu.memory_space<vmem>> -> memref<128x128xf32, #tpu.memory_space<vmem>>
      %dma_wait3A_50 = arith.constant 0 : i32
      %dma_wait3A_51 = tpu.memref_slice %arg7[%dma_wait3A, %dma_wait3A_50] : memref<32x128xi32, #tpu.memory_space<vmem>> -> memref<1x128xi32, #tpu.memory_space<vmem>>
      %dma_wait3A_52 = tpu.memref_squeeze %dma_wait3A_51 : memref<1x128xi32, #tpu.memory_space<vmem>> -> memref<128xi32, #tpu.memory_space<vmem>>
      %dma_wait3A_53 = arith.constant 0 : i32
      %dma_wait3A_54 = arith.constant 0 : i32
      %dma_wait3A_55 = tpu.memref_slice %arg2[%dma_wait3A_53, %dma_wait3A_54] : memref<10112x128xf32, #tpu.memory_space<hbm>> -> memref<10112x128xf32, #tpu.memory_space<hbm>>
      tpu.wait_indirect_dma semaphore(%arg11 : memref<!tpu.dma_semaphore, #tpu.memory_space<semaphore_mem>>) src(%dma_wait3A_55 : memref<10112x128xf32, #tpu.memory_space<hbm>>) dst(%dma_wait3A_49 : memref<128x128xf32, #tpu.memory_space<vmem>>)
      %dma_start3A_56 = arith.constant 0 : i32
      %dma_start3A_57 = arith.constant 0 : i32
      %dma_start3A_58 = arith.constant 0 : i32
      %dma_start3A_59 = arith.constant 0 : i32
      %dma_start3A_60 = tpu.memref_slice %arg9[%dma_start3A_56, %dma_start3A_58, %dma_start3A_59] : memref<2x128x128xf32, #tpu.memory_space<vmem>> -> memref<1x128x128xf32, #tpu.memory_space<vmem>>
      %dma_start3A_61 = tpu.memref_squeeze %dma_start3A_60 : memref<1x128x128xf32, #tpu.memory_space<vmem>> -> memref<128x128xf32, #tpu.memory_space<vmem>>
      %dma_start3A_62 = arith.constant 0 : i32
      %dma_start3A_63 = tpu.memref_slice %arg8[%dma_start3A_57, %dma_start3A_62] : memref<32x128xi32, #tpu.memory_space<vmem>> -> memref<1x128xi32, #tpu.memory_space<vmem>>
      %dma_start3A_64 = tpu.memref_squeeze %dma_start3A_63 : memref<1x128xi32, #tpu.memory_space<vmem>> -> memref<128xi32, #tpu.memory_space<vmem>>
      %dma_start3A_65 = arith.constant 0 : i32
      %dma_start3A_66 = arith.constant 0 : i32
      %dma_start3A_67 = tpu.memref_slice %arg10[%dma_start3A_65, %dma_start3A_66] : memref<10112x128xf32, #tpu.memory_space<vmem_shared>> -> memref<10112x128xf32, #tpu.memory_space<vmem_shared>>
      tpu.enqueue_indirect_dma source(%dma_start3A_61 : memref<128x128xf32, #tpu.memory_space<vmem>>) target(%dma_start3A_67 : memref<10112x128xf32, #tpu.memory_space<vmem_shared>>) offsets(%dma_start3A_64 : memref<128xi32, #tpu.memory_space<vmem>>) semaphore(%arg12 : memref<!tpu.dma_semaphore, #tpu.memory_space<semaphore_mem>>) {add = true}
      %dma_start3A_68 = arith.constant 1 : i32
      %dma_start3A_69 = arith.constant 1 : i32
      %dma_start3A_70 = arith.constant 0 : i32
      %dma_start3A_71 = arith.constant 0 : i32
      %dma_start3A_72 = tpu.memref_slice %arg9[%dma_start3A_69, %dma_start3A_70, %dma_start3A_71] : memref<2x128x128xf32, #tpu.memory_space<vmem>> -> memref<1x128x128xf32, #tpu.memory_space<vmem>>
      %dma_start3A_73 = tpu.memref_squeeze %dma_start3A_72 : memref<1x128x128xf32, #tpu.memory_space<vmem>> -> memref<128x128xf32, #tpu.memory_space<vmem>>
      %dma_start3A_74 = arith.constant 0 : i32
      %dma_start3A_75 = tpu.memref_slice %arg7[%dma_start3A_68, %dma_start3A_74] : memref<32x128xi32, #tpu.memory_space<vmem>> -> memref<1x128xi32, #tpu.memory_space<vmem>>
      %dma_start3A_76 = tpu.memref_squeeze %dma_start3A_75 : memref<1x128xi32, #tpu.memory_space<vmem>> -> memref<128xi32, #tpu.memory_space<vmem>>
      %dma_start3A_77 = arith.constant 0 : i32
      %dma_start3A_78 = arith.constant 0 : i32
      %dma_start3A_79 = tpu.memref_slice %arg2[%dma_start3A_77, %dma_start3A_78] : memref<10112x128xf32, #tpu.memory_space<hbm>> -> memref<10112x128xf32, #tpu.memory_space<hbm>>
      tpu.enqueue_indirect_dma source(%dma_start3A_79 : memref<10112x128xf32, #tpu.memory_space<hbm>>) target(%dma_start3A_73 : memref<128x128xf32, #tpu.memory_space<vmem>>) offsets(%dma_start3A_76 : memref<128xi32, #tpu.memory_space<vmem>>) semaphore(%arg11 : memref<!tpu.dma_semaphore, #tpu.memory_space<semaphore_mem>>)
      %scan3A = arith.constant 0 : i32
      %scan3A_80 = arith.constant 1 : i32
      %scan3A_81 = arith.constant 31 : i32
      %scan3A_82 = arith.addi %scan3A_80, %scan3A_81 : i32
      %scan3A_83 = arith.constant 1 : i32
      scf.for %scan3A_97 = %scan3A_80 to %scan3A_82 step %scan3A_83  : i32 {
        %rem3A = arith.constant 2 : i32
        %rem3A_98 = arith.remsi %scan3A_97, %rem3A : i32
        %dma_wait3A_99 = arith.constant 0 : i32
        %dma_wait3A_100 = arith.constant 0 : i32
        %dma_wait3A_101 = tpu.memref_slice %arg9[%rem3A_98, %dma_wait3A_99, %dma_wait3A_100] : memref<2x128x128xf32, #tpu.memory_space<vmem>> -> memref<1x128x128xf32, #tpu.memory_space<vmem>>
        %dma_wait3A_102 = tpu.memref_squeeze %dma_wait3A_101 : memref<1x128x128xf32, #tpu.memory_space<vmem>> -> memref<128x128xf32, #tpu.memory_space<vmem>>
        %dma_wait3A_103 = arith.constant 0 : i32
        %dma_wait3A_104 = tpu.memref_slice %arg7[%scan3A_97, %dma_wait3A_103] : memref<32x128xi32, #tpu.memory_space<vmem>> -> memref<1x128xi32, #tpu.memory_space<vmem>>
        %dma_wait3A_105 = tpu.memref_squeeze %dma_wait3A_104 : memref<1x128xi32, #tpu.memory_space<vmem>> -> memref<128xi32, #tpu.memory_space<vmem>>
        %dma_wait3A_106 = arith.constant 0 : i32
        %dma_wait3A_107 = arith.constant 0 : i32
        %dma_wait3A_108 = tpu.memref_slice %arg2[%dma_wait3A_106, %dma_wait3A_107] : memref<10112x128xf32, #tpu.memory_space<hbm>> -> memref<10112x128xf32, #tpu.memory_space<hbm>>
        tpu.wait_indirect_dma semaphore(%arg11 : memref<!tpu.dma_semaphore, #tpu.memory_space<semaphore_mem>>) src(%dma_wait3A_108 : memref<10112x128xf32, #tpu.memory_space<hbm>>) dst(%dma_wait3A_102 : memref<128x128xf32, #tpu.memory_space<vmem>>)
        %dma_start3A_109 = arith.constant 0 : i32
        %dma_start3A_110 = arith.constant 0 : i32
        %dma_start3A_111 = tpu.memref_slice %arg9[%rem3A_98, %dma_start3A_109, %dma_start3A_110] : memref<2x128x128xf32, #tpu.memory_space<vmem>> -> memref<1x128x128xf32, #tpu.memory_space<vmem>>
        %dma_start3A_112 = tpu.memref_squeeze %dma_start3A_111 : memref<1x128x128xf32, #tpu.memory_space<vmem>> -> memref<128x128xf32, #tpu.memory_space<vmem>>
        %dma_start3A_113 = arith.constant 0 : i32
        %dma_start3A_114 = tpu.memref_slice %arg8[%scan3A_97, %dma_start3A_113] : memref<32x128xi32, #tpu.memory_space<vmem>> -> memref<1x128xi32, #tpu.memory_space<vmem>>
        %dma_start3A_115 = tpu.memref_squeeze %dma_start3A_114 : memref<1x128xi32, #tpu.memory_space<vmem>> -> memref<128xi32, #tpu.memory_space<vmem>>
        %dma_start3A_116 = arith.constant 0 : i32
        %dma_start3A_117 = arith.constant 0 : i32
        %dma_start3A_118 = tpu.memref_slice %arg10[%dma_start3A_116, %dma_start3A_117] : memref<10112x128xf32, #tpu.memory_space<vmem_shared>> -> memref<10112x128xf32, #tpu.memory_space<vmem_shared>>
        tpu.enqueue_indirect_dma source(%dma_start3A_112 : memref<128x128xf32, #tpu.memory_space<vmem>>) target(%dma_start3A_118 : memref<10112x128xf32, #tpu.memory_space<vmem_shared>>) offsets(%dma_start3A_115 : memref<128xi32, #tpu.memory_space<vmem>>) semaphore(%arg12 : memref<!tpu.dma_semaphore, #tpu.memory_space<semaphore_mem>>) {add = true}
        %sub3A = arith.constant 1 : i32
        %sub3A_119 = arith.subi %sub3A, %rem3A_98 : i32
        %dma_wait3A_120 = arith.constant 0 : i32
        %dma_wait3A_121 = arith.constant 0 : i32
        %dma_wait3A_122 = tpu.memref_slice %arg9[%sub3A_119, %dma_wait3A_120, %dma_wait3A_121] : memref<2x128x128xf32, #tpu.memory_space<vmem>> -> memref<1x128x128xf32, #tpu.memory_space<vmem>>
        %dma_wait3A_123 = tpu.memref_squeeze %dma_wait3A_122 : memref<1x128x128xf32, #tpu.memory_space<vmem>> -> memref<128x128xf32, #tpu.memory_space<vmem>>
        %dma_wait3A_124 = arith.constant 0 : i32
        %dma_wait3A_125 = tpu.memref_slice %arg8[%scan3A_97, %dma_wait3A_124] : memref<32x128xi32, #tpu.memory_space<vmem>> -> memref<1x128xi32, #tpu.memory_space<vmem>>
        %dma_wait3A_126 = tpu.memref_squeeze %dma_wait3A_125 : memref<1x128xi32, #tpu.memory_space<vmem>> -> memref<128xi32, #tpu.memory_space<vmem>>
        %dma_wait3A_127 = arith.constant 0 : i32
        %dma_wait3A_128 = arith.constant 0 : i32
        %dma_wait3A_129 = tpu.memref_slice %arg10[%dma_wait3A_127, %dma_wait3A_128] : memref<10112x128xf32, #tpu.memory_space<vmem_shared>> -> memref<10112x128xf32, #tpu.memory_space<vmem_shared>>
        tpu.wait_indirect_dma semaphore(%arg12 : memref<!tpu.dma_semaphore, #tpu.memory_space<semaphore_mem>>) src(%dma_wait3A_123 : memref<128x128xf32, #tpu.memory_space<vmem>>) dst(%dma_wait3A_129 : memref<10112x128xf32, #tpu.memory_space<vmem_shared>>)
        %lt3A = arith.constant 31 : i32
        %lt3A_130 = arith.cmpi slt, %scan3A_97, %lt3A : i32
        %convert_element_type3A_131 = arith.extui %lt3A_130 : i1 to i32
        %cond3A_132 = arith.constant 0 : i32
        %cond3A_133 = arith.cmpi ne, %convert_element_type3A_131, %cond3A_132 : i32
        scf.if %cond3A_133 {
          %add3A_134 = arith.constant 1 : i32
          %add3A_135 = arith.addi %scan3A_97, %add3A_134 : i32
          %sub3A_136 = arith.constant 1 : i32
          %sub3A_137 = arith.subi %sub3A_136, %rem3A_98 : i32
          %dma_start3A_138 = arith.constant 0 : i32
          %dma_start3A_139 = arith.constant 0 : i32
          %dma_start3A_140 = tpu.memref_slice %arg9[%sub3A_137, %dma_start3A_138, %dma_start3A_139] : memref<2x128x128xf32, #tpu.memory_space<vmem>> -> memref<1x128x128xf32, #tpu.memory_space<vmem>>
          %dma_start3A_141 = tpu.memref_squeeze %dma_start3A_140 : memref<1x128x128xf32, #tpu.memory_space<vmem>> -> memref<128x128xf32, #tpu.memory_space<vmem>>
          %dma_start3A_142 = arith.constant 0 : i32
          %dma_start3A_143 = tpu.memref_slice %arg7[%add3A_135, %dma_start3A_142] : memref<32x128xi32, #tpu.memory_space<vmem>> -> memref<1x128xi32, #tpu.memory_space<vmem>>
          %dma_start3A_144 = tpu.memref_squeeze %dma_start3A_143 : memref<1x128xi32, #tpu.memory_space<vmem>> -> memref<128xi32, #tpu.memory_space<vmem>>
          %dma_start3A_145 = arith.constant 0 : i32
          %dma_start3A_146 = arith.constant 0 : i32
          %dma_start3A_147 = tpu.memref_slice %arg2[%dma_start3A_145, %dma_start3A_146] : memref<10112x128xf32, #tpu.memory_space<hbm>> -> memref<10112x128xf32, #tpu.memory_space<hbm>>
          tpu.enqueue_indirect_dma source(%dma_start3A_147 : memref<10112x128xf32, #tpu.memory_space<hbm>>) target(%dma_start3A_141 : memref<128x128xf32, #tpu.memory_space<vmem>>) offsets(%dma_start3A_144 : memref<128xi32, #tpu.memory_space<vmem>>) semaphore(%arg11 : memref<!tpu.dma_semaphore, #tpu.memory_space<semaphore_mem>>)
        } else {
        }
      }
      %scan3A_84 = arith.constant 31 : i32
      %dma_wait3A_85 = arith.constant 0 : i32
      %dma_wait3A_86 = arith.constant 0 : i32
      %dma_wait3A_87 = arith.constant 0 : i32
      %dma_wait3A_88 = arith.constant 0 : i32
      %dma_wait3A_89 = tpu.memref_slice %arg9[%dma_wait3A_85, %dma_wait3A_87, %dma_wait3A_88] : memref<2x128x128xf32, #tpu.memory_space<vmem>> -> memref<1x128x128xf32, #tpu.memory_space<vmem>>
      %dma_wait3A_90 = tpu.memref_squeeze %dma_wait3A_89 : memref<1x128x128xf32, #tpu.memory_space<vmem>> -> memref<128x128xf32, #tpu.memory_space<vmem>>
      %dma_wait3A_91 = arith.constant 0 : i32
      %dma_wait3A_92 = tpu.memref_slice %arg8[%dma_wait3A_86, %dma_wait3A_91] : memref<32x128xi32, #tpu.memory_space<vmem>> -> memref<1x128xi32, #tpu.memory_space<vmem>>
      %dma_wait3A_93 = tpu.memref_squeeze %dma_wait3A_92 : memref<1x128xi32, #tpu.memory_space<vmem>> -> memref<128xi32, #tpu.memory_space<vmem>>
      %dma_wait3A_94 = arith.constant 0 : i32
      %dma_wait3A_95 = arith.constant 0 : i32
      %dma_wait3A_96 = tpu.memref_slice %arg10[%dma_wait3A_94, %dma_wait3A_95] : memref<10112x128xf32, #tpu.memory_space<vmem_shared>> -> memref<10112x128xf32, #tpu.memory_space<vmem_shared>>
      tpu.wait_indirect_dma semaphore(%arg12 : memref<!tpu.dma_semaphore, #tpu.memory_space<semaphore_mem>>) src(%dma_wait3A_90 : memref<128x128xf32, #tpu.memory_space<vmem>>) dst(%dma_wait3A_96 : memref<10112x128xf32, #tpu.memory_space<vmem_shared>>)
    } else {
    }
    %eq3A_3 = arith.constant 1 : i32
    %eq3A_4 = arith.cmpi eq, %arg0, %eq3A_3 : i32
    %convert_element_type3A_5 = arith.extui %eq3A_4 : i1 to i32
    %cond3A_6 = arith.constant 0 : i32
    %cond3A_7 = arith.cmpi ne, %convert_element_type3A_5, %cond3A_6 : i32
    scf.if %cond3A_7 {
      %mul3A_30 = arith.constant 32 : i32
      %mul3A_31 = arith.muli %arg1, %mul3A_30 : i32
      %add3A_32 = arith.constant 2048 : i32
      %add3A_33 = arith.addi %add3A_32, %mul3A_31 : i32
      %add3A_34 = arith.constant 0 : i32
      %add3A_35 = arith.addi %add3A_33, %add3A_34 : i32
      "tpu.region"() ({
        %run_scoped3A = tpu.sem_alloc : memref<!tpu.dma_semaphore, #tpu.memory_space<semaphore_mem>>
        %dma_start3A_99 = arith.constant 0 : i32
        %dma_start3A_100 = tpu.memref_slice %arg3[%add3A_35, %dma_start3A_99] : memref<2560x128xi32, #tpu.memory_space<hbm>> -> memref<32x128xi32, #tpu.memory_space<hbm>>
        %dma_start3A_101 = arith.constant 0 : i32
        %dma_start3A_102 = tpu.memref_slice %arg3[%add3A_35, %dma_start3A_101] : memref<2560x128xi32, #tpu.memory_space<hbm>> -> memref<32x128xi32, #tpu.memory_space<hbm>>
        tpu.enqueue_dma source(%dma_start3A_102 : memref<32x128xi32, #tpu.memory_space<hbm>>) target(%arg7 : memref<32x128xi32, #tpu.memory_space<vmem>>) target_semaphore(%run_scoped3A : memref<!tpu.dma_semaphore, #tpu.memory_space<semaphore_mem>>)
        %dma_wait3A_103 = arith.constant 0 : i32
        %dma_wait3A_104 = tpu.memref_slice %arg3[%add3A_35, %dma_wait3A_103] : memref<2560x128xi32, #tpu.memory_space<hbm>> -> memref<32x128xi32, #tpu.memory_space<hbm>>
        %dma_wait3A_105 = arith.constant 0 : i32
        %dma_wait3A_106 = tpu.memref_slice %arg3[%add3A_35, %dma_wait3A_105] : memref<2560x128xi32, #tpu.memory_space<hbm>> -> memref<32x128xi32, #tpu.memory_space<hbm>>
        tpu.wait_dma2 semaphore(%run_scoped3A : memref<!tpu.dma_semaphore, #tpu.memory_space<semaphore_mem>>) src(%dma_wait3A_106 : memref<32x128xi32, #tpu.memory_space<hbm>>) dst(%arg7 : memref<32x128xi32, #tpu.memory_space<vmem>>)
        tpu.yield
      }) : () -> ()
      "tpu.region"() ({
        %run_scoped3A = tpu.sem_alloc : memref<!tpu.dma_semaphore, #tpu.memory_space<semaphore_mem>>
        %dma_start3A_99 = arith.constant 0 : i32
        %dma_start3A_100 = tpu.memref_slice %arg4[%add3A_35, %dma_start3A_99] : memref<2560x128xi32, #tpu.memory_space<hbm>> -> memref<32x128xi32, #tpu.memory_space<hbm>>
        %dma_start3A_101 = arith.constant 0 : i32
        %dma_start3A_102 = tpu.memref_slice %arg4[%add3A_35, %dma_start3A_101] : memref<2560x128xi32, #tpu.memory_space<hbm>> -> memref<32x128xi32, #tpu.memory_space<hbm>>
        tpu.enqueue_dma source(%dma_start3A_102 : memref<32x128xi32, #tpu.memory_space<hbm>>) target(%arg8 : memref<32x128xi32, #tpu.memory_space<vmem>>) target_semaphore(%run_scoped3A : memref<!tpu.dma_semaphore, #tpu.memory_space<semaphore_mem>>)
        %dma_wait3A_103 = arith.constant 0 : i32
        %dma_wait3A_104 = tpu.memref_slice %arg4[%add3A_35, %dma_wait3A_103] : memref<2560x128xi32, #tpu.memory_space<hbm>> -> memref<32x128xi32, #tpu.memory_space<hbm>>
        %dma_wait3A_105 = arith.constant 0 : i32
        %dma_wait3A_106 = tpu.memref_slice %arg4[%add3A_35, %dma_wait3A_105] : memref<2560x128xi32, #tpu.memory_space<hbm>> -> memref<32x128xi32, #tpu.memory_space<hbm>>
        tpu.wait_dma2 semaphore(%run_scoped3A : memref<!tpu.dma_semaphore, #tpu.memory_space<semaphore_mem>>) src(%dma_wait3A_106 : memref<32x128xi32, #tpu.memory_space<hbm>>) dst(%arg8 : memref<32x128xi32, #tpu.memory_space<vmem>>)
        tpu.yield
      }) : () -> ()
      %dma_start3A = arith.constant 0 : i32
      %dma_start3A_36 = arith.constant 0 : i32
      %dma_start3A_37 = arith.constant 0 : i32
      %dma_start3A_38 = arith.constant 0 : i32
      %dma_start3A_39 = tpu.memref_slice %arg9[%dma_start3A_36, %dma_start3A_37, %dma_start3A_38] : memref<2x128x128xf32, #tpu.memory_space<vmem>> -> memref<1x128x128xf32, #tpu.memory_space<vmem>>
      %dma_start3A_40 = tpu.memref_squeeze %dma_start3A_39 : memref<1x128x128xf32, #tpu.memory_space<vmem>> -> memref<128x128xf32, #tpu.memory_space<vmem>>
      %dma_start3A_41 = arith.constant 0 : i32
      %dma_start3A_42 = tpu.memref_slice %arg7[%dma_start3A, %dma_start3A_41] : memref<32x128xi32, #tpu.memory_space<vmem>> -> memref<1x128xi32, #tpu.memory_space<vmem>>
      %dma_start3A_43 = tpu.memref_squeeze %dma_start3A_42 : memref<1x128xi32, #tpu.memory_space<vmem>> -> memref<128xi32, #tpu.memory_space<vmem>>
      %dma_start3A_44 = arith.constant 0 : i32
      %dma_start3A_45 = arith.constant 0 : i32
      %dma_start3A_46 = tpu.memref_slice %arg2[%dma_start3A_44, %dma_start3A_45] : memref<10112x128xf32, #tpu.memory_space<hbm>> -> memref<10112x128xf32, #tpu.memory_space<hbm>>
      tpu.enqueue_indirect_dma source(%dma_start3A_46 : memref<10112x128xf32, #tpu.memory_space<hbm>>) target(%dma_start3A_40 : memref<128x128xf32, #tpu.memory_space<vmem>>) offsets(%dma_start3A_43 : memref<128xi32, #tpu.memory_space<vmem>>) semaphore(%arg11 : memref<!tpu.dma_semaphore, #tpu.memory_space<semaphore_mem>>)
      %dma_wait3A = arith.constant 0 : i32
      %dma_wait3A_47 = arith.constant 0 : i32
      %dma_wait3A_48 = arith.constant 0 : i32
      %dma_wait3A_49 = arith.constant 0 : i32
      %dma_wait3A_50 = tpu.memref_slice %arg9[%dma_wait3A_47, %dma_wait3A_48, %dma_wait3A_49] : memref<2x128x128xf32, #tpu.memory_space<vmem>> -> memref<1x128x128xf32, #tpu.memory_space<vmem>>
      %dma_wait3A_51 = tpu.memref_squeeze %dma_wait3A_50 : memref<1x128x128xf32, #tpu.memory_space<vmem>> -> memref<128x128xf32, #tpu.memory_space<vmem>>
      %dma_wait3A_52 = arith.constant 0 : i32
      %dma_wait3A_53 = tpu.memref_slice %arg7[%dma_wait3A, %dma_wait3A_52] : memref<32x128xi32, #tpu.memory_space<vmem>> -> memref<1x128xi32, #tpu.memory_space<vmem>>
      %dma_wait3A_54 = tpu.memref_squeeze %dma_wait3A_53 : memref<1x128xi32, #tpu.memory_space<vmem>> -> memref<128xi32, #tpu.memory_space<vmem>>
      %dma_wait3A_55 = arith.constant 0 : i32
      %dma_wait3A_56 = arith.constant 0 : i32
      %dma_wait3A_57 = tpu.memref_slice %arg2[%dma_wait3A_55, %dma_wait3A_56] : memref<10112x128xf32, #tpu.memory_space<hbm>> -> memref<10112x128xf32, #tpu.memory_space<hbm>>
      tpu.wait_indirect_dma semaphore(%arg11 : memref<!tpu.dma_semaphore, #tpu.memory_space<semaphore_mem>>) src(%dma_wait3A_57 : memref<10112x128xf32, #tpu.memory_space<hbm>>) dst(%dma_wait3A_51 : memref<128x128xf32, #tpu.memory_space<vmem>>)
      %dma_start3A_58 = arith.constant 0 : i32
      %dma_start3A_59 = arith.constant 0 : i32
      %dma_start3A_60 = arith.constant 0 : i32
      %dma_start3A_61 = arith.constant 0 : i32
      %dma_start3A_62 = tpu.memref_slice %arg9[%dma_start3A_58, %dma_start3A_60, %dma_start3A_61] : memref<2x128x128xf32, #tpu.memory_space<vmem>> -> memref<1x128x128xf32, #tpu.memory_space<vmem>>
      %dma_start3A_63 = tpu.memref_squeeze %dma_start3A_62 : memref<1x128x128xf32, #tpu.memory_space<vmem>> -> memref<128x128xf32, #tpu.memory_space<vmem>>
      %dma_start3A_64 = arith.constant 0 : i32
      %dma_start3A_65 = tpu.memref_slice %arg8[%dma_start3A_59, %dma_start3A_64] : memref<32x128xi32, #tpu.memory_space<vmem>> -> memref<1x128xi32, #tpu.memory_space<vmem>>
      %dma_start3A_66 = tpu.memref_squeeze %dma_start3A_65 : memref<1x128xi32, #tpu.memory_space<vmem>> -> memref<128xi32, #tpu.memory_space<vmem>>
      %dma_start3A_67 = arith.constant 0 : i32
      %dma_start3A_68 = arith.constant 0 : i32
      %dma_start3A_69 = tpu.memref_slice %arg10[%dma_start3A_67, %dma_start3A_68] : memref<10112x128xf32, #tpu.memory_space<vmem_shared>> -> memref<10112x128xf32, #tpu.memory_space<vmem_shared>>
      tpu.enqueue_indirect_dma source(%dma_start3A_63 : memref<128x128xf32, #tpu.memory_space<vmem>>) target(%dma_start3A_69 : memref<10112x128xf32, #tpu.memory_space<vmem_shared>>) offsets(%dma_start3A_66 : memref<128xi32, #tpu.memory_space<vmem>>) semaphore(%arg12 : memref<!tpu.dma_semaphore, #tpu.memory_space<semaphore_mem>>) {add = true}
      %dma_start3A_70 = arith.constant 1 : i32
      %dma_start3A_71 = arith.constant 1 : i32
      %dma_start3A_72 = arith.constant 0 : i32
      %dma_start3A_73 = arith.constant 0 : i32
      %dma_start3A_74 = tpu.memref_slice %arg9[%dma_start3A_71, %dma_start3A_72, %dma_start3A_73] : memref<2x128x128xf32, #tpu.memory_space<vmem>> -> memref<1x128x128xf32, #tpu.memory_space<vmem>>
      %dma_start3A_75 = tpu.memref_squeeze %dma_start3A_74 : memref<1x128x128xf32, #tpu.memory_space<vmem>> -> memref<128x128xf32, #tpu.memory_space<vmem>>
      %dma_start3A_76 = arith.constant 0 : i32
      %dma_start3A_77 = tpu.memref_slice %arg7[%dma_start3A_70, %dma_start3A_76] : memref<32x128xi32, #tpu.memory_space<vmem>> -> memref<1x128xi32, #tpu.memory_space<vmem>>
      %dma_start3A_78 = tpu.memref_squeeze %dma_start3A_77 : memref<1x128xi32, #tpu.memory_space<vmem>> -> memref<128xi32, #tpu.memory_space<vmem>>
      %dma_start3A_79 = arith.constant 0 : i32
      %dma_start3A_80 = arith.constant 0 : i32
      %dma_start3A_81 = tpu.memref_slice %arg2[%dma_start3A_79, %dma_start3A_80] : memref<10112x128xf32, #tpu.memory_space<hbm>> -> memref<10112x128xf32, #tpu.memory_space<hbm>>
      tpu.enqueue_indirect_dma source(%dma_start3A_81 : memref<10112x128xf32, #tpu.memory_space<hbm>>) target(%dma_start3A_75 : memref<128x128xf32, #tpu.memory_space<vmem>>) offsets(%dma_start3A_78 : memref<128xi32, #tpu.memory_space<vmem>>) semaphore(%arg11 : memref<!tpu.dma_semaphore, #tpu.memory_space<semaphore_mem>>)
      %scan3A = arith.constant 0 : i32
      %scan3A_82 = arith.constant 1 : i32
      %scan3A_83 = arith.constant 31 : i32
      %scan3A_84 = arith.addi %scan3A_82, %scan3A_83 : i32
      %scan3A_85 = arith.constant 1 : i32
      scf.for %scan3A_99 = %scan3A_82 to %scan3A_84 step %scan3A_85  : i32 {
        %rem3A = arith.constant 2 : i32
        %rem3A_100 = arith.remsi %scan3A_99, %rem3A : i32
        %dma_wait3A_101 = arith.constant 0 : i32
        %dma_wait3A_102 = arith.constant 0 : i32
        %dma_wait3A_103 = tpu.memref_slice %arg9[%rem3A_100, %dma_wait3A_101, %dma_wait3A_102] : memref<2x128x128xf32, #tpu.memory_space<vmem>> -> memref<1x128x128xf32, #tpu.memory_space<vmem>>
        %dma_wait3A_104 = tpu.memref_squeeze %dma_wait3A_103 : memref<1x128x128xf32, #tpu.memory_space<vmem>> -> memref<128x128xf32, #tpu.memory_space<vmem>>
        %dma_wait3A_105 = arith.constant 0 : i32
        %dma_wait3A_106 = tpu.memref_slice %arg7[%scan3A_99, %dma_wait3A_105] : memref<32x128xi32, #tpu.memory_space<vmem>> -> memref<1x128xi32, #tpu.memory_space<vmem>>
        %dma_wait3A_107 = tpu.memref_squeeze %dma_wait3A_106 : memref<1x128xi32, #tpu.memory_space<vmem>> -> memref<128xi32, #tpu.memory_space<vmem>>
        %dma_wait3A_108 = arith.constant 0 : i32
        %dma_wait3A_109 = arith.constant 0 : i32
        %dma_wait3A_110 = tpu.memref_slice %arg2[%dma_wait3A_108, %dma_wait3A_109] : memref<10112x128xf32, #tpu.memory_space<hbm>> -> memref<10112x128xf32, #tpu.memory_space<hbm>>
        tpu.wait_indirect_dma semaphore(%arg11 : memref<!tpu.dma_semaphore, #tpu.memory_space<semaphore_mem>>) src(%dma_wait3A_110 : memref<10112x128xf32, #tpu.memory_space<hbm>>) dst(%dma_wait3A_104 : memref<128x128xf32, #tpu.memory_space<vmem>>)
        %dma_start3A_111 = arith.constant 0 : i32
        %dma_start3A_112 = arith.constant 0 : i32
        %dma_start3A_113 = tpu.memref_slice %arg9[%rem3A_100, %dma_start3A_111, %dma_start3A_112] : memref<2x128x128xf32, #tpu.memory_space<vmem>> -> memref<1x128x128xf32, #tpu.memory_space<vmem>>
        %dma_start3A_114 = tpu.memref_squeeze %dma_start3A_113 : memref<1x128x128xf32, #tpu.memory_space<vmem>> -> memref<128x128xf32, #tpu.memory_space<vmem>>
        %dma_start3A_115 = arith.constant 0 : i32
        %dma_start3A_116 = tpu.memref_slice %arg8[%scan3A_99, %dma_start3A_115] : memref<32x128xi32, #tpu.memory_space<vmem>> -> memref<1x128xi32, #tpu.memory_space<vmem>>
        %dma_start3A_117 = tpu.memref_squeeze %dma_start3A_116 : memref<1x128xi32, #tpu.memory_space<vmem>> -> memref<128xi32, #tpu.memory_space<vmem>>
        %dma_start3A_118 = arith.constant 0 : i32
        %dma_start3A_119 = arith.constant 0 : i32
        %dma_start3A_120 = tpu.memref_slice %arg10[%dma_start3A_118, %dma_start3A_119] : memref<10112x128xf32, #tpu.memory_space<vmem_shared>> -> memref<10112x128xf32, #tpu.memory_space<vmem_shared>>
        tpu.enqueue_indirect_dma source(%dma_start3A_114 : memref<128x128xf32, #tpu.memory_space<vmem>>) target(%dma_start3A_120 : memref<10112x128xf32, #tpu.memory_space<vmem_shared>>) offsets(%dma_start3A_117 : memref<128xi32, #tpu.memory_space<vmem>>) semaphore(%arg12 : memref<!tpu.dma_semaphore, #tpu.memory_space<semaphore_mem>>) {add = true}
        %sub3A = arith.constant 1 : i32
        %sub3A_121 = arith.subi %sub3A, %rem3A_100 : i32
        %dma_wait3A_122 = arith.constant 0 : i32
        %dma_wait3A_123 = arith.constant 0 : i32
        %dma_wait3A_124 = tpu.memref_slice %arg9[%sub3A_121, %dma_wait3A_122, %dma_wait3A_123] : memref<2x128x128xf32, #tpu.memory_space<vmem>> -> memref<1x128x128xf32, #tpu.memory_space<vmem>>
        %dma_wait3A_125 = tpu.memref_squeeze %dma_wait3A_124 : memref<1x128x128xf32, #tpu.memory_space<vmem>> -> memref<128x128xf32, #tpu.memory_space<vmem>>
        %dma_wait3A_126 = arith.constant 0 : i32
        %dma_wait3A_127 = tpu.memref_slice %arg8[%scan3A_99, %dma_wait3A_126] : memref<32x128xi32, #tpu.memory_space<vmem>> -> memref<1x128xi32, #tpu.memory_space<vmem>>
        %dma_wait3A_128 = tpu.memref_squeeze %dma_wait3A_127 : memref<1x128xi32, #tpu.memory_space<vmem>> -> memref<128xi32, #tpu.memory_space<vmem>>
        %dma_wait3A_129 = arith.constant 0 : i32
        %dma_wait3A_130 = arith.constant 0 : i32
        %dma_wait3A_131 = tpu.memref_slice %arg10[%dma_wait3A_129, %dma_wait3A_130] : memref<10112x128xf32, #tpu.memory_space<vmem_shared>> -> memref<10112x128xf32, #tpu.memory_space<vmem_shared>>
        tpu.wait_indirect_dma semaphore(%arg12 : memref<!tpu.dma_semaphore, #tpu.memory_space<semaphore_mem>>) src(%dma_wait3A_125 : memref<128x128xf32, #tpu.memory_space<vmem>>) dst(%dma_wait3A_131 : memref<10112x128xf32, #tpu.memory_space<vmem_shared>>)
        %lt3A = arith.constant 31 : i32
        %lt3A_132 = arith.cmpi slt, %scan3A_99, %lt3A : i32
        %convert_element_type3A_133 = arith.extui %lt3A_132 : i1 to i32
        %cond3A_134 = arith.constant 0 : i32
        %cond3A_135 = arith.cmpi ne, %convert_element_type3A_133, %cond3A_134 : i32
        scf.if %cond3A_135 {
          %add3A_136 = arith.constant 1 : i32
          %add3A_137 = arith.addi %scan3A_99, %add3A_136 : i32
          %sub3A_138 = arith.constant 1 : i32
          %sub3A_139 = arith.subi %sub3A_138, %rem3A_100 : i32
          %dma_start3A_140 = arith.constant 0 : i32
          %dma_start3A_141 = arith.constant 0 : i32
          %dma_start3A_142 = tpu.memref_slice %arg9[%sub3A_139, %dma_start3A_140, %dma_start3A_141] : memref<2x128x128xf32, #tpu.memory_space<vmem>> -> memref<1x128x128xf32, #tpu.memory_space<vmem>>
          %dma_start3A_143 = tpu.memref_squeeze %dma_start3A_142 : memref<1x128x128xf32, #tpu.memory_space<vmem>> -> memref<128x128xf32, #tpu.memory_space<vmem>>
          %dma_start3A_144 = arith.constant 0 : i32
          %dma_start3A_145 = tpu.memref_slice %arg7[%add3A_137, %dma_start3A_144] : memref<32x128xi32, #tpu.memory_space<vmem>> -> memref<1x128xi32, #tpu.memory_space<vmem>>
          %dma_start3A_146 = tpu.memref_squeeze %dma_start3A_145 : memref<1x128xi32, #tpu.memory_space<vmem>> -> memref<128xi32, #tpu.memory_space<vmem>>
          %dma_start3A_147 = arith.constant 0 : i32
          %dma_start3A_148 = arith.constant 0 : i32
          %dma_start3A_149 = tpu.memref_slice %arg2[%dma_start3A_147, %dma_start3A_148] : memref<10112x128xf32, #tpu.memory_space<hbm>> -> memref<10112x128xf32, #tpu.memory_space<hbm>>
          tpu.enqueue_indirect_dma source(%dma_start3A_149 : memref<10112x128xf32, #tpu.memory_space<hbm>>) target(%dma_start3A_143 : memref<128x128xf32, #tpu.memory_space<vmem>>) offsets(%dma_start3A_146 : memref<128xi32, #tpu.memory_space<vmem>>) semaphore(%arg11 : memref<!tpu.dma_semaphore, #tpu.memory_space<semaphore_mem>>)
        } else {
        }
      }
      %scan3A_86 = arith.constant 31 : i32
      %dma_wait3A_87 = arith.constant 0 : i32
      %dma_wait3A_88 = arith.constant 0 : i32
      %dma_wait3A_89 = arith.constant 0 : i32
      %dma_wait3A_90 = arith.constant 0 : i32
      %dma_wait3A_91 = tpu.memref_slice %arg9[%dma_wait3A_87, %dma_wait3A_89, %dma_wait3A_90] : memref<2x128x128xf32, #tpu.memory_space<vmem>> -> memref<1x128x128xf32, #tpu.memory_space<vmem>>
      %dma_wait3A_92 = tpu.memref_squeeze %dma_wait3A_91 : memref<1x128x128xf32, #tpu.memory_space<vmem>> -> memref<128x128xf32, #tpu.memory_space<vmem>>
      %dma_wait3A_93 = arith.constant 0 : i32
      %dma_wait3A_94 = tpu.memref_slice %arg8[%dma_wait3A_88, %dma_wait3A_93] : memref<32x128xi32, #tpu.memory_space<vmem>> -> memref<1x128xi32, #tpu.memory_space<vmem>>
      %dma_wait3A_95 = tpu.memref_squeeze %dma_wait3A_94 : memref<1x128xi32, #tpu.memory_space<vmem>> -> memref<128xi32, #tpu.memory_space<vmem>>
      %dma_wait3A_96 = arith.constant 0 : i32
      %dma_wait3A_97 = arith.constant 0 : i32
      %dma_wait3A_98 = tpu.memref_slice %arg10[%dma_wait3A_96, %dma_wait3A_97] : memref<10112x128xf32, #tpu.memory_space<vmem_shared>> -> memref<10112x128xf32, #tpu.memory_space<vmem_shared>>
      tpu.wait_indirect_dma semaphore(%arg12 : memref<!tpu.dma_semaphore, #tpu.memory_space<semaphore_mem>>) src(%dma_wait3A_92 : memref<128x128xf32, #tpu.memory_space<vmem>>) dst(%dma_wait3A_98 : memref<10112x128xf32, #tpu.memory_space<vmem_shared>>)
    } else {
    }
    %eq3A_8 = arith.constant 0 : i32
    %eq3A_9 = arith.cmpi eq, %arg0, %eq3A_8 : i32
    %convert_element_type3A_10 = arith.extui %eq3A_9 : i1 to i32
    %cond3A_11 = arith.constant 0 : i32
    %cond3A_12 = arith.cmpi ne, %convert_element_type3A_10, %cond3A_11 : i32
    scf.if %cond3A_12 {
      %mul3A_30 = arith.constant 128 : i32
      %mul3A_31 = arith.muli %arg1, %mul3A_30 : i32
      %add3A_32 = arith.constant 32 : i32
      %add3A_33 = arith.addi %mul3A_31, %add3A_32 : i32
      "tpu.region"() ({
        %run_scoped3A = tpu.sem_alloc : memref<!tpu.dma_semaphore, #tpu.memory_space<semaphore_mem>>
        %dma_start3A_97 = arith.constant 0 : i32
        %dma_start3A_98 = tpu.memref_slice %arg3[%add3A_33, %dma_start3A_97] : memref<2560x128xi32, #tpu.memory_space<hbm>> -> memref<32x128xi32, #tpu.memory_space<hbm>>
        %dma_start3A_99 = arith.constant 0 : i32
        %dma_start3A_100 = tpu.memref_slice %arg3[%add3A_33, %dma_start3A_99] : memref<2560x128xi32, #tpu.memory_space<hbm>> -> memref<32x128xi32, #tpu.memory_space<hbm>>
        tpu.enqueue_dma source(%dma_start3A_100 : memref<32x128xi32, #tpu.memory_space<hbm>>) target(%arg7 : memref<32x128xi32, #tpu.memory_space<vmem>>) target_semaphore(%run_scoped3A : memref<!tpu.dma_semaphore, #tpu.memory_space<semaphore_mem>>)
        %dma_wait3A_101 = arith.constant 0 : i32
        %dma_wait3A_102 = tpu.memref_slice %arg3[%add3A_33, %dma_wait3A_101] : memref<2560x128xi32, #tpu.memory_space<hbm>> -> memref<32x128xi32, #tpu.memory_space<hbm>>
        %dma_wait3A_103 = arith.constant 0 : i32
        %dma_wait3A_104 = tpu.memref_slice %arg3[%add3A_33, %dma_wait3A_103] : memref<2560x128xi32, #tpu.memory_space<hbm>> -> memref<32x128xi32, #tpu.memory_space<hbm>>
        tpu.wait_dma2 semaphore(%run_scoped3A : memref<!tpu.dma_semaphore, #tpu.memory_space<semaphore_mem>>) src(%dma_wait3A_104 : memref<32x128xi32, #tpu.memory_space<hbm>>) dst(%arg7 : memref<32x128xi32, #tpu.memory_space<vmem>>)
        tpu.yield
      }) : () -> ()
      "tpu.region"() ({
        %run_scoped3A = tpu.sem_alloc : memref<!tpu.dma_semaphore, #tpu.memory_space<semaphore_mem>>
        %dma_start3A_97 = arith.constant 0 : i32
        %dma_start3A_98 = tpu.memref_slice %arg4[%add3A_33, %dma_start3A_97] : memref<2560x128xi32, #tpu.memory_space<hbm>> -> memref<32x128xi32, #tpu.memory_space<hbm>>
        %dma_start3A_99 = arith.constant 0 : i32
        %dma_start3A_100 = tpu.memref_slice %arg4[%add3A_33, %dma_start3A_99] : memref<2560x128xi32, #tpu.memory_space<hbm>> -> memref<32x128xi32, #tpu.memory_space<hbm>>
        tpu.enqueue_dma source(%dma_start3A_100 : memref<32x128xi32, #tpu.memory_space<hbm>>) target(%arg8 : memref<32x128xi32, #tpu.memory_space<vmem>>) target_semaphore(%run_scoped3A : memref<!tpu.dma_semaphore, #tpu.memory_space<semaphore_mem>>)
        %dma_wait3A_101 = arith.constant 0 : i32
        %dma_wait3A_102 = tpu.memref_slice %arg4[%add3A_33, %dma_wait3A_101] : memref<2560x128xi32, #tpu.memory_space<hbm>> -> memref<32x128xi32, #tpu.memory_space<hbm>>
        %dma_wait3A_103 = arith.constant 0 : i32
        %dma_wait3A_104 = tpu.memref_slice %arg4[%add3A_33, %dma_wait3A_103] : memref<2560x128xi32, #tpu.memory_space<hbm>> -> memref<32x128xi32, #tpu.memory_space<hbm>>
        tpu.wait_dma2 semaphore(%run_scoped3A : memref<!tpu.dma_semaphore, #tpu.memory_space<semaphore_mem>>) src(%dma_wait3A_104 : memref<32x128xi32, #tpu.memory_space<hbm>>) dst(%arg8 : memref<32x128xi32, #tpu.memory_space<vmem>>)
        tpu.yield
      }) : () -> ()
      %dma_start3A = arith.constant 0 : i32
      %dma_start3A_34 = arith.constant 0 : i32
      %dma_start3A_35 = arith.constant 0 : i32
      %dma_start3A_36 = arith.constant 0 : i32
      %dma_start3A_37 = tpu.memref_slice %arg9[%dma_start3A_34, %dma_start3A_35, %dma_start3A_36] : memref<2x128x128xf32, #tpu.memory_space<vmem>> -> memref<1x128x128xf32, #tpu.memory_space<vmem>>
      %dma_start3A_38 = tpu.memref_squeeze %dma_start3A_37 : memref<1x128x128xf32, #tpu.memory_space<vmem>> -> memref<128x128xf32, #tpu.memory_space<vmem>>
      %dma_start3A_39 = arith.constant 0 : i32
      %dma_start3A_40 = tpu.memref_slice %arg7[%dma_start3A, %dma_start3A_39] : memref<32x128xi32, #tpu.memory_space<vmem>> -> memref<1x128xi32, #tpu.memory_space<vmem>>
      %dma_start3A_41 = tpu.memref_squeeze %dma_start3A_40 : memref<1x128xi32, #tpu.memory_space<vmem>> -> memref<128xi32, #tpu.memory_space<vmem>>
      %dma_start3A_42 = arith.constant 0 : i32
      %dma_start3A_43 = arith.constant 0 : i32
      %dma_start3A_44 = tpu.memref_slice %arg2[%dma_start3A_42, %dma_start3A_43] : memref<10112x128xf32, #tpu.memory_space<hbm>> -> memref<10112x128xf32, #tpu.memory_space<hbm>>
      tpu.enqueue_indirect_dma source(%dma_start3A_44 : memref<10112x128xf32, #tpu.memory_space<hbm>>) target(%dma_start3A_38 : memref<128x128xf32, #tpu.memory_space<vmem>>) offsets(%dma_start3A_41 : memref<128xi32, #tpu.memory_space<vmem>>) semaphore(%arg11 : memref<!tpu.dma_semaphore, #tpu.memory_space<semaphore_mem>>)
      %dma_wait3A = arith.constant 0 : i32
      %dma_wait3A_45 = arith.constant 0 : i32
      %dma_wait3A_46 = arith.constant 0 : i32
      %dma_wait3A_47 = arith.constant 0 : i32
      %dma_wait3A_48 = tpu.memref_slice %arg9[%dma_wait3A_45, %dma_wait3A_46, %dma_wait3A_47] : memref<2x128x128xf32, #tpu.memory_space<vmem>> -> memref<1x128x128xf32, #tpu.memory_space<vmem>>
      %dma_wait3A_49 = tpu.memref_squeeze %dma_wait3A_48 : memref<1x128x128xf32, #tpu.memory_space<vmem>> -> memref<128x128xf32, #tpu.memory_space<vmem>>
      %dma_wait3A_50 = arith.constant 0 : i32
      %dma_wait3A_51 = tpu.memref_slice %arg7[%dma_wait3A, %dma_wait3A_50] : memref<32x128xi32, #tpu.memory_space<vmem>> -> memref<1x128xi32, #tpu.memory_space<vmem>>
      %dma_wait3A_52 = tpu.memref_squeeze %dma_wait3A_51 : memref<1x128xi32, #tpu.memory_space<vmem>> -> memref<128xi32, #tpu.memory_space<vmem>>
      %dma_wait3A_53 = arith.constant 0 : i32
      %dma_wait3A_54 = arith.constant 0 : i32
      %dma_wait3A_55 = tpu.memref_slice %arg2[%dma_wait3A_53, %dma_wait3A_54] : memref<10112x128xf32, #tpu.memory_space<hbm>> -> memref<10112x128xf32, #tpu.memory_space<hbm>>
      tpu.wait_indirect_dma semaphore(%arg11 : memref<!tpu.dma_semaphore, #tpu.memory_space<semaphore_mem>>) src(%dma_wait3A_55 : memref<10112x128xf32, #tpu.memory_space<hbm>>) dst(%dma_wait3A_49 : memref<128x128xf32, #tpu.memory_space<vmem>>)
      %dma_start3A_56 = arith.constant 0 : i32
      %dma_start3A_57 = arith.constant 0 : i32
      %dma_start3A_58 = arith.constant 0 : i32
      %dma_start3A_59 = arith.constant 0 : i32
      %dma_start3A_60 = tpu.memref_slice %arg9[%dma_start3A_56, %dma_start3A_58, %dma_start3A_59] : memref<2x128x128xf32, #tpu.memory_space<vmem>> -> memref<1x128x128xf32, #tpu.memory_space<vmem>>
      %dma_start3A_61 = tpu.memref_squeeze %dma_start3A_60 : memref<1x128x128xf32, #tpu.memory_space<vmem>> -> memref<128x128xf32, #tpu.memory_space<vmem>>
      %dma_start3A_62 = arith.constant 0 : i32
      %dma_start3A_63 = tpu.memref_slice %arg8[%dma_start3A_57, %dma_start3A_62] : memref<32x128xi32, #tpu.memory_space<vmem>> -> memref<1x128xi32, #tpu.memory_space<vmem>>
      %dma_start3A_64 = tpu.memref_squeeze %dma_start3A_63 : memref<1x128xi32, #tpu.memory_space<vmem>> -> memref<128xi32, #tpu.memory_space<vmem>>
      %dma_start3A_65 = arith.constant 0 : i32
      %dma_start3A_66 = arith.constant 0 : i32
      %dma_start3A_67 = tpu.memref_slice %arg10[%dma_start3A_65, %dma_start3A_66] : memref<10112x128xf32, #tpu.memory_space<vmem_shared>> -> memref<10112x128xf32, #tpu.memory_space<vmem_shared>>
      tpu.enqueue_indirect_dma source(%dma_start3A_61 : memref<128x128xf32, #tpu.memory_space<vmem>>) target(%dma_start3A_67 : memref<10112x128xf32, #tpu.memory_space<vmem_shared>>) offsets(%dma_start3A_64 : memref<128xi32, #tpu.memory_space<vmem>>) semaphore(%arg12 : memref<!tpu.dma_semaphore, #tpu.memory_space<semaphore_mem>>) {add = true}
      %dma_start3A_68 = arith.constant 1 : i32
      %dma_start3A_69 = arith.constant 1 : i32
      %dma_start3A_70 = arith.constant 0 : i32
      %dma_start3A_71 = arith.constant 0 : i32
      %dma_start3A_72 = tpu.memref_slice %arg9[%dma_start3A_69, %dma_start3A_70, %dma_start3A_71] : memref<2x128x128xf32, #tpu.memory_space<vmem>> -> memref<1x128x128xf32, #tpu.memory_space<vmem>>
      %dma_start3A_73 = tpu.memref_squeeze %dma_start3A_72 : memref<1x128x128xf32, #tpu.memory_space<vmem>> -> memref<128x128xf32, #tpu.memory_space<vmem>>
      %dma_start3A_74 = arith.constant 0 : i32
      %dma_start3A_75 = tpu.memref_slice %arg7[%dma_start3A_68, %dma_start3A_74] : memref<32x128xi32, #tpu.memory_space<vmem>> -> memref<1x128xi32, #tpu.memory_space<vmem>>
      %dma_start3A_76 = tpu.memref_squeeze %dma_start3A_75 : memref<1x128xi32, #tpu.memory_space<vmem>> -> memref<128xi32, #tpu.memory_space<vmem>>
      %dma_start3A_77 = arith.constant 0 : i32
      %dma_start3A_78 = arith.constant 0 : i32
      %dma_start3A_79 = tpu.memref_slice %arg2[%dma_start3A_77, %dma_start3A_78] : memref<10112x128xf32, #tpu.memory_space<hbm>> -> memref<10112x128xf32, #tpu.memory_space<hbm>>
      tpu.enqueue_indirect_dma source(%dma_start3A_79 : memref<10112x128xf32, #tpu.memory_space<hbm>>) target(%dma_start3A_73 : memref<128x128xf32, #tpu.memory_space<vmem>>) offsets(%dma_start3A_76 : memref<128xi32, #tpu.memory_space<vmem>>) semaphore(%arg11 : memref<!tpu.dma_semaphore, #tpu.memory_space<semaphore_mem>>)
      %scan3A = arith.constant 0 : i32
      %scan3A_80 = arith.constant 1 : i32
      %scan3A_81 = arith.constant 31 : i32
      %scan3A_82 = arith.addi %scan3A_80, %scan3A_81 : i32
      %scan3A_83 = arith.constant 1 : i32
      scf.for %scan3A_97 = %scan3A_80 to %scan3A_82 step %scan3A_83  : i32 {
        %rem3A = arith.constant 2 : i32
        %rem3A_98 = arith.remsi %scan3A_97, %rem3A : i32
        %dma_wait3A_99 = arith.constant 0 : i32
        %dma_wait3A_100 = arith.constant 0 : i32
        %dma_wait3A_101 = tpu.memref_slice %arg9[%rem3A_98, %dma_wait3A_99, %dma_wait3A_100] : memref<2x128x128xf32, #tpu.memory_space<vmem>> -> memref<1x128x128xf32, #tpu.memory_space<vmem>>
        %dma_wait3A_102 = tpu.memref_squeeze %dma_wait3A_101 : memref<1x128x128xf32, #tpu.memory_space<vmem>> -> memref<128x128xf32, #tpu.memory_space<vmem>>
        %dma_wait3A_103 = arith.constant 0 : i32
        %dma_wait3A_104 = tpu.memref_slice %arg7[%scan3A_97, %dma_wait3A_103] : memref<32x128xi32, #tpu.memory_space<vmem>> -> memref<1x128xi32, #tpu.memory_space<vmem>>
        %dma_wait3A_105 = tpu.memref_squeeze %dma_wait3A_104 : memref<1x128xi32, #tpu.memory_space<vmem>> -> memref<128xi32, #tpu.memory_space<vmem>>
        %dma_wait3A_106 = arith.constant 0 : i32
        %dma_wait3A_107 = arith.constant 0 : i32
        %dma_wait3A_108 = tpu.memref_slice %arg2[%dma_wait3A_106, %dma_wait3A_107] : memref<10112x128xf32, #tpu.memory_space<hbm>> -> memref<10112x128xf32, #tpu.memory_space<hbm>>
        tpu.wait_indirect_dma semaphore(%arg11 : memref<!tpu.dma_semaphore, #tpu.memory_space<semaphore_mem>>) src(%dma_wait3A_108 : memref<10112x128xf32, #tpu.memory_space<hbm>>) dst(%dma_wait3A_102 : memref<128x128xf32, #tpu.memory_space<vmem>>)
        %dma_start3A_109 = arith.constant 0 : i32
        %dma_start3A_110 = arith.constant 0 : i32
        %dma_start3A_111 = tpu.memref_slice %arg9[%rem3A_98, %dma_start3A_109, %dma_start3A_110] : memref<2x128x128xf32, #tpu.memory_space<vmem>> -> memref<1x128x128xf32, #tpu.memory_space<vmem>>
        %dma_start3A_112 = tpu.memref_squeeze %dma_start3A_111 : memref<1x128x128xf32, #tpu.memory_space<vmem>> -> memref<128x128xf32, #tpu.memory_space<vmem>>
        %dma_start3A_113 = arith.constant 0 : i32
        %dma_start3A_114 = tpu.memref_slice %arg8[%scan3A_97, %dma_start3A_113] : memref<32x128xi32, #tpu.memory_space<vmem>> -> memref<1x128xi32, #tpu.memory_space<vmem>>
        %dma_start3A_115 = tpu.memref_squeeze %dma_start3A_114 : memref<1x128xi32, #tpu.memory_space<vmem>> -> memref<128xi32, #tpu.memory_space<vmem>>
        %dma_start3A_116 = arith.constant 0 : i32
        %dma_start3A_117 = arith.constant 0 : i32
        %dma_start3A_118 = tpu.memref_slice %arg10[%dma_start3A_116, %dma_start3A_117] : memref<10112x128xf32, #tpu.memory_space<vmem_shared>> -> memref<10112x128xf32, #tpu.memory_space<vmem_shared>>
        tpu.enqueue_indirect_dma source(%dma_start3A_112 : memref<128x128xf32, #tpu.memory_space<vmem>>) target(%dma_start3A_118 : memref<10112x128xf32, #tpu.memory_space<vmem_shared>>) offsets(%dma_start3A_115 : memref<128xi32, #tpu.memory_space<vmem>>) semaphore(%arg12 : memref<!tpu.dma_semaphore, #tpu.memory_space<semaphore_mem>>) {add = true}
        %sub3A = arith.constant 1 : i32
        %sub3A_119 = arith.subi %sub3A, %rem3A_98 : i32
        %dma_wait3A_120 = arith.constant 0 : i32
        %dma_wait3A_121 = arith.constant 0 : i32
        %dma_wait3A_122 = tpu.memref_slice %arg9[%sub3A_119, %dma_wait3A_120, %dma_wait3A_121] : memref<2x128x128xf32, #tpu.memory_space<vmem>> -> memref<1x128x128xf32, #tpu.memory_space<vmem>>
        %dma_wait3A_123 = tpu.memref_squeeze %dma_wait3A_122 : memref<1x128x128xf32, #tpu.memory_space<vmem>> -> memref<128x128xf32, #tpu.memory_space<vmem>>
        %dma_wait3A_124 = arith.constant 0 : i32
        %dma_wait3A_125 = tpu.memref_slice %arg8[%scan3A_97, %dma_wait3A_124] : memref<32x128xi32, #tpu.memory_space<vmem>> -> memref<1x128xi32, #tpu.memory_space<vmem>>
        %dma_wait3A_126 = tpu.memref_squeeze %dma_wait3A_125 : memref<1x128xi32, #tpu.memory_space<vmem>> -> memref<128xi32, #tpu.memory_space<vmem>>
        %dma_wait3A_127 = arith.constant 0 : i32
        %dma_wait3A_128 = arith.constant 0 : i32
        %dma_wait3A_129 = tpu.memref_slice %arg10[%dma_wait3A_127, %dma_wait3A_128] : memref<10112x128xf32, #tpu.memory_space<vmem_shared>> -> memref<10112x128xf32, #tpu.memory_space<vmem_shared>>
        tpu.wait_indirect_dma semaphore(%arg12 : memref<!tpu.dma_semaphore, #tpu.memory_space<semaphore_mem>>) src(%dma_wait3A_123 : memref<128x128xf32, #tpu.memory_space<vmem>>) dst(%dma_wait3A_129 : memref<10112x128xf32, #tpu.memory_space<vmem_shared>>)
        %lt3A = arith.constant 31 : i32
        %lt3A_130 = arith.cmpi slt, %scan3A_97, %lt3A : i32
        %convert_element_type3A_131 = arith.extui %lt3A_130 : i1 to i32
        %cond3A_132 = arith.constant 0 : i32
        %cond3A_133 = arith.cmpi ne, %convert_element_type3A_131, %cond3A_132 : i32
        scf.if %cond3A_133 {
          %add3A_134 = arith.constant 1 : i32
          %add3A_135 = arith.addi %scan3A_97, %add3A_134 : i32
          %sub3A_136 = arith.constant 1 : i32
          %sub3A_137 = arith.subi %sub3A_136, %rem3A_98 : i32
          %dma_start3A_138 = arith.constant 0 : i32
          %dma_start3A_139 = arith.constant 0 : i32
          %dma_start3A_140 = tpu.memref_slice %arg9[%sub3A_137, %dma_start3A_138, %dma_start3A_139] : memref<2x128x128xf32, #tpu.memory_space<vmem>> -> memref<1x128x128xf32, #tpu.memory_space<vmem>>
          %dma_start3A_141 = tpu.memref_squeeze %dma_start3A_140 : memref<1x128x128xf32, #tpu.memory_space<vmem>> -> memref<128x128xf32, #tpu.memory_space<vmem>>
          %dma_start3A_142 = arith.constant 0 : i32
          %dma_start3A_143 = tpu.memref_slice %arg7[%add3A_135, %dma_start3A_142] : memref<32x128xi32, #tpu.memory_space<vmem>> -> memref<1x128xi32, #tpu.memory_space<vmem>>
          %dma_start3A_144 = tpu.memref_squeeze %dma_start3A_143 : memref<1x128xi32, #tpu.memory_space<vmem>> -> memref<128xi32, #tpu.memory_space<vmem>>
          %dma_start3A_145 = arith.constant 0 : i32
          %dma_start3A_146 = arith.constant 0 : i32
          %dma_start3A_147 = tpu.memref_slice %arg2[%dma_start3A_145, %dma_start3A_146] : memref<10112x128xf32, #tpu.memory_space<hbm>> -> memref<10112x128xf32, #tpu.memory_space<hbm>>
          tpu.enqueue_indirect_dma source(%dma_start3A_147 : memref<10112x128xf32, #tpu.memory_space<hbm>>) target(%dma_start3A_141 : memref<128x128xf32, #tpu.memory_space<vmem>>) offsets(%dma_start3A_144 : memref<128xi32, #tpu.memory_space<vmem>>) semaphore(%arg11 : memref<!tpu.dma_semaphore, #tpu.memory_space<semaphore_mem>>)
        } else {
        }
      }
      %scan3A_84 = arith.constant 31 : i32
      %dma_wait3A_85 = arith.constant 0 : i32
      %dma_wait3A_86 = arith.constant 0 : i32
      %dma_wait3A_87 = arith.constant 0 : i32
      %dma_wait3A_88 = arith.constant 0 : i32
      %dma_wait3A_89 = tpu.memref_slice %arg9[%dma_wait3A_85, %dma_wait3A_87, %dma_wait3A_88] : memref<2x128x128xf32, #tpu.memory_space<vmem>> -> memref<1x128x128xf32, #tpu.memory_space<vmem>>
      %dma_wait3A_90 = tpu.memref_squeeze %dma_wait3A_89 : memref<1x128x128xf32, #tpu.memory_space<vmem>> -> memref<128x128xf32, #tpu.memory_space<vmem>>
      %dma_wait3A_91 = arith.constant 0 : i32
      %dma_wait3A_92 = tpu.memref_slice %arg8[%dma_wait3A_86, %dma_wait3A_91] : memref<32x128xi32, #tpu.memory_space<vmem>> -> memref<1x128xi32, #tpu.memory_space<vmem>>
      %dma_wait3A_93 = tpu.memref_squeeze %dma_wait3A_92 : memref<1x128xi32, #tpu.memory_space<vmem>> -> memref<128xi32, #tpu.memory_space<vmem>>
      %dma_wait3A_94 = arith.constant 0 : i32
      %dma_wait3A_95 = arith.constant 0 : i32
      %dma_wait3A_96 = tpu.memref_slice %arg10[%dma_wait3A_94, %dma_wait3A_95] : memref<10112x128xf32, #tpu.memory_space<vmem_shared>> -> memref<10112x128xf32, #tpu.memory_space<vmem_shared>>
      tpu.wait_indirect_dma semaphore(%arg12 : memref<!tpu.dma_semaphore, #tpu.memory_space<semaphore_mem>>) src(%dma_wait3A_90 : memref<128x128xf32, #tpu.memory_space<vmem>>) dst(%dma_wait3A_96 : memref<10112x128xf32, #tpu.memory_space<vmem_shared>>)
    } else {
    }
    %eq3A_13 = arith.constant 0 : i32
    %eq3A_14 = arith.cmpi eq, %arg0, %eq3A_13 : i32
    %convert_element_type3A_15 = arith.extui %eq3A_14 : i1 to i32
    %cond3A_16 = arith.constant 0 : i32
    %cond3A_17 = arith.cmpi ne, %convert_element_type3A_15, %cond3A_16 : i32
    scf.if %cond3A_17 {
      %mul3A_30 = arith.constant 128 : i32
      %mul3A_31 = arith.muli %arg1, %mul3A_30 : i32
      %add3A_32 = arith.constant 64 : i32
      %add3A_33 = arith.addi %mul3A_31, %add3A_32 : i32
      "tpu.region"() ({
        %run_scoped3A = tpu.sem_alloc : memref<!tpu.dma_semaphore, #tpu.memory_space<semaphore_mem>>
        %dma_start3A_97 = arith.constant 0 : i32
        %dma_start3A_98 = tpu.memref_slice %arg3[%add3A_33, %dma_start3A_97] : memref<2560x128xi32, #tpu.memory_space<hbm>> -> memref<32x128xi32, #tpu.memory_space<hbm>>
        %dma_start3A_99 = arith.constant 0 : i32
        %dma_start3A_100 = tpu.memref_slice %arg3[%add3A_33, %dma_start3A_99] : memref<2560x128xi32, #tpu.memory_space<hbm>> -> memref<32x128xi32, #tpu.memory_space<hbm>>
        tpu.enqueue_dma source(%dma_start3A_100 : memref<32x128xi32, #tpu.memory_space<hbm>>) target(%arg7 : memref<32x128xi32, #tpu.memory_space<vmem>>) target_semaphore(%run_scoped3A : memref<!tpu.dma_semaphore, #tpu.memory_space<semaphore_mem>>)
        %dma_wait3A_101 = arith.constant 0 : i32
        %dma_wait3A_102 = tpu.memref_slice %arg3[%add3A_33, %dma_wait3A_101] : memref<2560x128xi32, #tpu.memory_space<hbm>> -> memref<32x128xi32, #tpu.memory_space<hbm>>
        %dma_wait3A_103 = arith.constant 0 : i32
        %dma_wait3A_104 = tpu.memref_slice %arg3[%add3A_33, %dma_wait3A_103] : memref<2560x128xi32, #tpu.memory_space<hbm>> -> memref<32x128xi32, #tpu.memory_space<hbm>>
        tpu.wait_dma2 semaphore(%run_scoped3A : memref<!tpu.dma_semaphore, #tpu.memory_space<semaphore_mem>>) src(%dma_wait3A_104 : memref<32x128xi32, #tpu.memory_space<hbm>>) dst(%arg7 : memref<32x128xi32, #tpu.memory_space<vmem>>)
        tpu.yield
      }) : () -> ()
      "tpu.region"() ({
        %run_scoped3A = tpu.sem_alloc : memref<!tpu.dma_semaphore, #tpu.memory_space<semaphore_mem>>
        %dma_start3A_97 = arith.constant 0 : i32
        %dma_start3A_98 = tpu.memref_slice %arg4[%add3A_33, %dma_start3A_97] : memref<2560x128xi32, #tpu.memory_space<hbm>> -> memref<32x128xi32, #tpu.memory_space<hbm>>
        %dma_start3A_99 = arith.constant 0 : i32
        %dma_start3A_100 = tpu.memref_slice %arg4[%add3A_33, %dma_start3A_99] : memref<2560x128xi32, #tpu.memory_space<hbm>> -> memref<32x128xi32, #tpu.memory_space<hbm>>
        tpu.enqueue_dma source(%dma_start3A_100 : memref<32x128xi32, #tpu.memory_space<hbm>>) target(%arg8 : memref<32x128xi32, #tpu.memory_space<vmem>>) target_semaphore(%run_scoped3A : memref<!tpu.dma_semaphore, #tpu.memory_space<semaphore_mem>>)
        %dma_wait3A_101 = arith.constant 0 : i32
        %dma_wait3A_102 = tpu.memref_slice %arg4[%add3A_33, %dma_wait3A_101] : memref<2560x128xi32, #tpu.memory_space<hbm>> -> memref<32x128xi32, #tpu.memory_space<hbm>>
        %dma_wait3A_103 = arith.constant 0 : i32
        %dma_wait3A_104 = tpu.memref_slice %arg4[%add3A_33, %dma_wait3A_103] : memref<2560x128xi32, #tpu.memory_space<hbm>> -> memref<32x128xi32, #tpu.memory_space<hbm>>
        tpu.wait_dma2 semaphore(%run_scoped3A : memref<!tpu.dma_semaphore, #tpu.memory_space<semaphore_mem>>) src(%dma_wait3A_104 : memref<32x128xi32, #tpu.memory_space<hbm>>) dst(%arg8 : memref<32x128xi32, #tpu.memory_space<vmem>>)
        tpu.yield
      }) : () -> ()
      %dma_start3A = arith.constant 0 : i32
      %dma_start3A_34 = arith.constant 0 : i32
      %dma_start3A_35 = arith.constant 0 : i32
      %dma_start3A_36 = arith.constant 0 : i32
      %dma_start3A_37 = tpu.memref_slice %arg9[%dma_start3A_34, %dma_start3A_35, %dma_start3A_36] : memref<2x128x128xf32, #tpu.memory_space<vmem>> -> memref<1x128x128xf32, #tpu.memory_space<vmem>>
      %dma_start3A_38 = tpu.memref_squeeze %dma_start3A_37 : memref<1x128x128xf32, #tpu.memory_space<vmem>> -> memref<128x128xf32, #tpu.memory_space<vmem>>
      %dma_start3A_39 = arith.constant 0 : i32
      %dma_start3A_40 = tpu.memref_slice %arg7[%dma_start3A, %dma_start3A_39] : memref<32x128xi32, #tpu.memory_space<vmem>> -> memref<1x128xi32, #tpu.memory_space<vmem>>
      %dma_start3A_41 = tpu.memref_squeeze %dma_start3A_40 : memref<1x128xi32, #tpu.memory_space<vmem>> -> memref<128xi32, #tpu.memory_space<vmem>>
      %dma_start3A_42 = arith.constant 0 : i32
      %dma_start3A_43 = arith.constant 0 : i32
      %dma_start3A_44 = tpu.memref_slice %arg2[%dma_start3A_42, %dma_start3A_43] : memref<10112x128xf32, #tpu.memory_space<hbm>> -> memref<10112x128xf32, #tpu.memory_space<hbm>>
      tpu.enqueue_indirect_dma source(%dma_start3A_44 : memref<10112x128xf32, #tpu.memory_space<hbm>>) target(%dma_start3A_38 : memref<128x128xf32, #tpu.memory_space<vmem>>) offsets(%dma_start3A_41 : memref<128xi32, #tpu.memory_space<vmem>>) semaphore(%arg11 : memref<!tpu.dma_semaphore, #tpu.memory_space<semaphore_mem>>)
      %dma_wait3A = arith.constant 0 : i32
      %dma_wait3A_45 = arith.constant 0 : i32
      %dma_wait3A_46 = arith.constant 0 : i32
      %dma_wait3A_47 = arith.constant 0 : i32
      %dma_wait3A_48 = tpu.memref_slice %arg9[%dma_wait3A_45, %dma_wait3A_46, %dma_wait3A_47] : memref<2x128x128xf32, #tpu.memory_space<vmem>> -> memref<1x128x128xf32, #tpu.memory_space<vmem>>
      %dma_wait3A_49 = tpu.memref_squeeze %dma_wait3A_48 : memref<1x128x128xf32, #tpu.memory_space<vmem>> -> memref<128x128xf32, #tpu.memory_space<vmem>>
      %dma_wait3A_50 = arith.constant 0 : i32
      %dma_wait3A_51 = tpu.memref_slice %arg7[%dma_wait3A, %dma_wait3A_50] : memref<32x128xi32, #tpu.memory_space<vmem>> -> memref<1x128xi32, #tpu.memory_space<vmem>>
      %dma_wait3A_52 = tpu.memref_squeeze %dma_wait3A_51 : memref<1x128xi32, #tpu.memory_space<vmem>> -> memref<128xi32, #tpu.memory_space<vmem>>
      %dma_wait3A_53 = arith.constant 0 : i32
      %dma_wait3A_54 = arith.constant 0 : i32
      %dma_wait3A_55 = tpu.memref_slice %arg2[%dma_wait3A_53, %dma_wait3A_54] : memref<10112x128xf32, #tpu.memory_space<hbm>> -> memref<10112x128xf32, #tpu.memory_space<hbm>>
      tpu.wait_indirect_dma semaphore(%arg11 : memref<!tpu.dma_semaphore, #tpu.memory_space<semaphore_mem>>) src(%dma_wait3A_55 : memref<10112x128xf32, #tpu.memory_space<hbm>>) dst(%dma_wait3A_49 : memref<128x128xf32, #tpu.memory_space<vmem>>)
      %dma_start3A_56 = arith.constant 0 : i32
      %dma_start3A_57 = arith.constant 0 : i32
      %dma_start3A_58 = arith.constant 0 : i32
      %dma_start3A_59 = arith.constant 0 : i32
      %dma_start3A_60 = tpu.memref_slice %arg9[%dma_start3A_56, %dma_start3A_58, %dma_start3A_59] : memref<2x128x128xf32, #tpu.memory_space<vmem>> -> memref<1x128x128xf32, #tpu.memory_space<vmem>>
      %dma_start3A_61 = tpu.memref_squeeze %dma_start3A_60 : memref<1x128x128xf32, #tpu.memory_space<vmem>> -> memref<128x128xf32, #tpu.memory_space<vmem>>
      %dma_start3A_62 = arith.constant 0 : i32
      %dma_start3A_63 = tpu.memref_slice %arg8[%dma_start3A_57, %dma_start3A_62] : memref<32x128xi32, #tpu.memory_space<vmem>> -> memref<1x128xi32, #tpu.memory_space<vmem>>
      %dma_start3A_64 = tpu.memref_squeeze %dma_start3A_63 : memref<1x128xi32, #tpu.memory_space<vmem>> -> memref<128xi32, #tpu.memory_space<vmem>>
      %dma_start3A_65 = arith.constant 0 : i32
      %dma_start3A_66 = arith.constant 0 : i32
      %dma_start3A_67 = tpu.memref_slice %arg10[%dma_start3A_65, %dma_start3A_66] : memref<10112x128xf32, #tpu.memory_space<vmem_shared>> -> memref<10112x128xf32, #tpu.memory_space<vmem_shared>>
      tpu.enqueue_indirect_dma source(%dma_start3A_61 : memref<128x128xf32, #tpu.memory_space<vmem>>) target(%dma_start3A_67 : memref<10112x128xf32, #tpu.memory_space<vmem_shared>>) offsets(%dma_start3A_64 : memref<128xi32, #tpu.memory_space<vmem>>) semaphore(%arg12 : memref<!tpu.dma_semaphore, #tpu.memory_space<semaphore_mem>>) {add = true}
      %dma_start3A_68 = arith.constant 1 : i32
      %dma_start3A_69 = arith.constant 1 : i32
      %dma_start3A_70 = arith.constant 0 : i32
      %dma_start3A_71 = arith.constant 0 : i32
      %dma_start3A_72 = tpu.memref_slice %arg9[%dma_start3A_69, %dma_start3A_70, %dma_start3A_71] : memref<2x128x128xf32, #tpu.memory_space<vmem>> -> memref<1x128x128xf32, #tpu.memory_space<vmem>>
      %dma_start3A_73 = tpu.memref_squeeze %dma_start3A_72 : memref<1x128x128xf32, #tpu.memory_space<vmem>> -> memref<128x128xf32, #tpu.memory_space<vmem>>
      %dma_start3A_74 = arith.constant 0 : i32
      %dma_start3A_75 = tpu.memref_slice %arg7[%dma_start3A_68, %dma_start3A_74] : memref<32x128xi32, #tpu.memory_space<vmem>> -> memref<1x128xi32, #tpu.memory_space<vmem>>
      %dma_start3A_76 = tpu.memref_squeeze %dma_start3A_75 : memref<1x128xi32, #tpu.memory_space<vmem>> -> memref<128xi32, #tpu.memory_space<vmem>>
      %dma_start3A_77 = arith.constant 0 : i32
      %dma_start3A_78 = arith.constant 0 : i32
      %dma_start3A_79 = tpu.memref_slice %arg2[%dma_start3A_77, %dma_start3A_78] : memref<10112x128xf32, #tpu.memory_space<hbm>> -> memref<10112x128xf32, #tpu.memory_space<hbm>>
      tpu.enqueue_indirect_dma source(%dma_start3A_79 : memref<10112x128xf32, #tpu.memory_space<hbm>>) target(%dma_start3A_73 : memref<128x128xf32, #tpu.memory_space<vmem>>) offsets(%dma_start3A_76 : memref<128xi32, #tpu.memory_space<vmem>>) semaphore(%arg11 : memref<!tpu.dma_semaphore, #tpu.memory_space<semaphore_mem>>)
      %scan3A = arith.constant 0 : i32
      %scan3A_80 = arith.constant 1 : i32
      %scan3A_81 = arith.constant 31 : i32
      %scan3A_82 = arith.addi %scan3A_80, %scan3A_81 : i32
      %scan3A_83 = arith.constant 1 : i32
      scf.for %scan3A_97 = %scan3A_80 to %scan3A_82 step %scan3A_83  : i32 {
        %rem3A = arith.constant 2 : i32
        %rem3A_98 = arith.remsi %scan3A_97, %rem3A : i32
        %dma_wait3A_99 = arith.constant 0 : i32
        %dma_wait3A_100 = arith.constant 0 : i32
        %dma_wait3A_101 = tpu.memref_slice %arg9[%rem3A_98, %dma_wait3A_99, %dma_wait3A_100] : memref<2x128x128xf32, #tpu.memory_space<vmem>> -> memref<1x128x128xf32, #tpu.memory_space<vmem>>
        %dma_wait3A_102 = tpu.memref_squeeze %dma_wait3A_101 : memref<1x128x128xf32, #tpu.memory_space<vmem>> -> memref<128x128xf32, #tpu.memory_space<vmem>>
        %dma_wait3A_103 = arith.constant 0 : i32
        %dma_wait3A_104 = tpu.memref_slice %arg7[%scan3A_97, %dma_wait3A_103] : memref<32x128xi32, #tpu.memory_space<vmem>> -> memref<1x128xi32, #tpu.memory_space<vmem>>
        %dma_wait3A_105 = tpu.memref_squeeze %dma_wait3A_104 : memref<1x128xi32, #tpu.memory_space<vmem>> -> memref<128xi32, #tpu.memory_space<vmem>>
        %dma_wait3A_106 = arith.constant 0 : i32
        %dma_wait3A_107 = arith.constant 0 : i32
        %dma_wait3A_108 = tpu.memref_slice %arg2[%dma_wait3A_106, %dma_wait3A_107] : memref<10112x128xf32, #tpu.memory_space<hbm>> -> memref<10112x128xf32, #tpu.memory_space<hbm>>
        tpu.wait_indirect_dma semaphore(%arg11 : memref<!tpu.dma_semaphore, #tpu.memory_space<semaphore_mem>>) src(%dma_wait3A_108 : memref<10112x128xf32, #tpu.memory_space<hbm>>) dst(%dma_wait3A_102 : memref<128x128xf32, #tpu.memory_space<vmem>>)
        %dma_start3A_109 = arith.constant 0 : i32
        %dma_start3A_110 = arith.constant 0 : i32
        %dma_start3A_111 = tpu.memref_slice %arg9[%rem3A_98, %dma_start3A_109, %dma_start3A_110] : memref<2x128x128xf32, #tpu.memory_space<vmem>> -> memref<1x128x128xf32, #tpu.memory_space<vmem>>
        %dma_start3A_112 = tpu.memref_squeeze %dma_start3A_111 : memref<1x128x128xf32, #tpu.memory_space<vmem>> -> memref<128x128xf32, #tpu.memory_space<vmem>>
        %dma_start3A_113 = arith.constant 0 : i32
        %dma_start3A_114 = tpu.memref_slice %arg8[%scan3A_97, %dma_start3A_113] : memref<32x128xi32, #tpu.memory_space<vmem>> -> memref<1x128xi32, #tpu.memory_space<vmem>>
        %dma_start3A_115 = tpu.memref_squeeze %dma_start3A_114 : memref<1x128xi32, #tpu.memory_space<vmem>> -> memref<128xi32, #tpu.memory_space<vmem>>
        %dma_start3A_116 = arith.constant 0 : i32
        %dma_start3A_117 = arith.constant 0 : i32
        %dma_start3A_118 = tpu.memref_slice %arg10[%dma_start3A_116, %dma_start3A_117] : memref<10112x128xf32, #tpu.memory_space<vmem_shared>> -> memref<10112x128xf32, #tpu.memory_space<vmem_shared>>
        tpu.enqueue_indirect_dma source(%dma_start3A_112 : memref<128x128xf32, #tpu.memory_space<vmem>>) target(%dma_start3A_118 : memref<10112x128xf32, #tpu.memory_space<vmem_shared>>) offsets(%dma_start3A_115 : memref<128xi32, #tpu.memory_space<vmem>>) semaphore(%arg12 : memref<!tpu.dma_semaphore, #tpu.memory_space<semaphore_mem>>) {add = true}
        %sub3A = arith.constant 1 : i32
        %sub3A_119 = arith.subi %sub3A, %rem3A_98 : i32
        %dma_wait3A_120 = arith.constant 0 : i32
        %dma_wait3A_121 = arith.constant 0 : i32
        %dma_wait3A_122 = tpu.memref_slice %arg9[%sub3A_119, %dma_wait3A_120, %dma_wait3A_121] : memref<2x128x128xf32, #tpu.memory_space<vmem>> -> memref<1x128x128xf32, #tpu.memory_space<vmem>>
        %dma_wait3A_123 = tpu.memref_squeeze %dma_wait3A_122 : memref<1x128x128xf32, #tpu.memory_space<vmem>> -> memref<128x128xf32, #tpu.memory_space<vmem>>
        %dma_wait3A_124 = arith.constant 0 : i32
        %dma_wait3A_125 = tpu.memref_slice %arg8[%scan3A_97, %dma_wait3A_124] : memref<32x128xi32, #tpu.memory_space<vmem>> -> memref<1x128xi32, #tpu.memory_space<vmem>>
        %dma_wait3A_126 = tpu.memref_squeeze %dma_wait3A_125 : memref<1x128xi32, #tpu.memory_space<vmem>> -> memref<128xi32, #tpu.memory_space<vmem>>
        %dma_wait3A_127 = arith.constant 0 : i32
        %dma_wait3A_128 = arith.constant 0 : i32
        %dma_wait3A_129 = tpu.memref_slice %arg10[%dma_wait3A_127, %dma_wait3A_128] : memref<10112x128xf32, #tpu.memory_space<vmem_shared>> -> memref<10112x128xf32, #tpu.memory_space<vmem_shared>>
        tpu.wait_indirect_dma semaphore(%arg12 : memref<!tpu.dma_semaphore, #tpu.memory_space<semaphore_mem>>) src(%dma_wait3A_123 : memref<128x128xf32, #tpu.memory_space<vmem>>) dst(%dma_wait3A_129 : memref<10112x128xf32, #tpu.memory_space<vmem_shared>>)
        %lt3A = arith.constant 31 : i32
        %lt3A_130 = arith.cmpi slt, %scan3A_97, %lt3A : i32
        %convert_element_type3A_131 = arith.extui %lt3A_130 : i1 to i32
        %cond3A_132 = arith.constant 0 : i32
        %cond3A_133 = arith.cmpi ne, %convert_element_type3A_131, %cond3A_132 : i32
        scf.if %cond3A_133 {
          %add3A_134 = arith.constant 1 : i32
          %add3A_135 = arith.addi %scan3A_97, %add3A_134 : i32
          %sub3A_136 = arith.constant 1 : i32
          %sub3A_137 = arith.subi %sub3A_136, %rem3A_98 : i32
          %dma_start3A_138 = arith.constant 0 : i32
          %dma_start3A_139 = arith.constant 0 : i32
          %dma_start3A_140 = tpu.memref_slice %arg9[%sub3A_137, %dma_start3A_138, %dma_start3A_139] : memref<2x128x128xf32, #tpu.memory_space<vmem>> -> memref<1x128x128xf32, #tpu.memory_space<vmem>>
          %dma_start3A_141 = tpu.memref_squeeze %dma_start3A_140 : memref<1x128x128xf32, #tpu.memory_space<vmem>> -> memref<128x128xf32, #tpu.memory_space<vmem>>
          %dma_start3A_142 = arith.constant 0 : i32
          %dma_start3A_143 = tpu.memref_slice %arg7[%add3A_135, %dma_start3A_142] : memref<32x128xi32, #tpu.memory_space<vmem>> -> memref<1x128xi32, #tpu.memory_space<vmem>>
          %dma_start3A_144 = tpu.memref_squeeze %dma_start3A_143 : memref<1x128xi32, #tpu.memory_space<vmem>> -> memref<128xi32, #tpu.memory_space<vmem>>
          %dma_start3A_145 = arith.constant 0 : i32
          %dma_start3A_146 = arith.constant 0 : i32
          %dma_start3A_147 = tpu.memref_slice %arg2[%dma_start3A_145, %dma_start3A_146] : memref<10112x128xf32, #tpu.memory_space<hbm>> -> memref<10112x128xf32, #tpu.memory_space<hbm>>
          tpu.enqueue_indirect_dma source(%dma_start3A_147 : memref<10112x128xf32, #tpu.memory_space<hbm>>) target(%dma_start3A_141 : memref<128x128xf32, #tpu.memory_space<vmem>>) offsets(%dma_start3A_144 : memref<128xi32, #tpu.memory_space<vmem>>) semaphore(%arg11 : memref<!tpu.dma_semaphore, #tpu.memory_space<semaphore_mem>>)
        } else {
        }
      }
      %scan3A_84 = arith.constant 31 : i32
      %dma_wait3A_85 = arith.constant 0 : i32
      %dma_wait3A_86 = arith.constant 0 : i32
      %dma_wait3A_87 = arith.constant 0 : i32
      %dma_wait3A_88 = arith.constant 0 : i32
      %dma_wait3A_89 = tpu.memref_slice %arg9[%dma_wait3A_85, %dma_wait3A_87, %dma_wait3A_88] : memref<2x128x128xf32, #tpu.memory_space<vmem>> -> memref<1x128x128xf32, #tpu.memory_space<vmem>>
      %dma_wait3A_90 = tpu.memref_squeeze %dma_wait3A_89 : memref<1x128x128xf32, #tpu.memory_space<vmem>> -> memref<128x128xf32, #tpu.memory_space<vmem>>
      %dma_wait3A_91 = arith.constant 0 : i32
      %dma_wait3A_92 = tpu.memref_slice %arg8[%dma_wait3A_86, %dma_wait3A_91] : memref<32x128xi32, #tpu.memory_space<vmem>> -> memref<1x128xi32, #tpu.memory_space<vmem>>
      %dma_wait3A_93 = tpu.memref_squeeze %dma_wait3A_92 : memref<1x128xi32, #tpu.memory_space<vmem>> -> memref<128xi32, #tpu.memory_space<vmem>>
      %dma_wait3A_94 = arith.constant 0 : i32
      %dma_wait3A_95 = arith.constant 0 : i32
      %dma_wait3A_96 = tpu.memref_slice %arg10[%dma_wait3A_94, %dma_wait3A_95] : memref<10112x128xf32, #tpu.memory_space<vmem_shared>> -> memref<10112x128xf32, #tpu.memory_space<vmem_shared>>
      tpu.wait_indirect_dma semaphore(%arg12 : memref<!tpu.dma_semaphore, #tpu.memory_space<semaphore_mem>>) src(%dma_wait3A_90 : memref<128x128xf32, #tpu.memory_space<vmem>>) dst(%dma_wait3A_96 : memref<10112x128xf32, #tpu.memory_space<vmem_shared>>)
    } else {
    }
    %eq3A_18 = arith.constant 0 : i32
    %eq3A_19 = arith.cmpi eq, %arg0, %eq3A_18 : i32
    %convert_element_type3A_20 = arith.extui %eq3A_19 : i1 to i32
    %cond3A_21 = arith.constant 0 : i32
    %cond3A_22 = arith.cmpi ne, %convert_element_type3A_20, %cond3A_21 : i32
    scf.if %cond3A_22 {
      %mul3A_30 = arith.constant 128 : i32
      %mul3A_31 = arith.muli %arg1, %mul3A_30 : i32
      %add3A_32 = arith.constant 96 : i32
      %add3A_33 = arith.addi %mul3A_31, %add3A_32 : i32
      "tpu.region"() ({
        %run_scoped3A = tpu.sem_alloc : memref<!tpu.dma_semaphore, #tpu.memory_space<semaphore_mem>>
        %dma_start3A_97 = arith.constant 0 : i32
        %dma_start3A_98 = tpu.memref_slice %arg3[%add3A_33, %dma_start3A_97] : memref<2560x128xi32, #tpu.memory_space<hbm>> -> memref<32x128xi32, #tpu.memory_space<hbm>>
        %dma_start3A_99 = arith.constant 0 : i32
        %dma_start3A_100 = tpu.memref_slice %arg3[%add3A_33, %dma_start3A_99] : memref<2560x128xi32, #tpu.memory_space<hbm>> -> memref<32x128xi32, #tpu.memory_space<hbm>>
        tpu.enqueue_dma source(%dma_start3A_100 : memref<32x128xi32, #tpu.memory_space<hbm>>) target(%arg7 : memref<32x128xi32, #tpu.memory_space<vmem>>) target_semaphore(%run_scoped3A : memref<!tpu.dma_semaphore, #tpu.memory_space<semaphore_mem>>)
        %dma_wait3A_101 = arith.constant 0 : i32
        %dma_wait3A_102 = tpu.memref_slice %arg3[%add3A_33, %dma_wait3A_101] : memref<2560x128xi32, #tpu.memory_space<hbm>> -> memref<32x128xi32, #tpu.memory_space<hbm>>
        %dma_wait3A_103 = arith.constant 0 : i32
        %dma_wait3A_104 = tpu.memref_slice %arg3[%add3A_33, %dma_wait3A_103] : memref<2560x128xi32, #tpu.memory_space<hbm>> -> memref<32x128xi32, #tpu.memory_space<hbm>>
        tpu.wait_dma2 semaphore(%run_scoped3A : memref<!tpu.dma_semaphore, #tpu.memory_space<semaphore_mem>>) src(%dma_wait3A_104 : memref<32x128xi32, #tpu.memory_space<hbm>>) dst(%arg7 : memref<32x128xi32, #tpu.memory_space<vmem>>)
        tpu.yield
      }) : () -> ()
      "tpu.region"() ({
        %run_scoped3A = tpu.sem_alloc : memref<!tpu.dma_semaphore, #tpu.memory_space<semaphore_mem>>
        %dma_start3A_97 = arith.constant 0 : i32
        %dma_start3A_98 = tpu.memref_slice %arg4[%add3A_33, %dma_start3A_97] : memref<2560x128xi32, #tpu.memory_space<hbm>> -> memref<32x128xi32, #tpu.memory_space<hbm>>
        %dma_start3A_99 = arith.constant 0 : i32
        %dma_start3A_100 = tpu.memref_slice %arg4[%add3A_33, %dma_start3A_99] : memref<2560x128xi32, #tpu.memory_space<hbm>> -> memref<32x128xi32, #tpu.memory_space<hbm>>
        tpu.enqueue_dma source(%dma_start3A_100 : memref<32x128xi32, #tpu.memory_space<hbm>>) target(%arg8 : memref<32x128xi32, #tpu.memory_space<vmem>>) target_semaphore(%run_scoped3A : memref<!tpu.dma_semaphore, #tpu.memory_space<semaphore_mem>>)
        %dma_wait3A_101 = arith.constant 0 : i32
        %dma_wait3A_102 = tpu.memref_slice %arg4[%add3A_33, %dma_wait3A_101] : memref<2560x128xi32, #tpu.memory_space<hbm>> -> memref<32x128xi32, #tpu.memory_space<hbm>>
        %dma_wait3A_103 = arith.constant 0 : i32
        %dma_wait3A_104 = tpu.memref_slice %arg4[%add3A_33, %dma_wait3A_103] : memref<2560x128xi32, #tpu.memory_space<hbm>> -> memref<32x128xi32, #tpu.memory_space<hbm>>
        tpu.wait_dma2 semaphore(%run_scoped3A : memref<!tpu.dma_semaphore, #tpu.memory_space<semaphore_mem>>) src(%dma_wait3A_104 : memref<32x128xi32, #tpu.memory_space<hbm>>) dst(%arg8 : memref<32x128xi32, #tpu.memory_space<vmem>>)
        tpu.yield
      }) : () -> ()
      %dma_start3A = arith.constant 0 : i32
      %dma_start3A_34 = arith.constant 0 : i32
      %dma_start3A_35 = arith.constant 0 : i32
      %dma_start3A_36 = arith.constant 0 : i32
      %dma_start3A_37 = tpu.memref_slice %arg9[%dma_start3A_34, %dma_start3A_35, %dma_start3A_36] : memref<2x128x128xf32, #tpu.memory_space<vmem>> -> memref<1x128x128xf32, #tpu.memory_space<vmem>>
      %dma_start3A_38 = tpu.memref_squeeze %dma_start3A_37 : memref<1x128x128xf32, #tpu.memory_space<vmem>> -> memref<128x128xf32, #tpu.memory_space<vmem>>
      %dma_start3A_39 = arith.constant 0 : i32
      %dma_start3A_40 = tpu.memref_slice %arg7[%dma_start3A, %dma_start3A_39] : memref<32x128xi32, #tpu.memory_space<vmem>> -> memref<1x128xi32, #tpu.memory_space<vmem>>
      %dma_start3A_41 = tpu.memref_squeeze %dma_start3A_40 : memref<1x128xi32, #tpu.memory_space<vmem>> -> memref<128xi32, #tpu.memory_space<vmem>>
      %dma_start3A_42 = arith.constant 0 : i32
      %dma_start3A_43 = arith.constant 0 : i32
      %dma_start3A_44 = tpu.memref_slice %arg2[%dma_start3A_42, %dma_start3A_43] : memref<10112x128xf32, #tpu.memory_space<hbm>> -> memref<10112x128xf32, #tpu.memory_space<hbm>>
      tpu.enqueue_indirect_dma source(%dma_start3A_44 : memref<10112x128xf32, #tpu.memory_space<hbm>>) target(%dma_start3A_38 : memref<128x128xf32, #tpu.memory_space<vmem>>) offsets(%dma_start3A_41 : memref<128xi32, #tpu.memory_space<vmem>>) semaphore(%arg11 : memref<!tpu.dma_semaphore, #tpu.memory_space<semaphore_mem>>)
      %dma_wait3A = arith.constant 0 : i32
      %dma_wait3A_45 = arith.constant 0 : i32
      %dma_wait3A_46 = arith.constant 0 : i32
      %dma_wait3A_47 = arith.constant 0 : i32
      %dma_wait3A_48 = tpu.memref_slice %arg9[%dma_wait3A_45, %dma_wait3A_46, %dma_wait3A_47] : memref<2x128x128xf32, #tpu.memory_space<vmem>> -> memref<1x128x128xf32, #tpu.memory_space<vmem>>
      %dma_wait3A_49 = tpu.memref_squeeze %dma_wait3A_48 : memref<1x128x128xf32, #tpu.memory_space<vmem>> -> memref<128x128xf32, #tpu.memory_space<vmem>>
      %dma_wait3A_50 = arith.constant 0 : i32
      %dma_wait3A_51 = tpu.memref_slice %arg7[%dma_wait3A, %dma_wait3A_50] : memref<32x128xi32, #tpu.memory_space<vmem>> -> memref<1x128xi32, #tpu.memory_space<vmem>>
      %dma_wait3A_52 = tpu.memref_squeeze %dma_wait3A_51 : memref<1x128xi32, #tpu.memory_space<vmem>> -> memref<128xi32, #tpu.memory_space<vmem>>
      %dma_wait3A_53 = arith.constant 0 : i32
      %dma_wait3A_54 = arith.constant 0 : i32
      %dma_wait3A_55 = tpu.memref_slice %arg2[%dma_wait3A_53, %dma_wait3A_54] : memref<10112x128xf32, #tpu.memory_space<hbm>> -> memref<10112x128xf32, #tpu.memory_space<hbm>>
      tpu.wait_indirect_dma semaphore(%arg11 : memref<!tpu.dma_semaphore, #tpu.memory_space<semaphore_mem>>) src(%dma_wait3A_55 : memref<10112x128xf32, #tpu.memory_space<hbm>>) dst(%dma_wait3A_49 : memref<128x128xf32, #tpu.memory_space<vmem>>)
      %dma_start3A_56 = arith.constant 0 : i32
      %dma_start3A_57 = arith.constant 0 : i32
      %dma_start3A_58 = arith.constant 0 : i32
      %dma_start3A_59 = arith.constant 0 : i32
      %dma_start3A_60 = tpu.memref_slice %arg9[%dma_start3A_56, %dma_start3A_58, %dma_start3A_59] : memref<2x128x128xf32, #tpu.memory_space<vmem>> -> memref<1x128x128xf32, #tpu.memory_space<vmem>>
      %dma_start3A_61 = tpu.memref_squeeze %dma_start3A_60 : memref<1x128x128xf32, #tpu.memory_space<vmem>> -> memref<128x128xf32, #tpu.memory_space<vmem>>
      %dma_start3A_62 = arith.constant 0 : i32
      %dma_start3A_63 = tpu.memref_slice %arg8[%dma_start3A_57, %dma_start3A_62] : memref<32x128xi32, #tpu.memory_space<vmem>> -> memref<1x128xi32, #tpu.memory_space<vmem>>
      %dma_start3A_64 = tpu.memref_squeeze %dma_start3A_63 : memref<1x128xi32, #tpu.memory_space<vmem>> -> memref<128xi32, #tpu.memory_space<vmem>>
      %dma_start3A_65 = arith.constant 0 : i32
      %dma_start3A_66 = arith.constant 0 : i32
      %dma_start3A_67 = tpu.memref_slice %arg10[%dma_start3A_65, %dma_start3A_66] : memref<10112x128xf32, #tpu.memory_space<vmem_shared>> -> memref<10112x128xf32, #tpu.memory_space<vmem_shared>>
      tpu.enqueue_indirect_dma source(%dma_start3A_61 : memref<128x128xf32, #tpu.memory_space<vmem>>) target(%dma_start3A_67 : memref<10112x128xf32, #tpu.memory_space<vmem_shared>>) offsets(%dma_start3A_64 : memref<128xi32, #tpu.memory_space<vmem>>) semaphore(%arg12 : memref<!tpu.dma_semaphore, #tpu.memory_space<semaphore_mem>>) {add = true}
      %dma_start3A_68 = arith.constant 1 : i32
      %dma_start3A_69 = arith.constant 1 : i32
      %dma_start3A_70 = arith.constant 0 : i32
      %dma_start3A_71 = arith.constant 0 : i32
      %dma_start3A_72 = tpu.memref_slice %arg9[%dma_start3A_69, %dma_start3A_70, %dma_start3A_71] : memref<2x128x128xf32, #tpu.memory_space<vmem>> -> memref<1x128x128xf32, #tpu.memory_space<vmem>>
      %dma_start3A_73 = tpu.memref_squeeze %dma_start3A_72 : memref<1x128x128xf32, #tpu.memory_space<vmem>> -> memref<128x128xf32, #tpu.memory_space<vmem>>
      %dma_start3A_74 = arith.constant 0 : i32
      %dma_start3A_75 = tpu.memref_slice %arg7[%dma_start3A_68, %dma_start3A_74] : memref<32x128xi32, #tpu.memory_space<vmem>> -> memref<1x128xi32, #tpu.memory_space<vmem>>
      %dma_start3A_76 = tpu.memref_squeeze %dma_start3A_75 : memref<1x128xi32, #tpu.memory_space<vmem>> -> memref<128xi32, #tpu.memory_space<vmem>>
      %dma_start3A_77 = arith.constant 0 : i32
      %dma_start3A_78 = arith.constant 0 : i32
      %dma_start3A_79 = tpu.memref_slice %arg2[%dma_start3A_77, %dma_start3A_78] : memref<10112x128xf32, #tpu.memory_space<hbm>> -> memref<10112x128xf32, #tpu.memory_space<hbm>>
      tpu.enqueue_indirect_dma source(%dma_start3A_79 : memref<10112x128xf32, #tpu.memory_space<hbm>>) target(%dma_start3A_73 : memref<128x128xf32, #tpu.memory_space<vmem>>) offsets(%dma_start3A_76 : memref<128xi32, #tpu.memory_space<vmem>>) semaphore(%arg11 : memref<!tpu.dma_semaphore, #tpu.memory_space<semaphore_mem>>)
      %scan3A = arith.constant 0 : i32
      %scan3A_80 = arith.constant 1 : i32
      %scan3A_81 = arith.constant 31 : i32
      %scan3A_82 = arith.addi %scan3A_80, %scan3A_81 : i32
      %scan3A_83 = arith.constant 1 : i32
      scf.for %scan3A_97 = %scan3A_80 to %scan3A_82 step %scan3A_83  : i32 {
        %rem3A = arith.constant 2 : i32
        %rem3A_98 = arith.remsi %scan3A_97, %rem3A : i32
        %dma_wait3A_99 = arith.constant 0 : i32
        %dma_wait3A_100 = arith.constant 0 : i32
        %dma_wait3A_101 = tpu.memref_slice %arg9[%rem3A_98, %dma_wait3A_99, %dma_wait3A_100] : memref<2x128x128xf32, #tpu.memory_space<vmem>> -> memref<1x128x128xf32, #tpu.memory_space<vmem>>
        %dma_wait3A_102 = tpu.memref_squeeze %dma_wait3A_101 : memref<1x128x128xf32, #tpu.memory_space<vmem>> -> memref<128x128xf32, #tpu.memory_space<vmem>>
        %dma_wait3A_103 = arith.constant 0 : i32
        %dma_wait3A_104 = tpu.memref_slice %arg7[%scan3A_97, %dma_wait3A_103] : memref<32x128xi32, #tpu.memory_space<vmem>> -> memref<1x128xi32, #tpu.memory_space<vmem>>
        %dma_wait3A_105 = tpu.memref_squeeze %dma_wait3A_104 : memref<1x128xi32, #tpu.memory_space<vmem>> -> memref<128xi32, #tpu.memory_space<vmem>>
        %dma_wait3A_106 = arith.constant 0 : i32
        %dma_wait3A_107 = arith.constant 0 : i32
        %dma_wait3A_108 = tpu.memref_slice %arg2[%dma_wait3A_106, %dma_wait3A_107] : memref<10112x128xf32, #tpu.memory_space<hbm>> -> memref<10112x128xf32, #tpu.memory_space<hbm>>
        tpu.wait_indirect_dma semaphore(%arg11 : memref<!tpu.dma_semaphore, #tpu.memory_space<semaphore_mem>>) src(%dma_wait3A_108 : memref<10112x128xf32, #tpu.memory_space<hbm>>) dst(%dma_wait3A_102 : memref<128x128xf32, #tpu.memory_space<vmem>>)
        %dma_start3A_109 = arith.constant 0 : i32
        %dma_start3A_110 = arith.constant 0 : i32
        %dma_start3A_111 = tpu.memref_slice %arg9[%rem3A_98, %dma_start3A_109, %dma_start3A_110] : memref<2x128x128xf32, #tpu.memory_space<vmem>> -> memref<1x128x128xf32, #tpu.memory_space<vmem>>
        %dma_start3A_112 = tpu.memref_squeeze %dma_start3A_111 : memref<1x128x128xf32, #tpu.memory_space<vmem>> -> memref<128x128xf32, #tpu.memory_space<vmem>>
        %dma_start3A_113 = arith.constant 0 : i32
        %dma_start3A_114 = tpu.memref_slice %arg8[%scan3A_97, %dma_start3A_113] : memref<32x128xi32, #tpu.memory_space<vmem>> -> memref<1x128xi32, #tpu.memory_space<vmem>>
        %dma_start3A_115 = tpu.memref_squeeze %dma_start3A_114 : memref<1x128xi32, #tpu.memory_space<vmem>> -> memref<128xi32, #tpu.memory_space<vmem>>
        %dma_start3A_116 = arith.constant 0 : i32
        %dma_start3A_117 = arith.constant 0 : i32
        %dma_start3A_118 = tpu.memref_slice %arg10[%dma_start3A_116, %dma_start3A_117] : memref<10112x128xf32, #tpu.memory_space<vmem_shared>> -> memref<10112x128xf32, #tpu.memory_space<vmem_shared>>
        tpu.enqueue_indirect_dma source(%dma_start3A_112 : memref<128x128xf32, #tpu.memory_space<vmem>>) target(%dma_start3A_118 : memref<10112x128xf32, #tpu.memory_space<vmem_shared>>) offsets(%dma_start3A_115 : memref<128xi32, #tpu.memory_space<vmem>>) semaphore(%arg12 : memref<!tpu.dma_semaphore, #tpu.memory_space<semaphore_mem>>) {add = true}
        %sub3A = arith.constant 1 : i32
        %sub3A_119 = arith.subi %sub3A, %rem3A_98 : i32
        %dma_wait3A_120 = arith.constant 0 : i32
        %dma_wait3A_121 = arith.constant 0 : i32
        %dma_wait3A_122 = tpu.memref_slice %arg9[%sub3A_119, %dma_wait3A_120, %dma_wait3A_121] : memref<2x128x128xf32, #tpu.memory_space<vmem>> -> memref<1x128x128xf32, #tpu.memory_space<vmem>>
        %dma_wait3A_123 = tpu.memref_squeeze %dma_wait3A_122 : memref<1x128x128xf32, #tpu.memory_space<vmem>> -> memref<128x128xf32, #tpu.memory_space<vmem>>
        %dma_wait3A_124 = arith.constant 0 : i32
        %dma_wait3A_125 = tpu.memref_slice %arg8[%scan3A_97, %dma_wait3A_124] : memref<32x128xi32, #tpu.memory_space<vmem>> -> memref<1x128xi32, #tpu.memory_space<vmem>>
        %dma_wait3A_126 = tpu.memref_squeeze %dma_wait3A_125 : memref<1x128xi32, #tpu.memory_space<vmem>> -> memref<128xi32, #tpu.memory_space<vmem>>
        %dma_wait3A_127 = arith.constant 0 : i32
        %dma_wait3A_128 = arith.constant 0 : i32
        %dma_wait3A_129 = tpu.memref_slice %arg10[%dma_wait3A_127, %dma_wait3A_128] : memref<10112x128xf32, #tpu.memory_space<vmem_shared>> -> memref<10112x128xf32, #tpu.memory_space<vmem_shared>>
        tpu.wait_indirect_dma semaphore(%arg12 : memref<!tpu.dma_semaphore, #tpu.memory_space<semaphore_mem>>) src(%dma_wait3A_123 : memref<128x128xf32, #tpu.memory_space<vmem>>) dst(%dma_wait3A_129 : memref<10112x128xf32, #tpu.memory_space<vmem_shared>>)
        %lt3A = arith.constant 31 : i32
        %lt3A_130 = arith.cmpi slt, %scan3A_97, %lt3A : i32
        %convert_element_type3A_131 = arith.extui %lt3A_130 : i1 to i32
        %cond3A_132 = arith.constant 0 : i32
        %cond3A_133 = arith.cmpi ne, %convert_element_type3A_131, %cond3A_132 : i32
        scf.if %cond3A_133 {
          %add3A_134 = arith.constant 1 : i32
          %add3A_135 = arith.addi %scan3A_97, %add3A_134 : i32
          %sub3A_136 = arith.constant 1 : i32
          %sub3A_137 = arith.subi %sub3A_136, %rem3A_98 : i32
          %dma_start3A_138 = arith.constant 0 : i32
          %dma_start3A_139 = arith.constant 0 : i32
          %dma_start3A_140 = tpu.memref_slice %arg9[%sub3A_137, %dma_start3A_138, %dma_start3A_139] : memref<2x128x128xf32, #tpu.memory_space<vmem>> -> memref<1x128x128xf32, #tpu.memory_space<vmem>>
          %dma_start3A_141 = tpu.memref_squeeze %dma_start3A_140 : memref<1x128x128xf32, #tpu.memory_space<vmem>> -> memref<128x128xf32, #tpu.memory_space<vmem>>
          %dma_start3A_142 = arith.constant 0 : i32
          %dma_start3A_143 = tpu.memref_slice %arg7[%add3A_135, %dma_start3A_142] : memref<32x128xi32, #tpu.memory_space<vmem>> -> memref<1x128xi32, #tpu.memory_space<vmem>>
          %dma_start3A_144 = tpu.memref_squeeze %dma_start3A_143 : memref<1x128xi32, #tpu.memory_space<vmem>> -> memref<128xi32, #tpu.memory_space<vmem>>
          %dma_start3A_145 = arith.constant 0 : i32
          %dma_start3A_146 = arith.constant 0 : i32
          %dma_start3A_147 = tpu.memref_slice %arg2[%dma_start3A_145, %dma_start3A_146] : memref<10112x128xf32, #tpu.memory_space<hbm>> -> memref<10112x128xf32, #tpu.memory_space<hbm>>
          tpu.enqueue_indirect_dma source(%dma_start3A_147 : memref<10112x128xf32, #tpu.memory_space<hbm>>) target(%dma_start3A_141 : memref<128x128xf32, #tpu.memory_space<vmem>>) offsets(%dma_start3A_144 : memref<128xi32, #tpu.memory_space<vmem>>) semaphore(%arg11 : memref<!tpu.dma_semaphore, #tpu.memory_space<semaphore_mem>>)
        } else {
        }
      }
      %scan3A_84 = arith.constant 31 : i32
      %dma_wait3A_85 = arith.constant 0 : i32
      %dma_wait3A_86 = arith.constant 0 : i32
      %dma_wait3A_87 = arith.constant 0 : i32
      %dma_wait3A_88 = arith.constant 0 : i32
      %dma_wait3A_89 = tpu.memref_slice %arg9[%dma_wait3A_85, %dma_wait3A_87, %dma_wait3A_88] : memref<2x128x128xf32, #tpu.memory_space<vmem>> -> memref<1x128x128xf32, #tpu.memory_space<vmem>>
      %dma_wait3A_90 = tpu.memref_squeeze %dma_wait3A_89 : memref<1x128x128xf32, #tpu.memory_space<vmem>> -> memref<128x128xf32, #tpu.memory_space<vmem>>
      %dma_wait3A_91 = arith.constant 0 : i32
      %dma_wait3A_92 = tpu.memref_slice %arg8[%dma_wait3A_86, %dma_wait3A_91] : memref<32x128xi32, #tpu.memory_space<vmem>> -> memref<1x128xi32, #tpu.memory_space<vmem>>
      %dma_wait3A_93 = tpu.memref_squeeze %dma_wait3A_92 : memref<1x128xi32, #tpu.memory_space<vmem>> -> memref<128xi32, #tpu.memory_space<vmem>>
      %dma_wait3A_94 = arith.constant 0 : i32
      %dma_wait3A_95 = arith.constant 0 : i32
      %dma_wait3A_96 = tpu.memref_slice %arg10[%dma_wait3A_94, %dma_wait3A_95] : memref<10112x128xf32, #tpu.memory_space<vmem_shared>> -> memref<10112x128xf32, #tpu.memory_space<vmem_shared>>
      tpu.wait_indirect_dma semaphore(%arg12 : memref<!tpu.dma_semaphore, #tpu.memory_space<semaphore_mem>>) src(%dma_wait3A_90 : memref<128x128xf32, #tpu.memory_space<vmem>>) dst(%dma_wait3A_96 : memref<10112x128xf32, #tpu.memory_space<vmem_shared>>)
    } else {
    }
    %barrier3A_23 = arith.constant 0 : index
    tpu.barrier barrier_id(%barrier3A_23)
    %mul3A_24 = arith.constant 632 : i32
    %mul3A_25 = arith.muli %arg1, %mul3A_24 : i32
    %mul3A_26 = arith.constant 10112 : i32
    %mul3A_27 = arith.muli %arg0, %mul3A_26 : i32
    %mul3A_28 = arith.constant 632 : i32
    %mul3A_29 = arith.muli %arg1, %mul3A_28 : i32
    %add3A = arith.addi %mul3A_27, %mul3A_29 : i32
    "tpu.region"() ({
      %run_scoped3A = tpu.sem_alloc : memref<!tpu.dma_semaphore, #tpu.memory_space<semaphore_mem>>
      %dma_start3A = arith.constant 0 : i32
      %dma_start3A_30 = tpu.memref_slice %arg6[%add3A, %dma_start3A] : memref<20224x128xf32, #tpu.memory_space<hbm>> -> memref<632x128xf32, #tpu.memory_space<hbm>>
      %dma_start3A_31 = arith.constant 0 : i32
      %dma_start3A_32 = tpu.memref_slice %arg10[%mul3A_25, %dma_start3A_31] : memref<10112x128xf32, #tpu.memory_space<vmem_shared>> -> memref<632x128xf32, #tpu.memory_space<vmem_shared>>
      tpu.enqueue_dma source(%dma_start3A_32 : memref<632x128xf32, #tpu.memory_space<vmem_shared>>) target(%dma_start3A_30 : memref<632x128xf32, #tpu.memory_space<hbm>>) target_semaphore(%run_scoped3A : memref<!tpu.dma_semaphore, #tpu.memory_space<semaphore_mem>>)
      %dma_wait3A = arith.constant 0 : i32
      %dma_wait3A_33 = tpu.memref_slice %arg6[%add3A, %dma_wait3A] : memref<20224x128xf32, #tpu.memory_space<hbm>> -> memref<632x128xf32, #tpu.memory_space<hbm>>
      %dma_wait3A_34 = arith.constant 0 : i32
      %dma_wait3A_35 = tpu.memref_slice %arg10[%mul3A_25, %dma_wait3A_34] : memref<10112x128xf32, #tpu.memory_space<vmem_shared>> -> memref<632x128xf32, #tpu.memory_space<vmem_shared>>
      tpu.wait_dma2 semaphore(%run_scoped3A : memref<!tpu.dma_semaphore, #tpu.memory_space<semaphore_mem>>) src(%dma_wait3A_35 : memref<632x128xf32, #tpu.memory_space<vmem_shared>>) dst(%dma_wait3A_33 : memref<632x128xf32, #tpu.memory_space<hbm>>)
      tpu.yield
    }) : () -> ()
    return
  }
}

module attributes {stable_mosaic.version = 14 : i64} {
  func.func @_tc_mid_body(%arg0: memref<20224x128xf32, #tpu.memory_space<vmem>>, %arg1: memref<10112x128xf32, #tpu.memory_space<vmem>>, %arg2: memref<10112xf32, #tpu.memory_space<vmem>>, %arg3: memref<128xf32, #tpu.memory_space<vmem>>, %arg4: memref<128xf32, #tpu.memory_space<vmem>>, %arg5: memref<128xf32, #tpu.memory_space<vmem>>, %arg6: memref<128x128xf32, #tpu.memory_space<vmem>>, %arg7: memref<10112x128xf32, #tpu.memory_space<vmem>>) attributes {dimension_semantics = [], scalar_prefetch = 0 : i64, scratch_operands = 0 : i64, tpu.core_type = #tpu.core_type<tc>} {
    %get3A = arith.constant 0 : index
    %get3A_0 = vector.load %arg2[%get3A] : memref<10112xf32, #tpu.memory_space<vmem>>, vector<10000xf32>
    %get3A_1 = arith.constant 0 : index
    %get3A_2 = arith.constant 0 : index
    %get3A_3 = vector.load %arg0[%get3A_1, %get3A_2] : memref<20224x128xf32, #tpu.memory_space<vmem>>, vector<10000x128xf32>
    %get3A_4 = arith.constant 10112 : index
    %get3A_5 = arith.constant 0 : index
    %get3A_6 = vector.load %arg0[%get3A_4, %get3A_5] : memref<20224x128xf32, #tpu.memory_space<vmem>>, vector<10000x128xf32>
    %add3A = arith.addf %get3A_3, %get3A_6 : vector<10000x128xf32>
    %broadcast_in_dim3A = vector.shape_cast %get3A_0 : vector<10000xf32> to vector<10000x1xf32>
    %get3A_7 = arith.constant 0 : index
    %get3A_8 = arith.constant 0 : index
    %get3A_9 = vector.load %arg1[%get3A_7, %get3A_8] : memref<10112x128xf32, #tpu.memory_space<vmem>>, vector<10000x128xf32>
    %add3A_10 = arith.addf %add3A, %get3A_9 : vector<10000x128xf32>
    %mul3A = vector.broadcast %broadcast_in_dim3A : vector<10000x1xf32> to vector<10000x128xf32>
    %mul3A_11 = arith.mulf %mul3A, %add3A_10 : vector<10000x128xf32>
    %get3A_12 = arith.constant 0 : index
    %get3A_13 = vector.load %arg3[%get3A_12] : memref<128xf32, #tpu.memory_space<vmem>>, vector<128xf32>
    %broadcast_in_dim3A_14 = vector.shape_cast %get3A_13 : vector<128xf32> to vector<1x128xf32>
    %add3A_15 = vector.broadcast %broadcast_in_dim3A_14 : vector<1x128xf32> to vector<10000x128xf32>
    %add3A_16 = arith.addf %mul3A_11, %add3A_15 : vector<10000x128xf32>
    %reduce_sum3A = arith.constant dense<0.000000e+00> : vector<128xf32>
    %reduce_sum3A_17 = vector.multi_reduction <add>, %add3A_16, %reduce_sum3A [0] : vector<10000x128xf32> to vector<128xf32>
    %div3A = arith.constant 1.000000e+04 : f32
    %div3A_18 = vector.broadcast %div3A : f32 to vector<128xf32>
    %div3A_19 = arith.divf %reduce_sum3A_17, %div3A_18 : vector<128xf32>
    %broadcast_in_dim3A_20 = vector.shape_cast %div3A_19 : vector<128xf32> to vector<1x128xf32>
    %sub3A = vector.broadcast %broadcast_in_dim3A_20 : vector<1x128xf32> to vector<10000x128xf32>
    %sub3A_21 = arith.subf %add3A_16, %sub3A : vector<10000x128xf32>
    %mul3A_22 = arith.mulf %sub3A_21, %sub3A_21 : vector<10000x128xf32>
    %reduce_sum3A_23 = arith.constant dense<0.000000e+00> : vector<128xf32>
    %reduce_sum3A_24 = vector.multi_reduction <add>, %mul3A_22, %reduce_sum3A_23 [0] : vector<10000x128xf32> to vector<128xf32>
    %div3A_25 = arith.constant 1.000000e+04 : f32
    %div3A_26 = vector.broadcast %div3A_25 : f32 to vector<128xf32>
    %div3A_27 = arith.divf %reduce_sum3A_24, %div3A_26 : vector<128xf32>
    %add3A_28 = arith.constant 9.99999974E-6 : f32
    %add3A_29 = vector.broadcast %add3A_28 : f32 to vector<128xf32>
    %add3A_30 = arith.addf %div3A_27, %add3A_29 : vector<128xf32>
    %rsqrt3A = math.rsqrt %add3A_30 : vector<128xf32>
    %broadcast_in_dim3A_31 = vector.shape_cast %rsqrt3A : vector<128xf32> to vector<1x128xf32>
    %mul3A_32 = vector.broadcast %broadcast_in_dim3A_31 : vector<1x128xf32> to vector<10000x128xf32>
    %mul3A_33 = arith.mulf %sub3A_21, %mul3A_32 : vector<10000x128xf32>
    %get3A_34 = arith.constant 0 : index
    %get3A_35 = vector.load %arg4[%get3A_34] : memref<128xf32, #tpu.memory_space<vmem>>, vector<128xf32>
    %broadcast_in_dim3A_36 = vector.shape_cast %get3A_35 : vector<128xf32> to vector<1x128xf32>
    %mul3A_37 = vector.broadcast %broadcast_in_dim3A_36 : vector<1x128xf32> to vector<10000x128xf32>
    %mul3A_38 = arith.mulf %mul3A_33, %mul3A_37 : vector<10000x128xf32>
    %get3A_39 = arith.constant 0 : index
    %get3A_40 = vector.load %arg5[%get3A_39] : memref<128xf32, #tpu.memory_space<vmem>>, vector<128xf32>
    %broadcast_in_dim3A_41 = vector.shape_cast %get3A_40 : vector<128xf32> to vector<1x128xf32>
    %add3A_42 = vector.broadcast %broadcast_in_dim3A_41 : vector<1x128xf32> to vector<10000x128xf32>
    %add3A_43 = arith.addf %mul3A_38, %add3A_42 : vector<10000x128xf32>
    %max3A = arith.constant 0.000000e+00 : f32
    %max3A_44 = vector.broadcast %max3A : f32 to vector<10000x128xf32>
    %max3A_45 = arith.maximumf %add3A_43, %max3A_44 : vector<10000x128xf32>
    %get3A_46 = arith.constant 0 : index
    %get3A_47 = arith.constant 0 : index
    %get3A_48 = vector.load %arg6[%get3A_46, %get3A_47] : memref<128x128xf32, #tpu.memory_space<vmem>>, vector<128x128xf32>
    %dot_general3A = arith.constant dense<0.000000e+00> : vector<10000x128xf32>
    %dot_general3A_49 = tpu.matmul %max3A_45, %get3A_48, %dot_general3A {dimension_numbers = #tpu.dot_dimension_numbers<[1], [0], [0], [1], [0, 0, 1, 1], [], []>, transpose_lhs_hint = false} : vector<10000x128xf32>, vector<128x128xf32>, vector<10000x128xf32> -> vector<10000x128xf32>
    %broadcast_in_dim3A_50 = vector.shape_cast %get3A_0 : vector<10000xf32> to vector<10000x1xf32>
    %mul3A_51 = vector.broadcast %broadcast_in_dim3A_50 : vector<10000x1xf32> to vector<10000x128xf32>
    %mul3A_52 = arith.mulf %dot_general3A_49, %mul3A_51 : vector<10000x128xf32>
    %swap3A = arith.constant 0 : index
    %swap3A_53 = arith.constant 0 : index
    %swap3A_54 = vector.load %arg7[%swap3A, %swap3A_53] : memref<10112x128xf32, #tpu.memory_space<vmem>>, vector<10000x128xf32>
    tpu.vector_store %arg7[%swap3A, %swap3A_53], %mul3A_52 {strides = array<i32>} : memref<10112x128xf32, #tpu.memory_space<vmem>>, vector<10000x128xf32>,
    return
  }
}

module attributes {stable_mosaic.version = 14 : i64} {
  func.func @_tc_embed_body(%arg0: memref<10000x128xf32, #tpu.memory_space<vmem>>, %arg1: memref<128x128xf32, #tpu.memory_space<vmem>>, %arg2: memref<128x128xf32, #tpu.memory_space<vmem>>, %arg3: memref<20224x128xf32, #tpu.memory_space<vmem>>, %arg4: memref<10112x128xf32, #tpu.memory_space<vmem>>, %arg5: memref<10112xf32, #tpu.memory_space<vmem>>) attributes {dimension_semantics = [], scalar_prefetch = 0 : i64, scratch_operands = 0 : i64, tpu.core_type = #tpu.core_type<tc>} {
    %get3A = arith.constant 0 : index
    %get3A_0 = arith.constant 0 : index
    %get3A_1 = vector.load %arg3[%get3A, %get3A_0] : memref<20224x128xf32, #tpu.memory_space<vmem>>, vector<10000x1xf32>
    %get3A_2 = vector.shape_cast %get3A_1 : vector<10000x1xf32> to vector<10000xf32>
    %get3A_3 = arith.constant 10112 : index
    %get3A_4 = arith.constant 0 : index
    %get3A_5 = vector.load %arg3[%get3A_3, %get3A_4] : memref<20224x128xf32, #tpu.memory_space<vmem>>, vector<10000x1xf32>
    %get3A_6 = vector.shape_cast %get3A_5 : vector<10000x1xf32> to vector<10000xf32>
    %add3A = arith.addf %get3A_2, %get3A_6 : vector<10000xf32>
    %add3A_7 = arith.constant 1.000000e+00 : f32
    %add3A_8 = vector.broadcast %add3A_7 : f32 to vector<10000xf32>
    %add3A_9 = arith.addf %add3A, %add3A_8 : vector<10000xf32>
    %rsqrt3A = math.rsqrt %add3A_9 : vector<10000xf32>
    %get3A_10 = arith.constant 0 : index
    %get3A_11 = arith.constant 0 : index
    %get3A_12 = vector.load %arg1[%get3A_10, %get3A_11] : memref<128x128xf32, #tpu.memory_space<vmem>>, vector<128x128xf32>
    %get3A_13 = arith.constant 0 : index
    %get3A_14 = arith.constant 0 : index
    %get3A_15 = vector.load %arg2[%get3A_13, %get3A_14] : memref<128x128xf32, #tpu.memory_space<vmem>>, vector<128x128xf32>
    %dot_general3A = arith.constant dense<0.000000e+00> : vector<128x128xf32>
    %dot_general3A_16 = tpu.matmul %get3A_12, %get3A_15, %dot_general3A {dimension_numbers = #tpu.dot_dimension_numbers<[1], [0], [0], [1], [0, 0, 1, 1], [], []>, transpose_lhs_hint = false} : vector<128x128xf32>, vector<128x128xf32>, vector<128x128xf32> -> vector<128x128xf32>
    %get3A_17 = arith.constant 0 : index
    %get3A_18 = arith.constant 0 : index
    %get3A_19 = vector.load %arg0[%get3A_17, %get3A_18] : memref<10000x128xf32, #tpu.memory_space<vmem>>, vector<10000x128xf32>
    %dot_general3A_20 = arith.constant dense<0.000000e+00> : vector<10000x128xf32>
    %dot_general3A_21 = tpu.matmul %get3A_19, %dot_general3A_16, %dot_general3A_20 {dimension_numbers = #tpu.dot_dimension_numbers<[1], [0], [0], [1], [0, 0, 1, 1], [], []>, transpose_lhs_hint = false} : vector<10000x128xf32>, vector<128x128xf32>, vector<10000x128xf32> -> vector<10000x128xf32>
    %broadcast_in_dim3A = vector.shape_cast %rsqrt3A : vector<10000xf32> to vector<10000x1xf32>
    %mul3A = vector.broadcast %broadcast_in_dim3A : vector<10000x1xf32> to vector<10000x128xf32>
    %mul3A_22 = arith.mulf %dot_general3A_21, %mul3A : vector<10000x128xf32>
    %swap3A = arith.constant 0 : index
    %swap3A_23 = arith.constant 0 : index
    %swap3A_24 = vector.load %arg4[%swap3A, %swap3A_23] : memref<10112x128xf32, #tpu.memory_space<vmem>>, vector<10000x128xf32>
    tpu.vector_store %arg4[%swap3A, %swap3A_23], %mul3A_22 {strides = array<i32>} : memref<10112x128xf32, #tpu.memory_space<vmem>>, vector<10000x128xf32>,
    %swap3A_25 = arith.constant 0 : index
    %swap3A_26 = vector.load %arg5[%swap3A_25] : memref<10112xf32, #tpu.memory_space<vmem>>, vector<10000xf32>
    tpu.vector_store %arg5[%swap3A_25], %rsqrt3A {strides = array<i32>} : memref<10112xf32, #tpu.memory_space<vmem>>, vector<10000xf32>,
    %broadcast_in_dim3A_27 = arith.constant 0.000000e+00 : f32
    %broadcast_in_dim3A_28 = vector.broadcast %broadcast_in_dim3A_27 : f32 to vector<112xf32>
    %swap3A_29 = arith.constant 10000 : index
    %swap3A_30 = vector.load %arg5[%swap3A_29] : memref<10112xf32, #tpu.memory_space<vmem>>, vector<112xf32>
    tpu.vector_store %arg5[%swap3A_29], %broadcast_in_dim3A_28 {strides = array<i32>} : memref<10112xf32, #tpu.memory_space<vmem>>, vector<112xf32>,
    return
  }
}

module attributes {stable_mosaic.version = 14 : i64} {
  func.func @_tc_tail_body(%arg0: memref<20224x128xf32, #tpu.memory_space<vmem>>, %arg1: memref<10112x128xf32, #tpu.memory_space<vmem>>, %arg2: memref<10112xf32, #tpu.memory_space<vmem>>, %arg3: memref<128xf32, #tpu.memory_space<vmem>>, %arg4: memref<128xf32, #tpu.memory_space<vmem>>, %arg5: memref<128xf32, #tpu.memory_space<vmem>>, %arg6: memref<10000xi32, #tpu.memory_space<vmem>>, %arg7: memref<128x1xf32, #tpu.memory_space<vmem>>, %arg8: memref<1xf32, #tpu.memory_space<vmem>>, %arg9: memref<64x1xf32, #tpu.memory_space<vmem>>) attributes {dimension_semantics = [], scalar_prefetch = 0 : i64, scratch_operands = 0 : i64, tpu.core_type = #tpu.core_type<tc>} {
    %get3A = arith.constant 0 : index
    %get3A_0 = vector.load %arg2[%get3A] : memref<10112xf32, #tpu.memory_space<vmem>>, vector<10000xf32>
    %get3A_1 = arith.constant 0 : index
    %get3A_2 = arith.constant 0 : index
    %get3A_3 = vector.load %arg0[%get3A_1, %get3A_2] : memref<20224x128xf32, #tpu.memory_space<vmem>>, vector<10000x128xf32>
    %get3A_4 = arith.constant 10112 : index
    %get3A_5 = arith.constant 0 : index
    %get3A_6 = vector.load %arg0[%get3A_4, %get3A_5] : memref<20224x128xf32, #tpu.memory_space<vmem>>, vector<10000x128xf32>
    %add3A = arith.addf %get3A_3, %get3A_6 : vector<10000x128xf32>
    %broadcast_in_dim3A = vector.shape_cast %get3A_0 : vector<10000xf32> to vector<10000x1xf32>
    %get3A_7 = arith.constant 0 : index
    %get3A_8 = arith.constant 0 : index
    %get3A_9 = vector.load %arg1[%get3A_7, %get3A_8] : memref<10112x128xf32, #tpu.memory_space<vmem>>, vector<10000x128xf32>
    %add3A_10 = arith.addf %add3A, %get3A_9 : vector<10000x128xf32>
    %mul3A = vector.broadcast %broadcast_in_dim3A : vector<10000x1xf32> to vector<10000x128xf32>
    %mul3A_11 = arith.mulf %mul3A, %add3A_10 : vector<10000x128xf32>
    %get3A_12 = arith.constant 0 : index
    %get3A_13 = vector.load %arg3[%get3A_12] : memref<128xf32, #tpu.memory_space<vmem>>, vector<128xf32>
    %broadcast_in_dim3A_14 = vector.shape_cast %get3A_13 : vector<128xf32> to vector<1x128xf32>
    %add3A_15 = vector.broadcast %broadcast_in_dim3A_14 : vector<1x128xf32> to vector<10000x128xf32>
    %add3A_16 = arith.addf %mul3A_11, %add3A_15 : vector<10000x128xf32>
    %reduce_sum3A = arith.constant dense<0.000000e+00> : vector<128xf32>
    %reduce_sum3A_17 = vector.multi_reduction <add>, %add3A_16, %reduce_sum3A [0] : vector<10000x128xf32> to vector<128xf32>
    %div3A = arith.constant 1.000000e+04 : f32
    %div3A_18 = vector.broadcast %div3A : f32 to vector<128xf32>
    %div3A_19 = arith.divf %reduce_sum3A_17, %div3A_18 : vector<128xf32>
    %broadcast_in_dim3A_20 = vector.shape_cast %div3A_19 : vector<128xf32> to vector<1x128xf32>
    %sub3A = vector.broadcast %broadcast_in_dim3A_20 : vector<1x128xf32> to vector<10000x128xf32>
    %sub3A_21 = arith.subf %add3A_16, %sub3A : vector<10000x128xf32>
    %mul3A_22 = arith.mulf %sub3A_21, %sub3A_21 : vector<10000x128xf32>
    %reduce_sum3A_23 = arith.constant dense<0.000000e+00> : vector<128xf32>
    %reduce_sum3A_24 = vector.multi_reduction <add>, %mul3A_22, %reduce_sum3A_23 [0] : vector<10000x128xf32> to vector<128xf32>
    %div3A_25 = arith.constant 1.000000e+04 : f32
    %div3A_26 = vector.broadcast %div3A_25 : f32 to vector<128xf32>
    %div3A_27 = arith.divf %reduce_sum3A_24, %div3A_26 : vector<128xf32>
    %add3A_28 = arith.constant 9.99999974E-6 : f32
    %add3A_29 = vector.broadcast %add3A_28 : f32 to vector<128xf32>
    %add3A_30 = arith.addf %div3A_27, %add3A_29 : vector<128xf32>
    %rsqrt3A = math.rsqrt %add3A_30 : vector<128xf32>
    %broadcast_in_dim3A_31 = vector.shape_cast %rsqrt3A : vector<128xf32> to vector<1x128xf32>
    %mul3A_32 = vector.broadcast %broadcast_in_dim3A_31 : vector<1x128xf32> to vector<10000x128xf32>
    %mul3A_33 = arith.mulf %sub3A_21, %mul3A_32 : vector<10000x128xf32>
    %get3A_34 = arith.constant 0 : index
    %get3A_35 = vector.load %arg4[%get3A_34] : memref<128xf32, #tpu.memory_space<vmem>>, vector<128xf32>
    %broadcast_in_dim3A_36 = vector.shape_cast %get3A_35 : vector<128xf32> to vector<1x128xf32>
    %mul3A_37 = vector.broadcast %broadcast_in_dim3A_36 : vector<1x128xf32> to vector<10000x128xf32>
    %mul3A_38 = arith.mulf %mul3A_33, %mul3A_37 : vector<10000x128xf32>
    %get3A_39 = arith.constant 0 : index
    %get3A_40 = vector.load %arg5[%get3A_39] : memref<128xf32, #tpu.memory_space<vmem>>, vector<128xf32>
    %broadcast_in_dim3A_41 = vector.shape_cast %get3A_40 : vector<128xf32> to vector<1x128xf32>
    %add3A_42 = vector.broadcast %broadcast_in_dim3A_41 : vector<1x128xf32> to vector<10000x128xf32>
    %add3A_43 = arith.addf %mul3A_38, %add3A_42 : vector<10000x128xf32>
    %iota3A = tpu.iota {dimensions = array<i32: 0>} : vector<64x10000xi32>
    %get3A_44 = arith.constant 0 : index
    %get3A_45 = vector.load %arg6[%get3A_44] : memref<10000xi32, #tpu.memory_space<vmem>>, vector<10000xi32>
    %broadcast_in_dim3A_46 = vector.shape_cast %get3A_45 : vector<10000xi32> to vector<1x10000xi32>
    %eq3A = vector.broadcast %broadcast_in_dim3A_46 : vector<1x10000xi32> to vector<64x10000xi32>
    %eq3A_47 = arith.cmpi eq, %iota3A, %eq3A : vector<64x10000xi32>
    %convert_element_type3A = arith.extui %eq3A_47 : vector<64x10000xi1> to vector<64x10000xi32>
    %convert_element_type3A_48 = arith.sitofp %convert_element_type3A : vector<64x10000xi32> to vector<64x10000xf32>
    %dot_general3A = arith.constant dense<0.000000e+00> : vector<64x128xf32>
    %dot_general3A_49 = tpu.matmul %convert_element_type3A_48, %add3A_43, %dot_general3A {dimension_numbers = #tpu.dot_dimension_numbers<[1], [0], [0], [1], [0, 0, 1, 1], [], []>, transpose_lhs_hint = false} : vector<64x10000xf32>, vector<10000x128xf32>, vector<64x128xf32> -> vector<64x128xf32>
    %get3A_50 = arith.constant 0 : index
    %get3A_51 = arith.constant 0 : index
    %get3A_52 = vector.load %arg7[%get3A_50, %get3A_51] : memref<128x1xf32, #tpu.memory_space<vmem>>, vector<128x1xf32>
    %squeeze3A = vector.shape_cast %get3A_52 : vector<128x1xf32> to vector<128xf32>
    %broadcast_in_dim3A_53 = vector.shape_cast %squeeze3A : vector<128xf32> to vector<1x128xf32>
    %mul3A_54 = vector.broadcast %broadcast_in_dim3A_53 : vector<1x128xf32> to vector<64x128xf32>
    %mul3A_55 = arith.mulf %dot_general3A_49, %mul3A_54 : vector<64x128xf32>
    %reduce_sum3A_56 = arith.constant dense<0.000000e+00> : vector<64xf32>
    %reduce_sum3A_57 = vector.multi_reduction <add>, %mul3A_55, %reduce_sum3A_56 [1] : vector<64x128xf32> to vector<64xf32>
    %broadcast_in_dim3A_58 = vector.shape_cast %reduce_sum3A_57 : vector<64xf32> to vector<64x1xf32>
    %get3A_59 = arith.constant 0 : index
    %get3A_60 = vector.load %arg8[%get3A_59] : memref<1xf32, #tpu.memory_space<vmem>>, vector<1xf32>
    %broadcast_in_dim3A_61 = vector.shape_cast %get3A_60 : vector<1xf32> to vector<1x1xf32>
    %add3A_62 = vector.broadcast %broadcast_in_dim3A_61 : vector<1x1xf32> to vector<64x1xf32>
    %add3A_63 = arith.addf %broadcast_in_dim3A_58, %add3A_62 : vector<64x1xf32>
    %swap3A = arith.constant 0 : index
    %swap3A_64 = arith.constant 0 : index
    %swap3A_65 = vector.load %arg9[%swap3A, %swap3A_64] : memref<64x1xf32, #tpu.memory_space<vmem>>, vector<64x1xf32>
    tpu.vector_store %arg9[%swap3A, %swap3A_64], %add3A_63 {strides = array<i32>} : memref<64x1xf32, #tpu.memory_space<vmem>>, vector<64x1xf32>,
    return
  }
}

</mosaic_0001>

<sc_bundles>
// kernel: kernel.11.cloned.1.call-start
scs
__scs_entry_jumppad:
0x0: {  	(pc) =	sbr.rel $0x88, $3  }
0x1: {  	(tag) =	ssettag $0x0;
	lr =	simm.s32 $0x1  }
0x2: {  	[smem:$0x3F93] =	sst lr;
	_ =	strace $0xD0000000  }
0x3: {  	_ = 	snop  }
0x4: {  	_ = 	snop  }
0x5: {  	_ = 	snop  }
0x6: {  	_ = 	snop  }
0x7: {  	_ = 	snop  }
__scs_overlays_trampoline_lowered:
0x8: {  	[smem:$0x3FA2] =	sst s0  }
0x9: {  	[smem:$0x3FA3] =	sst s1  }
0xa: {  	[smem:$0x3FA4] =	sst s2  }
0xb: {  	[smem:$0x3FA5] =	sst s3  }
0xc: {  	[smem:$0x3FA6] =	sst s4  }
0xd: {  	[smem:$0x3FA7] =	sst s5  }
0xe: {  	[smem:$0x3FA8] =	sst s6  }
0xf: {  	[smem:$0x3FA9] =	sst s7  }
0x10: {  	[smem:$0x3FAA] =	sst s8  }
0x11: {  	[smem:$0x3FAB] =	sst s9;
	s0 =	simm.s32 @!p0 $0x0  }
0x12: {  	s1 =	sld [smem:$0x3F91];
	s0 =	simm.s32 @p0 $0x1  }
0x13: {  	[smem:$0x3FAC] =	sst s0;
	s0 =	simm.s32 @!p1 $0x0  }
0x14: {  	s2 =	sld [smem:$0x3F90];
	s0 =	simm.s32 @p1 $0x1  }
0x15: {  	[smem:$0x3FAD] =	sst s0;
	s0 =	simm.s32 @!p2 $0x0  }
0x16: {  	s3 =	sld [smem:$0x3FDB];
	s0 =	simm.s32 @p2 $0x1  }
0x17: {  	s4 =	simm.s32 $0x1BF5;
	[smem:$0x3FAF] =	sst s0  }
0x18: {  	s0 =	sld [smem:$0x3F92];
	_ =	swait.ge [sflag:s4], $0x0  }
0x19: {  	s7 =	sld [smem:$0x3F93]  }
0x1a: {  	s8 =	sadd.s32 $0xFFFFE003, lr  }
0x1b: {  	s9 =	sadd.s32 $0xFFFFFEF7, lr;
	s5 =	simm.s32 $0xFFFFFFFF;
	p2 =	slt.u32 s8, $0xFFFFF086  }
0x1c: {  	p1 =	slt.u32 s9, $0xF7A;
	s5 =	simm.s32 @!p2 $0x0  }
0x1d: {  	s5 =	simm.s32 @p1 $0x1;
	p0 =	seq.s32 s7, s2  }
0x1e: {  	s7 =	smul.u32 @!p0 $0xF7A, s2;
	p2 =	seq.s32 @!p0 s5, $0x0  }
0x1f: {  	s9 =	smul.u32 $0xF7A, s1;
	s8 =	simm.s32 @!p0 $0x1BF5;
	p2 =	por !p2, p0  }
0x20: {  	[sflag:s8] =	ssyncset.s32 @!p0 $0xFFFFF086;
	s6 =	sadd.s32 @!p0 s3, s7;
	s7 =	simm.s32 @!p0 $0x108  }
0x21: {  	s3 =	sadd.s32 s3, s9;
	s6 =	sadd.s32 @!p0 $0x88, s6;
	s7 =	simm.s32 @p2 $0x1082  }
0x22: {  	[simem:s7], [sflag:s8] =	dma.local @!p0 [hbm:s6], $0xF7A  }
0x23: {  	s9 =	sor.u32 $0xD0000000, s2;
	s6 =	simm.s32 $0x108;
	_ =	swait.ge @!p0 [sflag:s8], $0x0  }
0x24: {  	s3 =	sadd.s32 $0x88, s3;
	s6 =	simm.s32 @!p1 $0x1082;
	[sflag:s4] =	ssyncset.s32 $0xFFFFF086  }
0x25: {  	[simem:s6], [sflag:s4] =	dma.local [hbm:s3], $0xF7A  }
0x26: {  	[smem:$0x3F93] =	sst s1;
	(tag) =	ssettag s2;
	_ =	strace s9  }
0x27: {  	s1 =	sld [smem:$0x3FA3]  }
0x28: {  	s2 =	sld [smem:$0x3FA4]  }
0x29: {  	s4 =	sld [smem:$0x3FA6]  }
0x2a: {  	p0 =	seq.s32 s5, $0x0;
	s5 =	sld [smem:$0x3FA7]  }
0x2b: {  	s6 =	sld [smem:$0x3FA8]  }
0x2c: {  	s7 =	sld [smem:$0x3FA9]  }
0x2d: {  	s3 =	simm.s32 $0x108;
	s8 =	sld [smem:$0x3FAA]  }
0x2e: {  	s3 =	simm.s32 @!p0 $0x1082;
	s9 =	sld [smem:$0x3FAB]  }
0x2f: {  	lr =	sadd.s32 s0, s3;
	s0 =	sld [smem:$0x3FA2]  }
0x30: {  	s3 =	sld [smem:$0x3FA5]  }
0x31: {  	[smem:$0x3FAE] =	sst s10  }
0x32: {  	s10 =	sld [smem:$0x3FAC];
	_ =	sdelay $0x3  }
0x33: {  	p0 =	seq.s32 s10, $0x1;
	s10 =	sld [smem:$0x3FAE];
	_ =	sdelay $0x3  }
0x34: {  	[smem:$0x3FAE] =	sst s10  }
0x35: {  	s10 =	sld [smem:$0x3FAD];
	_ =	sdelay $0x3  }
0x36: {  	p1 =	seq.s32 s10, $0x1;
	s10 =	sld [smem:$0x3FAE];
	_ =	sdelay $0x3  }
0x37: {  	[smem:$0x3FAE] =	sst s10  }
0x38: {  	s10 =	sld [smem:$0x3FAF]  }
0x39: {  	_ = 	snop;
	(pc) =	sbr.ind lr, $3  }
0x3a: {  	_ = 	snop  }
0x3b: {  	_ = 	snop  }
0x3c: {  	p2 =	seq.s32 s10, $0x1;
	s10 =	sld [smem:$0x3FAE]  }
0x3d: {  	_ =	shalt  }
0x3e: {  	_ =	shalt  }
0x3f: {  	_ =	shalt  }
0x40: {  	_ =	shalt  }
0x41: {  	_ =	shalt  }
0x42: {  	_ =	shalt  }
0x43: {  	_ =	shalt  }
0x44: {  	_ =	shalt  }
0x45: {  	_ =	shalt  }
0x46: {  	_ =	shalt  }
0x47: {  	_ =	shalt  }
0x48: {  	_ =	shalt  }
0x49: {  	_ =	shalt  }
0x4a: {  	_ =	shalt  }
0x4b: {  	_ =	shalt  }
0x4c: {  	_ =	shalt  }
0x4d: {  	_ =	shalt  }
0x4e: {  	_ =	shalt  }
0x4f: {  	_ =	shalt  }
0x50: {  	_ =	shalt  }
0x51: {  	_ =	shalt  }
0x52: {  	_ =	shalt  }
0x53: {  	_ =	shalt  }
0x54: {  	_ =	shalt  }
0x55: {  	_ =	shalt  }
0x56: {  	_ =	shalt  }
0x57: {  	_ =	shalt  }
0x58: {  	_ =	shalt  }
0x59: {  	_ =	shalt  }
0x5a: {  	_ =	shalt  }
0x5b: {  	_ =	shalt  }
0x5c: {  	_ =	shalt  }
0x5d: {  	_ =	shalt  }
0x5e: {  	_ =	shalt  }
0x5f: {  	_ =	shalt  }
0x60: {  	_ =	shalt  }
0x61: {  	_ =	shalt  }
0x62: {  	_ =	shalt  }
0x63: {  	_ =	shalt  }
0x64: {  	_ =	shalt  }
0x65: {  	_ =	shalt  }
0x66: {  	_ =	shalt  }
0x67: {  	_ =	shalt  }
0x68: {  	_ =	shalt  }
0x69: {  	_ =	shalt  }
0x6a: {  	_ =	shalt  }
0x6b: {  	_ =	shalt  }
0x6c: {  	_ =	shalt  }
0x6d: {  	_ =	shalt  }
0x6e: {  	_ =	shalt  }
0x6f: {  	_ =	shalt  }
0x70: {  	_ =	shalt  }
0x71: {  	_ =	shalt  }
0x72: {  	_ =	shalt  }
0x73: {  	_ =	shalt  }
0x74: {  	_ =	shalt  }
0x75: {  	_ =	shalt  }
0x76: {  	_ =	shalt  }
0x77: {  	_ =	shalt  }
0x78: {  	_ =	shalt  }
0x79: {  	_ =	shalt  }
0x7a: {  	_ =	shalt  }
0x7b: {  	_ =	shalt  }
0x7c: {  	_ =	shalt  }
0x7d: {  	_ =	shalt  }
0x7e: {  	_ =	shalt  }
0x7f: {  	_ =	shalt  }
0x80: {  	_ =	shalt  }
0x81: {  	_ =	shalt  }
0x82: {  	_ =	shalt  }
0x83: {  	_ =	shalt  }
0x84: {  	_ =	shalt  }
0x85: {  	_ =	shalt  }
0x86: {  	_ =	shalt  }
0x87: {  	_ =	shalt  }
.Lfunc_end0:
.L_simem_size_0:
called_computation.1_lowered:
.L_overlay_start_0:
0x88: {  	s2 =	sld [smem:$0x3FD9]  }
0x89: {  	s3 =	sld [smem:$0x3FFE];
	_ =	sdelay $0x1  }
0x8a: {  	s1 =	srdreg.scid  }
0x8b: {  	s0 =	sand.u32 $0x1, s1  }
0x8c: {  	s16 =	sshll.u32 s0, $0xA;
	s2 =	sadd.s32 s3, s2  }
0x8d: {  	s2 =	sadd.s32 s2, s16  }
0x8e: {  	[smem:$0x3FBA] =	sst s2  }
0x8f: {  	_ = 	snop  }
0x90: {  	(tm) =	ssettm $0x1  }
0x91: {  	s17 =	sld [smem:$0x3FFB];
	_ =	sdelay $0x3  }
0x92: {  	_ =	strace s17  }
0x93: {  	s2 =	sld [smem:$0x3FFC];
	_ =	sdelay $0x3  }
0x94: {  	_ =	strace s2  }
0x95: {  	s2 =	sld [smem:$0x3FFD];
	_ =	sdelay $0x3  }
0x96: {  	_ =	strace s2  }
0x97: {  	_ =	strace $0x8FFFFFFF  }
0x98: {  	s18 =	sld [smem:$0x3FDB];
	_ =	sdelay $0x1  }
0x99: {  	s19 =	simm.s32 $_scs_section_size  }
0x9a: {  	s4 =	simm.s32 $_size__tile_overlayer_lowered;
	s5 =	simm.s32 $_tile_overlayer_lowered  }
0x9b: {  	s22 =	simm.s32 $0x1BFF;
	s21 =	sshll.u32 s5, $0x1;
	s2 =	sadd.s32 s19, s18  }
0x9c: {  	s6 =	simm.s32 $0x0;
	s20 =	sshll.u32 s4, $0x1;
	s4 =	sadd.s32 s21, s2  }
0x9d: {  	[timem:s6], [sflag:s22] =	dma.local [hbm:s4], s20  }
0x9e: {  	_ =	swait.ge [sflag:s22], s20  }
0x9f: {  	s3 =	ssub.s32 $0x0, s20;
	[sflag:s22] =	ssyncset.done $0x0  }
0xa0: {  	[sflag:s22] =	ssyncadd.s32 s3;
	_ =	sdelay $0x1  }
0xa1: {  	s23 =	simm.s32 $0x1B8B  }
0xa2: {  	_ =	swait.ge [sflag:s23], $0x1  }
0xa3: {  	[sflag:s23] =	ssyncset.done $0x0  }
0xa4: {  	s25 =	simm.s32 $0x1B8E;
	s24 =	sld [smem:$0x3FFE];
	[sflag:s23] =	ssyncadd.s32 $0xFFFFFFFF  }
0xa5: {  	s26 =	simm.s32 $execute0_lowered;
	[smem:$0x3FD2] =	sst s25  }
0xa6: {  	s4 =	sshll.u32 s26, $0x1;
	_ =	strace $0x80000049;
	[dreg:$0x1] =	wrdreg $0xFFFFFFFF  }
0xa7: {  	s28 =	simm.s32 $_size_execute0_lowered;
	s2 =	sadd.s32 s2, s4;
	[dreg:$0x0] =	wrdreg $0x0  }
0xa8: {  	s4 =	sshll.u32 s28, $0x1;
	[dreg:$0x2] =	wrdreg s2  }
0xa9: {  	[dreg:$0x3] =	wrdreg s4  }
0xaa: {  	[dreg:$0x4] =	wrdreg $0xC0  }
0xab: {  	_ =	task [dreg:s6], $0x5FFFF  }
0xac: {  	[dreg:$0x1] =	wrdreg $0xFFFFFFFF  }
0xad: {  	[dreg:$0x0] =	wrdreg $0x60  }
0xae: {  	[dreg:$0x2] =	wrdreg s24  }
0xaf: {  	[dreg:$0x3] =	wrdreg $0xA0000  }
0xb0: {  	[dreg:$0x4] =	wrdreg $0x9  }
0xb1: {  	_ =	task.clear_ibuf [dreg:s6], $0x5FFFF;
	_ =	strace $0x90000049  }
0xb2: {  	s29 =	simm.s32 $0x9;
	_ =	strace $0x8000004B  }
0xb3: {  	_ =	swait.ge [sflag:s29], $0x1  }
0xb4: {  	[sflag:s29] =	ssyncadd.s32 $0xFFFFFFFF  }
0xb5: {  	_ =	strace $0x9000004B  }
0xb6: {  	_ =	sfence  }
0xb7: {  	s30 =	sld [smem:$0x0];
	_ =	sdelay $0x2  }
0xb8: {  	s31 =	sshll.u32 s1, $0xD;
	s1 =	sshrl.u32 s1, $0x2  }
0xb9: {  	s3 =	sand.u32 $0x4000, s31;
	s1 =	sadd.s32 s1, s30  }
0xba: {  	s0 =	sor.u32 s3, s0;
	s1 =	sshll.u32 s1, $0x11  }
0xbb: {  	s0 =	sor.u32 s1, s0  }
0xbc: {  	s0 =	sadd.s32 $0x8F2B, s0  }
0xbd: {  	[sflag:s0] =	ssyncadd.remote.s32 $0x1  }
0xbe: {  	_ =	sfence.sel $0xFFFF  }
0xbf: {  	[dreg:$0x0] =	wrdreg $0xFFFFFFFF;
	(pc) =	sbr.abs _section_cstart, $3  }
0xc0: {  	[dreg:$0x1] =	wrdreg $0xFFFFFFFF  }
0xc1: {  	_ =	task.clear_ibuf [dreg:s6], $0x2FFFF;
	_ =	strace $0x9FFFFFFF  }
0xc2: {  	(tm) =	ssettm $0x7FFFFFFF  }
0xc3: {  	_ =	shalt  }
tec
execute0_lowered:
.L_overlay_start_1:
0x0: {  	(tag) =	ssettag $0x1  }
0x1: {  	s0 =	rddreg [dreg:$0x0]  }
0x2: {  	s2 =	rddreg [dreg:$0x1];
	s3 =	simm.s32 $0x0;
	s1 =	srdreg.scid  }
0x3: {  	s11 =	stileid.u32;
	s20 =	simm.s32 $0x3;
	s21 =	simm.s32 $0x1000  }
0x4: {  	s22 =	simm.s32 $0x80;
	s23 =	simm.s32 $0x2000;
	s24 =	simm.s32 $0x6000  }
0x5: {  	s28 =	simm.s32 $0x1F80;
	s29 =	simm.s32 $0x0;
	[smem:$0x7FF] =	sst s3  }
0x6: {  	s1 =	sand.u32 $0x1, s1;
	s5 =	smul.u32 $0x2780, s11;
	s4 =	sadd.s32 $0x1A200, s0  }
0x7: {  	s7 =	sadd.s32 $0x3A00, s0;
	s16 =	sadd.s32 $0xDA00, s0;
	s10 =	smul.u32 $0x4F000, s11  }
0x8: {  	s26 =	sshll.u32 s11, $0x6;
	s30 =	sshll.u32 s11, $0x9;
	s15 =	sshll.u32 s11, $0xB  }
0x9: {  	_ =	strace $0x8000004A;
	s6 =	smul.u32 $0x27800, s1;
	s8 =	ssub.s32 $0x2, s1  }
0xa: {  	s31 =	sor.u32 $0x8000, s30;
	s12 =	sor.u32 $0x200, s15;
	s14 =	sor.u32 $0x400, s15  }
0xb: {  	s17 =	sor.u32 $0x600, s15;
	p0 =	sne.s32 s1, $0x0;
	s9 =	sshrl.u32 s8, $0x1  }
0xc: {  	s25 =	sshrl.u32 s10, $0x2;
	s10 =	sadd.s32 s16, s15;
	s11 =	sadd.s32 s7, s12  }
0xd: {  	s12 =	sadd.s32 s16, s12;
	s13 =	sadd.s32 s7, s14;
	s14 =	sadd.s32 s16, s14  }
0xe: {  	s6 =	sadd.s32 s5, s6;
	s5 =	sadd.s32 $0x17A00, s0;
	s18 =	ssub.s32 s8, s9  }
.Ltmp0:
0xf: {  	s19 =	sadd.s32 s25, s2;
	s9 =	sadd.s32 s7, s31;
	(pc) =	sbr.rel .LBB2_1-.Ltmp0, $4  }
0x10: {  	s8 =	sadd.s32 s16, s31;
	s16 =	sadd.s32 s16, s17;
	s25 =	simm.s32 $0x1  }
0x11: {  	s0 =	sadd.s32 s6, s0;
	s6 =	sor.u32 $0x1C03, s26;
	[dreg:$0x3] =	wrdreg s9  }
0x12: {  	s9 =	sadd.s32 s7, s15;
	s15 =	sadd.s32 s7, s17;
	s18 =	smax.u32 s18, $0x1  }
0x13: {  	s19 =	sshrl.u32 s19, $0x3;
	s26 =	simm.s32 $0x2;
	s17 =	sadd.s32 $0x41A00, s0  }
.LBB2_13:
0x14: {  	[tilespmem:s7], [sflag:$0x1] =	stream.indirect.gather [hbm4b:s4+s22], $0x80, s1, s22, $0xb8;
	[tilespmem:$0x1DC00] =	vst v63  }
.LBB2_14:
0x15: {  	_ =	swait.ge [sflag:s25], $0x4000  }
0x16: {  	[sflag:s25] =	ssyncset.done $0x0  }
0x17: {  	[sflag:s25] =	ssyncadd.s32 $0xFFFFC000  }
0x18: {  	[spmem:s2] =	stream.indirect.scatter.add.f32 [tilespmem:s24], [sflag:$0x2], $0x80, s28, s22, $0xb8;
	[tilespmem:$0x1DC00] =	vst v63  }
0x19: {  	_ =	swait.ge [sflag:s26], $0x4000  }
0x1a: {  	[sflag:s26] =	ssyncset.done $0x0  }
0x1b: {  	[sflag:s26] =	ssyncadd.s32 $0xFFFFC000  }
0x1c: {  	_ =	swait.ge [sflag:s26], $0x4000  }
0x1d: {  	s29 =	sadd.s32 $0x1, s29;
	[sflag:s26] =	ssyncset.done $0x0  }
0x1e: {  	p1 =	sne.s32 s29, s18;
	[sflag:s26] =	ssyncadd.s32 $0xFFFFC000  }
.Ltmp1:
0x1f: {  	[bflag:$0x0] =	sbarrier.arrive $0xFFFF;
	(pc) =	sbr.rel @!p1 .LBB2_15-.Ltmp1, $4  }
0x20: {  	[hbm:s17], [sflag:s6] =	dma.local [spmem:s19], $0x2780  }
0x21: {  	_ =	swait.ge [sflag:s20], $0x2780  }
0x22: {  	[sflag:s20] =	ssyncset.done $0x0  }
0x23: {  	[sflag:s20] =	ssyncadd.s32 $0xFFFFD880  }
.LBB2_1:
0x24: {  	[spmem:s19], [sflag:s6] =	dma.local [hbm:s5], $0x2780  }
.Ltmp2:
0x25: {  	_ =	swait.ge [sflag:s20], $0x2780;
	(pc) =	sbr.rel @p0 .LBB2_11-.Ltmp2, $3  }
0x26: {  	[sflag:s20] =	ssyncset.done $0x0  }
0x27: {  	[sflag:s20] =	ssyncadd.s32 $0xFFFFD880  }
0x28: {  	[bflag:$0x0] =	sbarrier.arrive $0xFFFF;
	_ =	sdelay $0x1  }
0x29: {  	[tilespmem:s3], [sflag:$0x3] =	stream.linear.gather [hbm4b:s9+s3], $0x1000, $0x38;
	[tilespmem:$0x1DC00] =	vst v63  }
0x2a: {  	_ =	swait.ge [sflag:s20], $0x1000  }
0x2b: {  	[sflag:s20] =	ssyncset.done $0x0  }
0x2c: {  	[sflag:s20] =	ssyncadd.s32 $0xFFFFF000  }
0x2d: {  	[tilespmem:s21], [sflag:$0x3] =	stream.linear.gather [hbm4b:s10+s3], $0x1000, $0x38;
	[tilespmem:$0x1DC00] =	vst v63  }
0x2e: {  	_ =	swait.ge [sflag:s20], $0x1000  }
0x2f: {  	[sflag:s20] =	ssyncset.done $0x0  }
0x30: {  	s0 =	simm.s32 $0x1;
	[sflag:s20] =	ssyncadd.s32 $0xFFFFF000  }
0x31: {  	[tilespmem:s23], [sflag:$0x1] =	stream.indirect.gather [hbm4b:s4+s22], $0x80, s3, s22, $0xb8;
	[tilespmem:$0x1DC00] =	vst v63  }
0x32: {  	_ =	swait.ge [sflag:s0], $0x4000  }
0x33: {  	[sflag:s0] =	ssyncset.done $0x0  }
0x34: {  	[sflag:s0] =	ssyncadd.s32 $0xFFFFC000  }
0x35: {  	[spmem:s2] =	stream.indirect.scatter.add.f32 [tilespmem:s23], [sflag:$0x2], $0x80, s21, s22, $0xb8;
	[tilespmem:$0x1DC00] =	vst v63  }
0x36: {  	_ = 	snop  }
0x37: {  	[tilespmem:s24], [sflag:$0x1] =	stream.indirect.gather [hbm4b:s4+s22], $0x80, s22, s22, $0xb8;
	[tilespmem:$0x1DC00] =	vst v63  }
0x38: {  	s7 =	simm.s32 $0x4000;
	_ =	swait.ge [sflag:s25], $0x4000  }
0x39: {  	s0 =	sand.u32 $0x4000, s7;
	[sflag:s25] =	ssyncset.done $0x0  }
0x3a: {  	s1 =	simm.s32 $0x1080;
	s7 =	sor.u32 $0x2000, s0;
	[sflag:s25] =	ssyncadd.s32 $0xFFFFC000  }
0x3b: {  	[spmem:s2] =	stream.indirect.scatter.add.f32 [tilespmem:s7], [sflag:$0x2], $0x80, s1, s22, $0xb8;
	[tilespmem:$0x1DC00] =	vst v63  }
0x3c: {  	s30 =	simm.s32 $0x2;
	_ =	swait.ge [sflag:s26], $0x4000  }
0x3d: {  	s31 =	simm.s32 $0x1100;
	s1 =	simm.s32 $0x100;
	[sflag:s26] =	ssyncset.done $0x0  }
0x3e: {  	s7 =	sxor.u32 $0x6000, s0;
	s0 =	simm.s32 $0x180;
	[sflag:s26] =	ssyncadd.s32 $0xFFFFC000  }
.LBB2_3:
0x3f: {  	[tilespmem:s7], [sflag:$0x1] =	stream.indirect.gather [hbm4b:s4+s22], $0x80, s1, s22, $0xb8;
	[tilespmem:$0x1DC00] =	vst v63  }
0x40: {  	s1 =	sshll.u32 s30, $0xE;
	p1 =	sne.s32 s30, $0x1E;
	_ =	swait.ge [sflag:s25], $0x4000  }
0x41: {  	s30 =	sadd.s32 $0x1, s30;
	s7 =	sand.u32 $0x4000, s1;
	[sflag:s25] =	ssyncset.done $0x0  }
.Ltmp3:
0x42: {  	s1 =	sor.u32 $0x2000, s7;
	[sflag:s25] =	ssyncadd.s32 $0xFFFFC000;
	(pc) =	sbr.rel @p1 .LBB2_3-.Ltmp3, $4  }
0x43: {  	[spmem:s2] =	stream.indirect.scatter.add.f32 [tilespmem:s1], [sflag:$0x2], $0x80, s31, s22, $0xb8;
	[tilespmem:$0x1DC00] =	vst v63  }
0x44: {  	s1 =	smov.u32 s0;
	_ =	swait.ge [sflag:s26], $0x4000  }
0x45: {  	s31 =	sadd.s32 $0x80, s31;
	[sflag:s26] =	ssyncset.done $0x0  }
0x46: {  	s7 =	sxor.u32 $0x6000, s7;
	s0 =	sadd.s32 $0x80, s0;
	[sflag:s26] =	ssyncadd.s32 $0xFFFFC000  }
0x47: {  	[tilespmem:s7], [sflag:$0x1] =	stream.indirect.gather [hbm4b:s4+s22], $0x80, s1, s22, $0xb8;
	[tilespmem:$0x1DC00] =	vst v63  }
0x48: {  	s0 =	simm.s32 $0x1  }
0x49: {  	_ =	swait.ge [sflag:s0], $0x4000  }
0x4a: {  	[sflag:s0] =	ssyncset.done $0x0  }
0x4b: {  	[sflag:s0] =	ssyncadd.s32 $0xFFFFC000  }
0x4c: {  	[spmem:s2] =	stream.indirect.scatter.add.f32 [tilespmem:s24], [sflag:$0x2], $0x80, s28, s22, $0xb8;
	[tilespmem:$0x1DC00] =	vst v63  }
0x4d: {  	_ =	swait.ge [sflag:s26], $0x4000  }
0x4e: {  	[sflag:s26] =	ssyncset.done $0x0  }
0x4f: {  	[sflag:s26] =	ssyncadd.s32 $0xFFFFC000  }
0x50: {  	_ =	swait.ge [sflag:s26], $0x4000  }
0x51: {  	[sflag:s26] =	ssyncset.done $0x0  }
0x52: {  	[sflag:s26] =	ssyncadd.s32 $0xFFFFC000  }
0x53: {  	[tilespmem:s3], [sflag:$0x3] =	stream.linear.gather [hbm4b:s11+s3], $0x1000, $0x38;
	[tilespmem:$0x1DC00] =	vst v63  }
0x54: {  	_ =	swait.ge [sflag:s20], $0x1000  }
0x55: {  	[sflag:s20] =	ssyncset.done $0x0  }
0x56: {  	[sflag:s20] =	ssyncadd.s32 $0xFFFFF000  }
0x57: {  	[tilespmem:s21], [sflag:$0x3] =	stream.linear.gather [hbm4b:s12+s3], $0x1000, $0x38;
	[tilespmem:$0x1DC00] =	vst v63  }
0x58: {  	_ =	swait.ge [sflag:s20], $0x1000  }
0x59: {  	[sflag:s20] =	ssyncset.done $0x0  }
0x5a: {  	[sflag:s20] =	ssyncadd.s32 $0xFFFFF000  }
0x5b: {  	[tilespmem:s23], [sflag:$0x1] =	stream.indirect.gather [hbm4b:s4+s22], $0x80, s3, s22, $0xb8;
	[tilespmem:$0x1DC00] =	vst v63  }
0x5c: {  	_ =	swait.ge [sflag:s0], $0x4000  }
0x5d: {  	[sflag:s0] =	ssyncset.done $0x0  }
0x5e: {  	[sflag:s0] =	ssyncadd.s32 $0xFFFFC000  }
0x5f: {  	[spmem:s2] =	stream.indirect.scatter.add.f32 [tilespmem:s23], [sflag:$0x2], $0x80, s21, s22, $0xb8;
	[tilespmem:$0x1DC00] =	vst v63  }
0x60: {  	_ = 	snop  }
0x61: {  	[tilespmem:s24], [sflag:$0x1] =	stream.indirect.gather [hbm4b:s4+s22], $0x80, s22, s22, $0xb8;
	[tilespmem:$0x1DC00] =	vst v63  }
0x62: {  	s7 =	simm.s32 $0x4000;
	_ =	swait.ge [sflag:s25], $0x4000  }
0x63: {  	s7 =	sand.u32 $0x4000, s7;
	[sflag:s25] =	ssyncset.done $0x0  }
0x64: {  	s1 =	simm.s32 $0x1080;
	s30 =	sor.u32 $0x2000, s7;
	[sflag:s25] =	ssyncadd.s32 $0xFFFFC000  }
0x65: {  	[spmem:s2] =	stream.indirect.scatter.add.f32 [tilespmem:s30], [sflag:$0x2], $0x80, s1, s22, $0xb8;
	[tilespmem:$0x1DC00] =	vst v63  }
0x66: {  	s31 =	simm.s32 $0x1100;
	_ =	swait.ge [sflag:s26], $0x4000  }
0x67: {  	s7 =	sxor.u32 $0x6000, s7;
	s0 =	simm.s32 $0x100;
	[sflag:s26] =	ssyncset.done $0x0  }
0x68: {  	s30 =	simm.s32 $0x2;
	s1 =	simm.s32 $0x180;
	[sflag:s26] =	ssyncadd.s32 $0xFFFFC000  }
.LBB2_5:
0x69: {  	[tilespmem:s7], [sflag:$0x1] =	stream.indirect.gather [hbm4b:s4+s22], $0x80, s0, s22, $0xb8;
	[tilespmem:$0x1DC00] =	vst v63  }
0x6a: {  	s0 =	sshll.u32 s30, $0xE;
	p1 =	sne.s32 s30, $0x1E;
	_ =	swait.ge [sflag:s25], $0x4000  }
0x6b: {  	s30 =	sadd.s32 $0x1, s30;
	s7 =	sand.u32 $0x4000, s0;
	[sflag:s25] =	ssyncset.done $0x0  }
.Ltmp4:
0x6c: {  	s0 =	sor.u32 $0x2000, s7;
	[sflag:s25] =	ssyncadd.s32 $0xFFFFC000;
	(pc) =	sbr.rel @p1 .LBB2_5-.Ltmp4, $4  }
0x6d: {  	[spmem:s2] =	stream.indirect.scatter.add.f32 [tilespmem:s0], [sflag:$0x2], $0x80, s31, s22, $0xb8;
	[tilespmem:$0x1DC00] =	vst v63  }
0x6e: {  	s0 =	smov.u32 s1;
	_ =	swait.ge [sflag:s26], $0x4000  }
0x6f: {  	s31 =	sadd.s32 $0x80, s31;
	[sflag:s26] =	ssyncset.done $0x0  }
0x70: {  	s7 =	sxor.u32 $0x6000, s7;
	s1 =	sadd.s32 $0x80, s1;
	[sflag:s26] =	ssyncadd.s32 $0xFFFFC000  }
0x71: {  	[tilespmem:s7], [sflag:$0x1] =	stream.indirect.gather [hbm4b:s4+s22], $0x80, s0, s22, $0xb8;
	[tilespmem:$0x1DC00] =	vst v63  }
0x72: {  	s1 =	simm.s32 $0x1  }
0x73: {  	_ =	swait.ge [sflag:s1], $0x4000  }
0x74: {  	[sflag:s1] =	ssyncset.done $0x0  }
0x75: {  	[sflag:s1] =	ssyncadd.s32 $0xFFFFC000  }
0x76: {  	[spmem:s2] =	stream.indirect.scatter.add.f32 [tilespmem:s24], [sflag:$0x2], $0x80, s28, s22, $0xb8;
	[tilespmem:$0x1DC00] =	vst v63  }
0x77: {  	_ =	swait.ge [sflag:s26], $0x4000  }
0x78: {  	[sflag:s26] =	ssyncset.done $0x0  }
0x79: {  	[sflag:s26] =	ssyncadd.s32 $0xFFFFC000  }
0x7a: {  	_ =	swait.ge [sflag:s26], $0x4000  }
0x7b: {  	[sflag:s26] =	ssyncset.done $0x0  }
0x7c: {  	[sflag:s26] =	ssyncadd.s32 $0xFFFFC000  }
0x7d: {  	[tilespmem:s3], [sflag:$0x3] =	stream.linear.gather [hbm4b:s13+s3], $0x1000, $0x38;
	[tilespmem:$0x1DC00] =	vst v63  }
0x7e: {  	_ =	swait.ge [sflag:s20], $0x1000  }
0x7f: {  	[sflag:s20] =	ssyncset.done $0x0  }
0x80: {  	[sflag:s20] =	ssyncadd.s32 $0xFFFFF000  }
0x81: {  	[tilespmem:s21], [sflag:$0x3] =	stream.linear.gather [hbm4b:s14+s3], $0x1000, $0x38;
	[tilespmem:$0x1DC00] =	vst v63  }
0x82: {  	_ =	swait.ge [sflag:s20], $0x1000  }
0x83: {  	[sflag:s20] =	ssyncset.done $0x0  }
0x84: {  	[sflag:s20] =	ssyncadd.s32 $0xFFFFF000  }
0x85: {  	[tilespmem:s23], [sflag:$0x1] =	stream.indirect.gather [hbm4b:s4+s22], $0x80, s3, s22, $0xb8;
	[tilespmem:$0x1DC00] =	vst v63  }
0x86: {  	_ =	swait.ge [sflag:s1], $0x4000  }
0x87: {  	[sflag:s1] =	ssyncset.done $0x0  }
0x88: {  	[sflag:s1] =	ssyncadd.s32 $0xFFFFC000  }
0x89: {  	[spmem:s2] =	stream.indirect.scatter.add.f32 [tilespmem:s23], [sflag:$0x2], $0x80, s21, s22, $0xb8;
	[tilespmem:$0x1DC00] =	vst v63  }
0x8a: {  	_ = 	snop  }
0x8b: {  	[tilespmem:s24], [sflag:$0x1] =	stream.indirect.gather [hbm4b:s4+s22], $0x80, s22, s22, $0xb8;
	[tilespmem:$0x1DC00] =	vst v63  }
0x8c: {  	s7 =	simm.s32 $0x4000;
	_ =	swait.ge [sflag:s25], $0x4000  }
0x8d: {  	s0 =	sand.u32 $0x4000, s7;
	[sflag:s25] =	ssyncset.done $0x0  }
0x8e: {  	s7 =	sor.u32 $0x2000, s0;
	s1 =	simm.s32 $0x1080;
	[sflag:s25] =	ssyncadd.s32 $0xFFFFC000  }
0x8f: {  	[spmem:s2] =	stream.indirect.scatter.add.f32 [tilespmem:s7], [sflag:$0x2], $0x80, s1, s22, $0xb8;
	[tilespmem:$0x1DC00] =	vst v63  }
0x90: {  	s30 =	simm.s32 $0x2;
	_ =	swait.ge [sflag:s26], $0x4000  }
0x91: {  	s31 =	simm.s32 $0x1100;
	s1 =	simm.s32 $0x100;
	[sflag:s26] =	ssyncset.done $0x0  }
0x92: {  	s7 =	sxor.u32 $0x6000, s0;
	s0 =	simm.s32 $0x180;
	[sflag:s26] =	ssyncadd.s32 $0xFFFFC000  }
.LBB2_7:
0x93: {  	[tilespmem:s7], [sflag:$0x1] =	stream.indirect.gather [hbm4b:s4+s22], $0x80, s1, s22, $0xb8;
	[tilespmem:$0x1DC00] =	vst v63  }
0x94: {  	s1 =	sshll.u32 s30, $0xE;
	p1 =	sne.s32 s30, $0x1E;
	_ =	swait.ge [sflag:s25], $0x4000  }
0x95: {  	s30 =	sadd.s32 $0x1, s30;
	s7 =	sand.u32 $0x4000, s1;
	[sflag:s25] =	ssyncset.done $0x0  }
.Ltmp5:
0x96: {  	s1 =	sor.u32 $0x2000, s7;
	[sflag:s25] =	ssyncadd.s32 $0xFFFFC000;
	(pc) =	sbr.rel @p1 .LBB2_7-.Ltmp5, $4  }
0x97: {  	[spmem:s2] =	stream.indirect.scatter.add.f32 [tilespmem:s1], [sflag:$0x2], $0x80, s31, s22, $0xb8;
	[tilespmem:$0x1DC00] =	vst v63  }
0x98: {  	s1 =	smov.u32 s0;
	_ =	swait.ge [sflag:s26], $0x4000  }
0x99: {  	s31 =	sadd.s32 $0x80, s31;
	[sflag:s26] =	ssyncset.done $0x0  }
0x9a: {  	s7 =	sxor.u32 $0x6000, s7;
	s0 =	sadd.s32 $0x80, s0;
	[sflag:s26] =	ssyncadd.s32 $0xFFFFC000  }
0x9b: {  	[tilespmem:s7], [sflag:$0x1] =	stream.indirect.gather [hbm4b:s4+s22], $0x80, s1, s22, $0xb8;
	[tilespmem:$0x1DC00] =	vst v63  }
0x9c: {  	s0 =	simm.s32 $0x1  }
0x9d: {  	_ =	swait.ge [sflag:s0], $0x4000  }
0x9e: {  	[sflag:s0] =	ssyncset.done $0x0  }
0x9f: {  	[sflag:s0] =	ssyncadd.s32 $0xFFFFC000  }
0xa0: {  	[spmem:s2] =	stream.indirect.scatter.add.f32 [tilespmem:s24], [sflag:$0x2], $0x80, s28, s22, $0xb8;
	[tilespmem:$0x1DC00] =	vst v63  }
0xa1: {  	_ =	swait.ge [sflag:s26], $0x4000  }
0xa2: {  	[sflag:s26] =	ssyncset.done $0x0  }
0xa3: {  	[sflag:s26] =	ssyncadd.s32 $0xFFFFC000  }
0xa4: {  	_ =	swait.ge [sflag:s26], $0x4000  }
0xa5: {  	[sflag:s26] =	ssyncset.done $0x0  }
0xa6: {  	[sflag:s26] =	ssyncadd.s32 $0xFFFFC000  }
0xa7: {  	[tilespmem:s3], [sflag:$0x3] =	stream.linear.gather [hbm4b:s15+s3], $0x1000, $0x38;
	[tilespmem:$0x1DC00] =	vst v63  }
0xa8: {  	_ =	swait.ge [sflag:s20], $0x1000  }
0xa9: {  	[sflag:s20] =	ssyncset.done $0x0  }
0xaa: {  	[sflag:s20] =	ssyncadd.s32 $0xFFFFF000  }
0xab: {  	[tilespmem:s21], [sflag:$0x3] =	stream.linear.gather [hbm4b:s16+s3], $0x1000, $0x38;
	[tilespmem:$0x1DC00] =	vst v63  }
0xac: {  	_ =	swait.ge [sflag:s20], $0x1000  }
0xad: {  	[sflag:s20] =	ssyncset.done $0x0  }
0xae: {  	[sflag:s20] =	ssyncadd.s32 $0xFFFFF000  }
0xaf: {  	[tilespmem:s23], [sflag:$0x1] =	stream.indirect.gather [hbm4b:s4+s22], $0x80, s3, s22, $0xb8;
	[tilespmem:$0x1DC00] =	vst v63  }
0xb0: {  	_ =	swait.ge [sflag:s0], $0x4000  }
0xb1: {  	[sflag:s0] =	ssyncset.done $0x0  }
0xb2: {  	[sflag:s0] =	ssyncadd.s32 $0xFFFFC000  }
0xb3: {  	[spmem:s2] =	stream.indirect.scatter.add.f32 [tilespmem:s23], [sflag:$0x2], $0x80, s21, s22, $0xb8;
	[tilespmem:$0x1DC00] =	vst v63  }
0xb4: {  	_ = 	snop  }
0xb5: {  	[tilespmem:s24], [sflag:$0x1] =	stream.indirect.gather [hbm4b:s4+s22], $0x80, s22, s22, $0xb8;
	[tilespmem:$0x1DC00] =	vst v63  }
0xb6: {  	s7 =	simm.s32 $0x4000;
	_ =	swait.ge [sflag:s25], $0x4000  }
0xb7: {  	s0 =	sand.u32 $0x4000, s7;
	[sflag:s25] =	ssyncset.done $0x0  }
0xb8: {  	s1 =	simm.s32 $0x1080;
	s7 =	sor.u32 $0x2000, s0;
	[sflag:s25] =	ssyncadd.s32 $0xFFFFC000  }
0xb9: {  	[spmem:s2] =	stream.indirect.scatter.add.f32 [tilespmem:s7], [sflag:$0x2], $0x80, s1, s22, $0xb8;
	[tilespmem:$0x1DC00] =	vst v63  }
0xba: {  	s30 =	simm.s32 $0x2;
	_ =	swait.ge [sflag:s26], $0x4000  }
0xbb: {  	s31 =	simm.s32 $0x1100;
	s1 =	simm.s32 $0x100;
	[sflag:s26] =	ssyncset.done $0x0  }
0xbc: {  	s7 =	sxor.u32 $0x6000, s0;
	s0 =	simm.s32 $0x180;
	[sflag:s26] =	ssyncadd.s32 $0xFFFFC000  }
.LBB2_9:
0xbd: {  	[tilespmem:s7], [sflag:$0x1] =	stream.indirect.gather [hbm4b:s4+s22], $0x80, s1, s22, $0xb8;
	[tilespmem:$0x1DC00] =	vst v63  }
0xbe: {  	s1 =	sshll.u32 s30, $0xE;
	p1 =	sne.s32 s30, $0x1E;
	_ =	swait.ge [sflag:s25], $0x4000  }
0xbf: {  	s30 =	sadd.s32 $0x1, s30;
	s7 =	sand.u32 $0x4000, s1;
	[sflag:s25] =	ssyncset.done $0x0  }
.Ltmp6:
0xc0: {  	s1 =	sor.u32 $0x2000, s7;
	[sflag:s25] =	ssyncadd.s32 $0xFFFFC000;
	(pc) =	sbr.rel @p1 .LBB2_9-.Ltmp6, $4  }
0xc1: {  	[spmem:s2] =	stream.indirect.scatter.add.f32 [tilespmem:s1], [sflag:$0x2], $0x80, s31, s22, $0xb8;
	[tilespmem:$0x1DC00] =	vst v63  }
0xc2: {  	s1 =	smov.u32 s0;
	_ =	swait.ge [sflag:s26], $0x4000  }
0xc3: {  	s31 =	sadd.s32 $0x80, s31;
	[sflag:s26] =	ssyncset.done $0x0  }
0xc4: {  	s7 =	sxor.u32 $0x6000, s7;
	s0 =	sadd.s32 $0x80, s0;
	[sflag:s26] =	ssyncadd.s32 $0xFFFFC000  }
.Ltmp7:
0xc5: {  	(pc) =	sbr.rel .LBB2_14-.Ltmp7, $2  }
0xc6: {  	_ =	sdelay $0x2  }
0xc7: {  	[tilespmem:s7], [sflag:$0x1] =	stream.indirect.gather [hbm4b:s4+s22], $0x80, s1, s22, $0xb8;
	[tilespmem:$0x1DC00] =	vst v63  }
.LBB2_11:
0xc8: {  	s0 =	rddreg [dreg:$0x3]  }
0xc9: {  	[tilespmem:s3], [sflag:$0x3] =	stream.linear.gather [hbm4b:s0+s3], $0x1000, $0x38;
	[tilespmem:$0x1DC00] =	vst v63  }
0xca: {  	_ =	swait.ge [sflag:s20], $0x1000  }
0xcb: {  	[sflag:s20] =	ssyncset.done $0x0  }
0xcc: {  	[sflag:s20] =	ssyncadd.s32 $0xFFFFF000  }
0xcd: {  	[tilespmem:s21], [sflag:$0x3] =	stream.linear.gather [hbm4b:s8+s3], $0x1000, $0x38;
	[tilespmem:$0x1DC00] =	vst v63  }
0xce: {  	_ =	swait.ge [sflag:s20], $0x1000  }
0xcf: {  	[sflag:s20] =	ssyncset.done $0x0  }
0xd0: {  	s1 =	simm.s32 $0x1;
	[sflag:s20] =	ssyncadd.s32 $0xFFFFF000  }
0xd1: {  	[tilespmem:s23], [sflag:$0x1] =	stream.indirect.gather [hbm4b:s4+s22], $0x80, s3, s22, $0xb8;
	[tilespmem:$0x1DC00] =	vst v63  }
0xd2: {  	_ =	swait.ge [sflag:s1], $0x4000  }
0xd3: {  	[sflag:s1] =	ssyncset.done $0x0  }
0xd4: {  	[sflag:s1] =	ssyncadd.s32 $0xFFFFC000  }
0xd5: {  	[spmem:s2] =	stream.indirect.scatter.add.f32 [tilespmem:s23], [sflag:$0x2], $0x80, s21, s22, $0xb8;
	[tilespmem:$0x1DC00] =	vst v63  }
0xd6: {  	_ = 	snop  }
0xd7: {  	[tilespmem:s24], [sflag:$0x1] =	stream.indirect.gather [hbm4b:s4+s22], $0x80, s22, s22, $0xb8;
	[tilespmem:$0x1DC00] =	vst v63  }
0xd8: {  	s7 =	simm.s32 $0x4000;
	_ =	swait.ge [sflag:s25], $0x4000  }
0xd9: {  	s0 =	sand.u32 $0x4000, s7;
	[sflag:s25] =	ssyncset.done $0x0  }
0xda: {  	s7 =	sor.u32 $0x2000, s0;
	s1 =	simm.s32 $0x1080;
	[sflag:s25] =	ssyncadd.s32 $0xFFFFC000  }
0xdb: {  	[spmem:s2] =	stream.indirect.scatter.add.f32 [tilespmem:s7], [sflag:$0x2], $0x80, s1, s22, $0xb8;
	[tilespmem:$0x1DC00] =	vst v63  }
0xdc: {  	s30 =	simm.s32 $0x2;
	_ =	swait.ge [sflag:s26], $0x4000  }
0xdd: {  	s31 =	simm.s32 $0x1100;
	s1 =	simm.s32 $0x100;
	[sflag:s26] =	ssyncset.done $0x0  }
0xde: {  	s7 =	sxor.u32 $0x6000, s0;
	s0 =	simm.s32 $0x180;
	[sflag:s26] =	ssyncadd.s32 $0xFFFFC000  }
.LBB2_12:
0xdf: {  	[tilespmem:s7], [sflag:$0x1] =	stream.indirect.gather [hbm4b:s4+s22], $0x80, s1, s22, $0xb8;
	[tilespmem:$0x1DC00] =	vst v63  }
0xe0: {  	s1 =	sshll.u32 s30, $0xE;
	p1 =	seq.s32 s30, $0x1E;
	_ =	swait.ge [sflag:s25], $0x4000  }
0xe1: {  	s30 =	sadd.s32 $0x1, s30;
	s7 =	sand.u32 $0x4000, s1;
	[sflag:s25] =	ssyncset.done $0x0  }
.Ltmp8:
0xe2: {  	s1 =	sor.u32 $0x2000, s7;
	[sflag:s25] =	ssyncadd.s32 $0xFFFFC000;
	(pc) =	sbr.rel @!p1 .LBB2_12-.Ltmp8, $4  }
0xe3: {  	[spmem:s2] =	stream.indirect.scatter.add.f32 [tilespmem:s1], [sflag:$0x2], $0x80, s31, s22, $0xb8;
	[tilespmem:$0x1DC00] =	vst v63  }
0xe4: {  	s1 =	smov.u32 s0;
	_ =	swait.ge [sflag:s26], $0x4000  }
0xe5: {  	s31 =	sadd.s32 $0x80, s31;
	[sflag:s26] =	ssyncset.done $0x0  }
0xe6: {  	s7 =	sxor.u32 $0x6000, s7;
	s0 =	sadd.s32 $0x80, s0;
	[sflag:s26] =	ssyncadd.s32 $0xFFFFC000  }
.Ltmp9:
0xe7: {  	_ = 	snop;
	(pc) =	sbr.rel .LBB2_13-.Ltmp9, $1  }
0xe8: {  	_ =	sdelay $0x3  }
.LBB2_15:
0xe9: {  	_ =	sfence.sel $0x180000  }
0xea: {  	[bflag:$0x0] =	sbarrier.arrive $0xFFFF  }
0xeb: {  	_ =	strace $0x9000004A  }
0xec: {  	s0 =	stileid.u32;
	[bflag:$0x2] =	sbarrier.arrive $0xFFFF  }
0xed: {  	p0 =	sne.s32 s0, $0x0;
	s0 =	rddreg [dreg:$0x2]  }
0xee: {  	s0 =	sadd.s32 @!p0 $0x100000, s0  }
0xef: {  	[sflag:s0] =	ssyncadd.tile.s32 @!p0 $0x1;
	_ =	shalt  }
.Lfunc_end2:
_tile_overlayer_lowered:
.L_overlay_start_2:
0xf0: {  	(tag) =	ssettag $0x2  }
0xf1: {  	s0 =	rddreg [dreg:$0x0];
	s2 =	stileid.u32  }
0xf2: {  	s1 =	rddreg [dreg:$0x1];
	p0 =	sne.s32 s2, $0x0  }
0xf3: {  	s3 =	rddreg [dreg:$0x2];
	[bflag:$0x3] =	sbarrier.arrive $0xFFFF;
	s2 =	simm.s32 @!p0 $0x1C03  }
0xf4: {  	[timem:s3], [sflag:s2] =	dma.local @!p0 [hbm:s0], s1  }
0xf5: {  	s0 =	simm.s32 @!p0 $0x3  }
0xf6: {  	_ =	swait.ge @!p0 [sflag:s0], s1  }
0xf7: {  	s1 =	ssub.s32 @!p0 $0x0, s1;
	[sflag:s0] =	ssyncset.done @!p0 $0x0  }
0xf8: {  	[sflag:s0] =	ssyncadd.s32 @!p0 s1  }
0xf9: {  	[bflag:$0x3] =	sbarrier.arrive $0xFFFF  }
0xfa: {  	_ =	shalt  }

// kernel: kernel.14.cloned.1.call-start
scs
__scs_entry_jumppad:
0x0: {  	(pc) =	sbr.rel $0x88, $3  }
0x1: {  	(tag) =	ssettag $0x0;
	lr =	simm.s32 $0x1  }
0x2: {  	[smem:$0x3F93] =	sst lr;
	_ =	strace $0xD0000000  }
0x3: {  	_ = 	snop  }
0x4: {  	_ = 	snop  }
0x5: {  	_ = 	snop  }
0x6: {  	_ = 	snop  }
0x7: {  	_ = 	snop  }
__scs_overlays_trampoline_lowered:
0x8: {  	[smem:$0x3FA2] =	sst s0  }
0x9: {  	[smem:$0x3FA3] =	sst s1  }
0xa: {  	[smem:$0x3FA4] =	sst s2  }
0xb: {  	[smem:$0x3FA5] =	sst s3  }
0xc: {  	[smem:$0x3FA6] =	sst s4  }
0xd: {  	[smem:$0x3FA7] =	sst s5  }
0xe: {  	[smem:$0x3FA8] =	sst s6  }
0xf: {  	[smem:$0x3FA9] =	sst s7  }
0x10: {  	[smem:$0x3FAA] =	sst s8  }
0x11: {  	[smem:$0x3FAB] =	sst s9;
	s0 =	simm.s32 @!p0 $0x0  }
0x12: {  	s1 =	sld [smem:$0x3F91];
	s0 =	simm.s32 @p0 $0x1  }
0x13: {  	[smem:$0x3FAC] =	sst s0;
	s0 =	simm.s32 @!p1 $0x0  }
0x14: {  	s2 =	sld [smem:$0x3F90];
	s0 =	simm.s32 @p1 $0x1  }
0x15: {  	[smem:$0x3FAD] =	sst s0;
	s0 =	simm.s32 @!p2 $0x0  }
0x16: {  	s3 =	sld [smem:$0x3FDB];
	s0 =	simm.s32 @p2 $0x1  }
0x17: {  	s4 =	simm.s32 $0x1BF5;
	[smem:$0x3FAF] =	sst s0  }
0x18: {  	s0 =	sld [smem:$0x3F92];
	_ =	swait.ge [sflag:s4], $0x0  }
0x19: {  	s7 =	sld [smem:$0x3F93]  }
0x1a: {  	s8 =	sadd.s32 $0xFFFFE003, lr  }
0x1b: {  	s9 =	sadd.s32 $0xFFFFFEF7, lr;
	s5 =	simm.s32 $0xFFFFFFFF;
	p2 =	slt.u32 s8, $0xFFFFF086  }
0x1c: {  	p1 =	slt.u32 s9, $0xF7A;
	s5 =	simm.s32 @!p2 $0x0  }
0x1d: {  	s5 =	simm.s32 @p1 $0x1;
	p0 =	seq.s32 s7, s2  }
0x1e: {  	s7 =	smul.u32 @!p0 $0xF7A, s2;
	p2 =	seq.s32 @!p0 s5, $0x0  }
0x1f: {  	s9 =	smul.u32 $0xF7A, s1;
	s8 =	simm.s32 @!p0 $0x1BF5;
	p2 =	por !p2, p0  }
0x20: {  	[sflag:s8] =	ssyncset.s32 @!p0 $0xFFFFF086;
	s6 =	sadd.s32 @!p0 s3, s7;
	s7 =	simm.s32 @!p0 $0x108  }
0x21: {  	s3 =	sadd.s32 s3, s9;
	s6 =	sadd.s32 @!p0 $0x88, s6;
	s7 =	simm.s32 @p2 $0x1082  }
0x22: {  	[simem:s7], [sflag:s8] =	dma.local @!p0 [hbm:s6], $0xF7A  }
0x23: {  	s9 =	sor.u32 $0xD0000000, s2;
	s6 =	simm.s32 $0x108;
	_ =	swait.ge @!p0 [sflag:s8], $0x0  }
0x24: {  	s3 =	sadd.s32 $0x88, s3;
	s6 =	simm.s32 @!p1 $0x1082;
	[sflag:s4] =	ssyncset.s32 $0xFFFFF086  }
0x25: {  	[simem:s6], [sflag:s4] =	dma.local [hbm:s3], $0xF7A  }
0x26: {  	[smem:$0x3F93] =	sst s1;
	(tag) =	ssettag s2;
	_ =	strace s9  }
0x27: {  	s1 =	sld [smem:$0x3FA3]  }
0x28: {  	s2 =	sld [smem:$0x3FA4]  }
0x29: {  	s4 =	sld [smem:$0x3FA6]  }
0x2a: {  	p0 =	seq.s32 s5, $0x0;
	s5 =	sld [smem:$0x3FA7]  }
0x2b: {  	s6 =	sld [smem:$0x3FA8]  }
0x2c: {  	s7 =	sld [smem:$0x3FA9]  }
0x2d: {  	s3 =	simm.s32 $0x108;
	s8 =	sld [smem:$0x3FAA]  }
0x2e: {  	s3 =	simm.s32 @!p0 $0x1082;
	s9 =	sld [smem:$0x3FAB]  }
0x2f: {  	lr =	sadd.s32 s0, s3;
	s0 =	sld [smem:$0x3FA2]  }
0x30: {  	s3 =	sld [smem:$0x3FA5]  }
0x31: {  	[smem:$0x3FAE] =	sst s10  }
0x32: {  	s10 =	sld [smem:$0x3FAC];
	_ =	sdelay $0x3  }
0x33: {  	p0 =	seq.s32 s10, $0x1;
	s10 =	sld [smem:$0x3FAE];
	_ =	sdelay $0x3  }
0x34: {  	[smem:$0x3FAE] =	sst s10  }
0x35: {  	s10 =	sld [smem:$0x3FAD];
	_ =	sdelay $0x3  }
0x36: {  	p1 =	seq.s32 s10, $0x1;
	s10 =	sld [smem:$0x3FAE];
	_ =	sdelay $0x3  }
0x37: {  	[smem:$0x3FAE] =	sst s10  }
0x38: {  	s10 =	sld [smem:$0x3FAF]  }
0x39: {  	_ = 	snop;
	(pc) =	sbr.ind lr, $3  }
0x3a: {  	_ = 	snop  }
0x3b: {  	_ = 	snop  }
0x3c: {  	p2 =	seq.s32 s10, $0x1;
	s10 =	sld [smem:$0x3FAE]  }
0x3d: {  	_ =	shalt  }
0x3e: {  	_ =	shalt  }
0x3f: {  	_ =	shalt  }
0x40: {  	_ =	shalt  }
0x41: {  	_ =	shalt  }
0x42: {  	_ =	shalt  }
0x43: {  	_ =	shalt  }
0x44: {  	_ =	shalt  }
0x45: {  	_ =	shalt  }
0x46: {  	_ =	shalt  }
0x47: {  	_ =	shalt  }
0x48: {  	_ =	shalt  }
0x49: {  	_ =	shalt  }
0x4a: {  	_ =	shalt  }
0x4b: {  	_ =	shalt  }
0x4c: {  	_ =	shalt  }
0x4d: {  	_ =	shalt  }
0x4e: {  	_ =	shalt  }
0x4f: {  	_ =	shalt  }
0x50: {  	_ =	shalt  }
0x51: {  	_ =	shalt  }
0x52: {  	_ =	shalt  }
0x53: {  	_ =	shalt  }
0x54: {  	_ =	shalt  }
0x55: {  	_ =	shalt  }
0x56: {  	_ =	shalt  }
0x57: {  	_ =	shalt  }
0x58: {  	_ =	shalt  }
0x59: {  	_ =	shalt  }
0x5a: {  	_ =	shalt  }
0x5b: {  	_ =	shalt  }
0x5c: {  	_ =	shalt  }
0x5d: {  	_ =	shalt  }
0x5e: {  	_ =	shalt  }
0x5f: {  	_ =	shalt  }
0x60: {  	_ =	shalt  }
0x61: {  	_ =	shalt  }
0x62: {  	_ =	shalt  }
0x63: {  	_ =	shalt  }
0x64: {  	_ =	shalt  }
0x65: {  	_ =	shalt  }
0x66: {  	_ =	shalt  }
0x67: {  	_ =	shalt  }
0x68: {  	_ =	shalt  }
0x69: {  	_ =	shalt  }
0x6a: {  	_ =	shalt  }
0x6b: {  	_ =	shalt  }
0x6c: {  	_ =	shalt  }
0x6d: {  	_ =	shalt  }
0x6e: {  	_ =	shalt  }
0x6f: {  	_ =	shalt  }
0x70: {  	_ =	shalt  }
0x71: {  	_ =	shalt  }
0x72: {  	_ =	shalt  }
0x73: {  	_ =	shalt  }
0x74: {  	_ =	shalt  }
0x75: {  	_ =	shalt  }
0x76: {  	_ =	shalt  }
0x77: {  	_ =	shalt  }
0x78: {  	_ =	shalt  }
0x79: {  	_ =	shalt  }
0x7a: {  	_ =	shalt  }
0x7b: {  	_ =	shalt  }
0x7c: {  	_ =	shalt  }
0x7d: {  	_ =	shalt  }
0x7e: {  	_ =	shalt  }
0x7f: {  	_ =	shalt  }
0x80: {  	_ =	shalt  }
0x81: {  	_ =	shalt  }
0x82: {  	_ =	shalt  }
0x83: {  	_ =	shalt  }
0x84: {  	_ =	shalt  }
0x85: {  	_ =	shalt  }
0x86: {  	_ =	shalt  }
0x87: {  	_ =	shalt  }
.Lfunc_end0:
.L_simem_size_0:
called_computation.2_lowered:
.L_overlay_start_0:
0x88: {  	s2 =	sld [smem:$0x3FD9]  }
0x89: {  	s3 =	sld [smem:$0x3FFE];
	_ =	sdelay $0x1  }
0x8a: {  	s1 =	srdreg.scid  }
0x8b: {  	s0 =	sand.u32 $0x1, s1  }
0x8c: {  	s16 =	sshll.u32 s0, $0xA;
	s2 =	sadd.s32 s3, s2  }
0x8d: {  	s2 =	sadd.s32 s2, s16  }
0x8e: {  	[smem:$0x3FBA] =	sst s2  }
0x8f: {  	_ = 	snop  }
0x90: {  	(tm) =	ssettm $0x1  }
0x91: {  	s17 =	sld [smem:$0x3FFB];
	_ =	sdelay $0x3  }
0x92: {  	_ =	strace s17  }
0x93: {  	s2 =	sld [smem:$0x3FFC];
	_ =	sdelay $0x3  }
0x94: {  	_ =	strace s2  }
0x95: {  	s2 =	sld [smem:$0x3FFD];
	_ =	sdelay $0x3  }
0x96: {  	_ =	strace s2  }
0x97: {  	_ =	strace $0x8FFFFFFF  }
0x98: {  	s18 =	sld [smem:$0x3FDB];
	_ =	sdelay $0x1  }
0x99: {  	s19 =	simm.s32 $_scs_section_size  }
0x9a: {  	s4 =	simm.s32 $_size__tile_overlayer_lowered;
	s5 =	simm.s32 $_tile_overlayer_lowered  }
0x9b: {  	s22 =	simm.s32 $0x1BFF;
	s21 =	sshll.u32 s5, $0x1;
	s2 =	sadd.s32 s19, s18  }
0x9c: {  	s6 =	simm.s32 $0x0;
	s20 =	sshll.u32 s4, $0x1;
	s4 =	sadd.s32 s21, s2  }
0x9d: {  	[timem:s6], [sflag:s22] =	dma.local [hbm:s4], s20  }
0x9e: {  	_ =	swait.ge [sflag:s22], s20  }
0x9f: {  	s3 =	ssub.s32 $0x0, s20;
	[sflag:s22] =	ssyncset.done $0x0  }
0xa0: {  	[sflag:s22] =	ssyncadd.s32 s3;
	_ =	sdelay $0x1  }
0xa1: {  	s23 =	simm.s32 $0x1B8B  }
0xa2: {  	_ =	swait.ge [sflag:s23], $0x1  }
0xa3: {  	[sflag:s23] =	ssyncset.done $0x0  }
0xa4: {  	s25 =	simm.s32 $0x1B8E;
	s24 =	sld [smem:$0x3FFE];
	[sflag:s23] =	ssyncadd.s32 $0xFFFFFFFF  }
0xa5: {  	s26 =	simm.s32 $execute0_lowered;
	[smem:$0x3FD2] =	sst s25  }
0xa6: {  	s4 =	sshll.u32 s26, $0x1;
	_ =	strace $0x8000004C;
	[dreg:$0x1] =	wrdreg $0xFFFFFFFF  }
0xa7: {  	s28 =	simm.s32 $_size_execute0_lowered;
	s2 =	sadd.s32 s2, s4;
	[dreg:$0x0] =	wrdreg $0x0  }
0xa8: {  	s4 =	sshll.u32 s28, $0x1;
	[dreg:$0x2] =	wrdreg s2  }
0xa9: {  	[dreg:$0x3] =	wrdreg s4  }
0xaa: {  	[dreg:$0x4] =	wrdreg $0xC0  }
0xab: {  	_ =	task [dreg:s6], $0x5FFFF  }
0xac: {  	[dreg:$0x1] =	wrdreg $0xFFFFFFFF  }
0xad: {  	[dreg:$0x0] =	wrdreg $0x60  }
0xae: {  	[dreg:$0x2] =	wrdreg s24  }
0xaf: {  	[dreg:$0x3] =	wrdreg $0xA0000  }
0xb0: {  	[dreg:$0x4] =	wrdreg $0x9  }
0xb1: {  	_ =	task.clear_ibuf [dreg:s6], $0x5FFFF;
	_ =	strace $0x9000004C  }
0xb2: {  	s29 =	simm.s32 $0x9;
	_ =	strace $0x8000004E  }
0xb3: {  	_ =	swait.ge [sflag:s29], $0x1  }
0xb4: {  	[sflag:s29] =	ssyncadd.s32 $0xFFFFFFFF  }
0xb5: {  	_ =	strace $0x9000004E  }
0xb6: {  	_ =	sfence  }
0xb7: {  	s30 =	sld [smem:$0x0];
	_ =	sdelay $0x2  }
0xb8: {  	s31 =	sshll.u32 s1, $0xD;
	s1 =	sshrl.u32 s1, $0x2  }
0xb9: {  	s3 =	sand.u32 $0x4000, s31;
	s1 =	sadd.s32 s1, s30  }
0xba: {  	s0 =	sor.u32 s3, s0;
	s1 =	sshll.u32 s1, $0x11  }
0xbb: {  	s0 =	sor.u32 s1, s0  }
0xbc: {  	s0 =	sadd.s32 $0x8F2B, s0  }
0xbd: {  	[sflag:s0] =	ssyncadd.remote.s32 $0x1  }
0xbe: {  	_ =	sfence.sel $0xFFFF  }
0xbf: {  	[dreg:$0x0] =	wrdreg $0xFFFFFFFF;
	(pc) =	sbr.abs _section_cstart, $3  }
0xc0: {  	[dreg:$0x1] =	wrdreg $0xFFFFFFFF  }
0xc1: {  	_ =	task.clear_ibuf [dreg:s6], $0x2FFFF;
	_ =	strace $0x9FFFFFFF  }
0xc2: {  	(tm) =	ssettm $0x7FFFFFFF  }
0xc3: {  	_ =	shalt  }
tec
execute0_lowered:
.L_overlay_start_1:
0x0: {  	(tag) =	ssettag $0x1  }
0x1: {  	s0 =	rddreg [dreg:$0x0]  }
0x2: {  	s2 =	rddreg [dreg:$0x1];
	s3 =	simm.s32 $0x0;
	s1 =	srdreg.scid  }
0x3: {  	s11 =	stileid.u32;
	s20 =	simm.s32 $0x3;
	s21 =	simm.s32 $0x1000  }
0x4: {  	s22 =	simm.s32 $0x80;
	s23 =	simm.s32 $0x2000;
	s24 =	simm.s32 $0x6000  }
0x5: {  	s28 =	simm.s32 $0x1F80;
	s29 =	simm.s32 $0x0;
	[smem:$0x7FF] =	sst s3  }
0x6: {  	s1 =	sand.u32 $0x1, s1;
	s5 =	smul.u32 $0x2780, s11;
	s4 =	sadd.s32 $0x1A200, s0  }
0x7: {  	s7 =	sadd.s32 $0x3A00, s0;
	s16 =	sadd.s32 $0xDA00, s0;
	s10 =	smul.u32 $0x4F000, s11  }
0x8: {  	s26 =	sshll.u32 s11, $0x6;
	s30 =	sshll.u32 s11, $0x9;
	s15 =	sshll.u32 s11, $0xB  }
0x9: {  	_ =	strace $0x8000004D;
	s6 =	smul.u32 $0x27800, s1;
	s8 =	ssub.s32 $0x2, s1  }
0xa: {  	s31 =	sor.u32 $0x8000, s30;
	s12 =	sor.u32 $0x200, s15;
	s14 =	sor.u32 $0x400, s15  }
0xb: {  	s17 =	sor.u32 $0x600, s15;
	p0 =	sne.s32 s1, $0x0;
	s9 =	sshrl.u32 s8, $0x1  }
0xc: {  	s25 =	sshrl.u32 s10, $0x2;
	s10 =	sadd.s32 s16, s15;
	s11 =	sadd.s32 s7, s12  }
0xd: {  	s12 =	sadd.s32 s16, s12;
	s13 =	sadd.s32 s7, s14;
	s14 =	sadd.s32 s16, s14  }
0xe: {  	s6 =	sadd.s32 s5, s6;
	s5 =	sadd.s32 $0x17A00, s0;
	s18 =	ssub.s32 s8, s9  }
.Ltmp0:
0xf: {  	s19 =	sadd.s32 s25, s2;
	s9 =	sadd.s32 s7, s31;
	(pc) =	sbr.rel .LBB2_1-.Ltmp0, $4  }
0x10: {  	s8 =	sadd.s32 s16, s31;
	s16 =	sadd.s32 s16, s17;
	s25 =	simm.s32 $0x1  }
0x11: {  	s0 =	sadd.s32 s6, s0;
	s6 =	sor.u32 $0x1C03, s26;
	[dreg:$0x3] =	wrdreg s9  }
0x12: {  	s9 =	sadd.s32 s7, s15;
	s15 =	sadd.s32 s7, s17;
	s18 =	smax.u32 s18, $0x1  }
0x13: {  	s19 =	sshrl.u32 s19, $0x3;
	s26 =	simm.s32 $0x2;
	s17 =	sadd.s32 $0x41A00, s0  }
.LBB2_13:
0x14: {  	[tilespmem:s7], [sflag:$0x1] =	stream.indirect.gather [hbm4b:s4+s22], $0x80, s1, s22, $0xb8;
	[tilespmem:$0x1DC00] =	vst v63  }
.LBB2_14:
0x15: {  	_ =	swait.ge [sflag:s25], $0x4000  }
0x16: {  	[sflag:s25] =	ssyncset.done $0x0  }
0x17: {  	[sflag:s25] =	ssyncadd.s32 $0xFFFFC000  }
0x18: {  	[spmem:s2] =	stream.indirect.scatter.add.f32 [tilespmem:s24], [sflag:$0x2], $0x80, s28, s22, $0xb8;
	[tilespmem:$0x1DC00] =	vst v63  }
0x19: {  	_ =	swait.ge [sflag:s26], $0x4000  }
0x1a: {  	[sflag:s26] =	ssyncset.done $0x0  }
0x1b: {  	[sflag:s26] =	ssyncadd.s32 $0xFFFFC000  }
0x1c: {  	_ =	swait.ge [sflag:s26], $0x4000  }
0x1d: {  	s29 =	sadd.s32 $0x1, s29;
	[sflag:s26] =	ssyncset.done $0x0  }
0x1e: {  	p1 =	sne.s32 s29, s18;
	[sflag:s26] =	ssyncadd.s32 $0xFFFFC000  }
.Ltmp1:
0x1f: {  	[bflag:$0x0] =	sbarrier.arrive $0xFFFF;
	(pc) =	sbr.rel @!p1 .LBB2_15-.Ltmp1, $4  }
0x20: {  	[hbm:s17], [sflag:s6] =	dma.local [spmem:s19], $0x2780  }
0x21: {  	_ =	swait.ge [sflag:s20], $0x2780  }
0x22: {  	[sflag:s20] =	ssyncset.done $0x0  }
0x23: {  	[sflag:s20] =	ssyncadd.s32 $0xFFFFD880  }
.LBB2_1:
0x24: {  	[spmem:s19], [sflag:s6] =	dma.local [hbm:s5], $0x2780  }
.Ltmp2:
0x25: {  	_ =	swait.ge [sflag:s20], $0x2780;
	(pc) =	sbr.rel @p0 .LBB2_11-.Ltmp2, $3  }
0x26: {  	[sflag:s20] =	ssyncset.done $0x0  }
0x27: {  	[sflag:s20] =	ssyncadd.s32 $0xFFFFD880  }
0x28: {  	[bflag:$0x0] =	sbarrier.arrive $0xFFFF;
	_ =	sdelay $0x1  }
0x29: {  	[tilespmem:s3], [sflag:$0x3] =	stream.linear.gather [hbm4b:s9+s3], $0x1000, $0x38;
	[tilespmem:$0x1DC00] =	vst v63  }
0x2a: {  	_ =	swait.ge [sflag:s20], $0x1000  }
0x2b: {  	[sflag:s20] =	ssyncset.done $0x0  }
0x2c: {  	[sflag:s20] =	ssyncadd.s32 $0xFFFFF000  }
0x2d: {  	[tilespmem:s21], [sflag:$0x3] =	stream.linear.gather [hbm4b:s10+s3], $0x1000, $0x38;
	[tilespmem:$0x1DC00] =	vst v63  }
0x2e: {  	_ =	swait.ge [sflag:s20], $0x1000  }
0x2f: {  	[sflag:s20] =	ssyncset.done $0x0  }
0x30: {  	s0 =	simm.s32 $0x1;
	[sflag:s20] =	ssyncadd.s32 $0xFFFFF000  }
0x31: {  	[tilespmem:s23], [sflag:$0x1] =	stream.indirect.gather [hbm4b:s4+s22], $0x80, s3, s22, $0xb8;
	[tilespmem:$0x1DC00] =	vst v63  }
0x32: {  	_ =	swait.ge [sflag:s0], $0x4000  }
0x33: {  	[sflag:s0] =	ssyncset.done $0x0  }
0x34: {  	[sflag:s0] =	ssyncadd.s32 $0xFFFFC000  }
0x35: {  	[spmem:s2] =	stream.indirect.scatter.add.f32 [tilespmem:s23], [sflag:$0x2], $0x80, s21, s22, $0xb8;
	[tilespmem:$0x1DC00] =	vst v63  }
0x36: {  	_ = 	snop  }
0x37: {  	[tilespmem:s24], [sflag:$0x1] =	stream.indirect.gather [hbm4b:s4+s22], $0x80, s22, s22, $0xb8;
	[tilespmem:$0x1DC00] =	vst v63  }
0x38: {  	s7 =	simm.s32 $0x4000;
	_ =	swait.ge [sflag:s25], $0x4000  }
0x39: {  	s0 =	sand.u32 $0x4000, s7;
	[sflag:s25] =	ssyncset.done $0x0  }
0x3a: {  	s1 =	simm.s32 $0x1080;
	s7 =	sor.u32 $0x2000, s0;
	[sflag:s25] =	ssyncadd.s32 $0xFFFFC000  }
0x3b: {  	[spmem:s2] =	stream.indirect.scatter.add.f32 [tilespmem:s7], [sflag:$0x2], $0x80, s1, s22, $0xb8;
	[tilespmem:$0x1DC00] =	vst v63  }
0x3c: {  	s30 =	simm.s32 $0x2;
	_ =	swait.ge [sflag:s26], $0x4000  }
0x3d: {  	s31 =	simm.s32 $0x1100;
	s1 =	simm.s32 $0x100;
	[sflag:s26] =	ssyncset.done $0x0  }
0x3e: {  	s7 =	sxor.u32 $0x6000, s0;
	s0 =	simm.s32 $0x180;
	[sflag:s26] =	ssyncadd.s32 $0xFFFFC000  }
.LBB2_3:
0x3f: {  	[tilespmem:s7], [sflag:$0x1] =	stream.indirect.gather [hbm4b:s4+s22], $0x80, s1, s22, $0xb8;
	[tilespmem:$0x1DC00] =	vst v63  }
0x40: {  	s1 =	sshll.u32 s30, $0xE;
	p1 =	sne.s32 s30, $0x1E;
	_ =	swait.ge [sflag:s25], $0x4000  }
0x41: {  	s30 =	sadd.s32 $0x1, s30;
	s7 =	sand.u32 $0x4000, s1;
	[sflag:s25] =	ssyncset.done $0x0  }
.Ltmp3:
0x42: {  	s1 =	sor.u32 $0x2000, s7;
	[sflag:s25] =	ssyncadd.s32 $0xFFFFC000;
	(pc) =	sbr.rel @p1 .LBB2_3-.Ltmp3, $4  }
0x43: {  	[spmem:s2] =	stream.indirect.scatter.add.f32 [tilespmem:s1], [sflag:$0x2], $0x80, s31, s22, $0xb8;
	[tilespmem:$0x1DC00] =	vst v63  }
0x44: {  	s1 =	smov.u32 s0;
	_ =	swait.ge [sflag:s26], $0x4000  }
0x45: {  	s31 =	sadd.s32 $0x80, s31;
	[sflag:s26] =	ssyncset.done $0x0  }
0x46: {  	s7 =	sxor.u32 $0x6000, s7;
	s0 =	sadd.s32 $0x80, s0;
	[sflag:s26] =	ssyncadd.s32 $0xFFFFC000  }
0x47: {  	[tilespmem:s7], [sflag:$0x1] =	stream.indirect.gather [hbm4b:s4+s22], $0x80, s1, s22, $0xb8;
	[tilespmem:$0x1DC00] =	vst v63  }
0x48: {  	s0 =	simm.s32 $0x1  }
0x49: {  	_ =	swait.ge [sflag:s0], $0x4000  }
0x4a: {  	[sflag:s0] =	ssyncset.done $0x0  }
0x4b: {  	[sflag:s0] =	ssyncadd.s32 $0xFFFFC000  }
0x4c: {  	[spmem:s2] =	stream.indirect.scatter.add.f32 [tilespmem:s24], [sflag:$0x2], $0x80, s28, s22, $0xb8;
	[tilespmem:$0x1DC00] =	vst v63  }
0x4d: {  	_ =	swait.ge [sflag:s26], $0x4000  }
0x4e: {  	[sflag:s26] =	ssyncset.done $0x0  }
0x4f: {  	[sflag:s26] =	ssyncadd.s32 $0xFFFFC000  }
0x50: {  	_ =	swait.ge [sflag:s26], $0x4000  }
0x51: {  	[sflag:s26] =	ssyncset.done $0x0  }
0x52: {  	[sflag:s26] =	ssyncadd.s32 $0xFFFFC000  }
0x53: {  	[tilespmem:s3], [sflag:$0x3] =	stream.linear.gather [hbm4b:s11+s3], $0x1000, $0x38;
	[tilespmem:$0x1DC00] =	vst v63  }
0x54: {  	_ =	swait.ge [sflag:s20], $0x1000  }
0x55: {  	[sflag:s20] =	ssyncset.done $0x0  }
0x56: {  	[sflag:s20] =	ssyncadd.s32 $0xFFFFF000  }
0x57: {  	[tilespmem:s21], [sflag:$0x3] =	stream.linear.gather [hbm4b:s12+s3], $0x1000, $0x38;
	[tilespmem:$0x1DC00] =	vst v63  }
0x58: {  	_ =	swait.ge [sflag:s20], $0x1000  }
0x59: {  	[sflag:s20] =	ssyncset.done $0x0  }
0x5a: {  	[sflag:s20] =	ssyncadd.s32 $0xFFFFF000  }
0x5b: {  	[tilespmem:s23], [sflag:$0x1] =	stream.indirect.gather [hbm4b:s4+s22], $0x80, s3, s22, $0xb8;
	[tilespmem:$0x1DC00] =	vst v63  }
0x5c: {  	_ =	swait.ge [sflag:s0], $0x4000  }
0x5d: {  	[sflag:s0] =	ssyncset.done $0x0  }
0x5e: {  	[sflag:s0] =	ssyncadd.s32 $0xFFFFC000  }
0x5f: {  	[spmem:s2] =	stream.indirect.scatter.add.f32 [tilespmem:s23], [sflag:$0x2], $0x80, s21, s22, $0xb8;
	[tilespmem:$0x1DC00] =	vst v63  }
0x60: {  	_ = 	snop  }
0x61: {  	[tilespmem:s24], [sflag:$0x1] =	stream.indirect.gather [hbm4b:s4+s22], $0x80, s22, s22, $0xb8;
	[tilespmem:$0x1DC00] =	vst v63  }
0x62: {  	s7 =	simm.s32 $0x4000;
	_ =	swait.ge [sflag:s25], $0x4000  }
0x63: {  	s7 =	sand.u32 $0x4000, s7;
	[sflag:s25] =	ssyncset.done $0x0  }
0x64: {  	s1 =	simm.s32 $0x1080;
	s30 =	sor.u32 $0x2000, s7;
	[sflag:s25] =	ssyncadd.s32 $0xFFFFC000  }
0x65: {  	[spmem:s2] =	stream.indirect.scatter.add.f32 [tilespmem:s30], [sflag:$0x2], $0x80, s1, s22, $0xb8;
	[tilespmem:$0x1DC00] =	vst v63  }
0x66: {  	s31 =	simm.s32 $0x1100;
	_ =	swait.ge [sflag:s26], $0x4000  }
0x67: {  	s7 =	sxor.u32 $0x6000, s7;
	s0 =	simm.s32 $0x100;
	[sflag:s26] =	ssyncset.done $0x0  }
0x68: {  	s30 =	simm.s32 $0x2;
	s1 =	simm.s32 $0x180;
	[sflag:s26] =	ssyncadd.s32 $0xFFFFC000  }
.LBB2_5:
0x69: {  	[tilespmem:s7], [sflag:$0x1] =	stream.indirect.gather [hbm4b:s4+s22], $0x80, s0, s22, $0xb8;
	[tilespmem:$0x1DC00] =	vst v63  }
0x6a: {  	s0 =	sshll.u32 s30, $0xE;
	p1 =	sne.s32 s30, $0x1E;
	_ =	swait.ge [sflag:s25], $0x4000  }
0x6b: {  	s30 =	sadd.s32 $0x1, s30;
	s7 =	sand.u32 $0x4000, s0;
	[sflag:s25] =	ssyncset.done $0x0  }
.Ltmp4:
0x6c: {  	s0 =	sor.u32 $0x2000, s7;
	[sflag:s25] =	ssyncadd.s32 $0xFFFFC000;
	(pc) =	sbr.rel @p1 .LBB2_5-.Ltmp4, $4  }
0x6d: {  	[spmem:s2] =	stream.indirect.scatter.add.f32 [tilespmem:s0], [sflag:$0x2], $0x80, s31, s22, $0xb8;
	[tilespmem:$0x1DC00] =	vst v63  }
0x6e: {  	s0 =	smov.u32 s1;
	_ =	swait.ge [sflag:s26], $0x4000  }
0x6f: {  	s31 =	sadd.s32 $0x80, s31;
	[sflag:s26] =	ssyncset.done $0x0  }
0x70: {  	s7 =	sxor.u32 $0x6000, s7;
	s1 =	sadd.s32 $0x80, s1;
	[sflag:s26] =	ssyncadd.s32 $0xFFFFC000  }
0x71: {  	[tilespmem:s7], [sflag:$0x1] =	stream.indirect.gather [hbm4b:s4+s22], $0x80, s0, s22, $0xb8;
	[tilespmem:$0x1DC00] =	vst v63  }
0x72: {  	s1 =	simm.s32 $0x1  }
0x73: {  	_ =	swait.ge [sflag:s1], $0x4000  }
0x74: {  	[sflag:s1] =	ssyncset.done $0x0  }
0x75: {  	[sflag:s1] =	ssyncadd.s32 $0xFFFFC000  }
0x76: {  	[spmem:s2] =	stream.indirect.scatter.add.f32 [tilespmem:s24], [sflag:$0x2], $0x80, s28, s22, $0xb8;
	[tilespmem:$0x1DC00] =	vst v63  }
0x77: {  	_ =	swait.ge [sflag:s26], $0x4000  }
0x78: {  	[sflag:s26] =	ssyncset.done $0x0  }
0x79: {  	[sflag:s26] =	ssyncadd.s32 $0xFFFFC000  }
0x7a: {  	_ =	swait.ge [sflag:s26], $0x4000  }
0x7b: {  	[sflag:s26] =	ssyncset.done $0x0  }
0x7c: {  	[sflag:s26] =	ssyncadd.s32 $0xFFFFC000  }
0x7d: {  	[tilespmem:s3], [sflag:$0x3] =	stream.linear.gather [hbm4b:s13+s3], $0x1000, $0x38;
	[tilespmem:$0x1DC00] =	vst v63  }
0x7e: {  	_ =	swait.ge [sflag:s20], $0x1000  }
0x7f: {  	[sflag:s20] =	ssyncset.done $0x0  }
0x80: {  	[sflag:s20] =	ssyncadd.s32 $0xFFFFF000  }
0x81: {  	[tilespmem:s21], [sflag:$0x3] =	stream.linear.gather [hbm4b:s14+s3], $0x1000, $0x38;
	[tilespmem:$0x1DC00] =	vst v63  }
0x82: {  	_ =	swait.ge [sflag:s20], $0x1000  }
0x83: {  	[sflag:s20] =	ssyncset.done $0x0  }
0x84: {  	[sflag:s20] =	ssyncadd.s32 $0xFFFFF000  }
0x85: {  	[tilespmem:s23], [sflag:$0x1] =	stream.indirect.gather [hbm4b:s4+s22], $0x80, s3, s22, $0xb8;
	[tilespmem:$0x1DC00] =	vst v63  }
0x86: {  	_ =	swait.ge [sflag:s1], $0x4000  }
0x87: {  	[sflag:s1] =	ssyncset.done $0x0  }
0x88: {  	[sflag:s1] =	ssyncadd.s32 $0xFFFFC000  }
0x89: {  	[spmem:s2] =	stream.indirect.scatter.add.f32 [tilespmem:s23], [sflag:$0x2], $0x80, s21, s22, $0xb8;
	[tilespmem:$0x1DC00] =	vst v63  }
0x8a: {  	_ = 	snop  }
0x8b: {  	[tilespmem:s24], [sflag:$0x1] =	stream.indirect.gather [hbm4b:s4+s22], $0x80, s22, s22, $0xb8;
	[tilespmem:$0x1DC00] =	vst v63  }
0x8c: {  	s7 =	simm.s32 $0x4000;
	_ =	swait.ge [sflag:s25], $0x4000  }
0x8d: {  	s0 =	sand.u32 $0x4000, s7;
	[sflag:s25] =	ssyncset.done $0x0  }
0x8e: {  	s7 =	sor.u32 $0x2000, s0;
	s1 =	simm.s32 $0x1080;
	[sflag:s25] =	ssyncadd.s32 $0xFFFFC000  }
0x8f: {  	[spmem:s2] =	stream.indirect.scatter.add.f32 [tilespmem:s7], [sflag:$0x2], $0x80, s1, s22, $0xb8;
	[tilespmem:$0x1DC00] =	vst v63  }
0x90: {  	s30 =	simm.s32 $0x2;
	_ =	swait.ge [sflag:s26], $0x4000  }
0x91: {  	s31 =	simm.s32 $0x1100;
	s1 =	simm.s32 $0x100;
	[sflag:s26] =	ssyncset.done $0x0  }
0x92: {  	s7 =	sxor.u32 $0x6000, s0;
	s0 =	simm.s32 $0x180;
	[sflag:s26] =	ssyncadd.s32 $0xFFFFC000  }
.LBB2_7:
0x93: {  	[tilespmem:s7], [sflag:$0x1] =	stream.indirect.gather [hbm4b:s4+s22], $0x80, s1, s22, $0xb8;
	[tilespmem:$0x1DC00] =	vst v63  }
0x94: {  	s1 =	sshll.u32 s30, $0xE;
	p1 =	sne.s32 s30, $0x1E;
	_ =	swait.ge [sflag:s25], $0x4000  }
0x95: {  	s30 =	sadd.s32 $0x1, s30;
	s7 =	sand.u32 $0x4000, s1;
	[sflag:s25] =	ssyncset.done $0x0  }
.Ltmp5:
0x96: {  	s1 =	sor.u32 $0x2000, s7;
	[sflag:s25] =	ssyncadd.s32 $0xFFFFC000;
	(pc) =	sbr.rel @p1 .LBB2_7-.Ltmp5, $4  }
0x97: {  	[spmem:s2] =	stream.indirect.scatter.add.f32 [tilespmem:s1], [sflag:$0x2], $0x80, s31, s22, $0xb8;
	[tilespmem:$0x1DC00] =	vst v63  }
0x98: {  	s1 =	smov.u32 s0;
	_ =	swait.ge [sflag:s26], $0x4000  }
0x99: {  	s31 =	sadd.s32 $0x80, s31;
	[sflag:s26] =	ssyncset.done $0x0  }
0x9a: {  	s7 =	sxor.u32 $0x6000, s7;
	s0 =	sadd.s32 $0x80, s0;
	[sflag:s26] =	ssyncadd.s32 $0xFFFFC000  }
0x9b: {  	[tilespmem:s7], [sflag:$0x1] =	stream.indirect.gather [hbm4b:s4+s22], $0x80, s1, s22, $0xb8;
	[tilespmem:$0x1DC00] =	vst v63  }
0x9c: {  	s0 =	simm.s32 $0x1  }
0x9d: {  	_ =	swait.ge [sflag:s0], $0x4000  }
0x9e: {  	[sflag:s0] =	ssyncset.done $0x0  }
0x9f: {  	[sflag:s0] =	ssyncadd.s32 $0xFFFFC000  }
0xa0: {  	[spmem:s2] =	stream.indirect.scatter.add.f32 [tilespmem:s24], [sflag:$0x2], $0x80, s28, s22, $0xb8;
	[tilespmem:$0x1DC00] =	vst v63  }
0xa1: {  	_ =	swait.ge [sflag:s26], $0x4000  }
0xa2: {  	[sflag:s26] =	ssyncset.done $0x0  }
0xa3: {  	[sflag:s26] =	ssyncadd.s32 $0xFFFFC000  }
0xa4: {  	_ =	swait.ge [sflag:s26], $0x4000  }
0xa5: {  	[sflag:s26] =	ssyncset.done $0x0  }
0xa6: {  	[sflag:s26] =	ssyncadd.s32 $0xFFFFC000  }
0xa7: {  	[tilespmem:s3], [sflag:$0x3] =	stream.linear.gather [hbm4b:s15+s3], $0x1000, $0x38;
	[tilespmem:$0x1DC00] =	vst v63  }
0xa8: {  	_ =	swait.ge [sflag:s20], $0x1000  }
0xa9: {  	[sflag:s20] =	ssyncset.done $0x0  }
0xaa: {  	[sflag:s20] =	ssyncadd.s32 $0xFFFFF000  }
0xab: {  	[tilespmem:s21], [sflag:$0x3] =	stream.linear.gather [hbm4b:s16+s3], $0x1000, $0x38;
	[tilespmem:$0x1DC00] =	vst v63  }
0xac: {  	_ =	swait.ge [sflag:s20], $0x1000  }
0xad: {  	[sflag:s20] =	ssyncset.done $0x0  }
0xae: {  	[sflag:s20] =	ssyncadd.s32 $0xFFFFF000  }
0xaf: {  	[tilespmem:s23], [sflag:$0x1] =	stream.indirect.gather [hbm4b:s4+s22], $0x80, s3, s22, $0xb8;
	[tilespmem:$0x1DC00] =	vst v63  }
0xb0: {  	_ =	swait.ge [sflag:s0], $0x4000  }
0xb1: {  	[sflag:s0] =	ssyncset.done $0x0  }
0xb2: {  	[sflag:s0] =	ssyncadd.s32 $0xFFFFC000  }
0xb3: {  	[spmem:s2] =	stream.indirect.scatter.add.f32 [tilespmem:s23], [sflag:$0x2], $0x80, s21, s22, $0xb8;
	[tilespmem:$0x1DC00] =	vst v63  }
0xb4: {  	_ = 	snop  }
0xb5: {  	[tilespmem:s24], [sflag:$0x1] =	stream.indirect.gather [hbm4b:s4+s22], $0x80, s22, s22, $0xb8;
	[tilespmem:$0x1DC00] =	vst v63  }
0xb6: {  	s7 =	simm.s32 $0x4000;
	_ =	swait.ge [sflag:s25], $0x4000  }
0xb7: {  	s0 =	sand.u32 $0x4000, s7;
	[sflag:s25] =	ssyncset.done $0x0  }
0xb8: {  	s1 =	simm.s32 $0x1080;
	s7 =	sor.u32 $0x2000, s0;
	[sflag:s25] =	ssyncadd.s32 $0xFFFFC000  }
0xb9: {  	[spmem:s2] =	stream.indirect.scatter.add.f32 [tilespmem:s7], [sflag:$0x2], $0x80, s1, s22, $0xb8;
	[tilespmem:$0x1DC00] =	vst v63  }
0xba: {  	s30 =	simm.s32 $0x2;
	_ =	swait.ge [sflag:s26], $0x4000  }
0xbb: {  	s31 =	simm.s32 $0x1100;
	s1 =	simm.s32 $0x100;
	[sflag:s26] =	ssyncset.done $0x0  }
0xbc: {  	s7 =	sxor.u32 $0x6000, s0;
	s0 =	simm.s32 $0x180;
	[sflag:s26] =	ssyncadd.s32 $0xFFFFC000  }
.LBB2_9:
0xbd: {  	[tilespmem:s7], [sflag:$0x1] =	stream.indirect.gather [hbm4b:s4+s22], $0x80, s1, s22, $0xb8;
	[tilespmem:$0x1DC00] =	vst v63  }
0xbe: {  	s1 =	sshll.u32 s30, $0xE;
	p1 =	sne.s32 s30, $0x1E;
	_ =	swait.ge [sflag:s25], $0x4000  }
0xbf: {  	s30 =	sadd.s32 $0x1, s30;
	s7 =	sand.u32 $0x4000, s1;
	[sflag:s25] =	ssyncset.done $0x0  }
.Ltmp6:
0xc0: {  	s1 =	sor.u32 $0x2000, s7;
	[sflag:s25] =	ssyncadd.s32 $0xFFFFC000;
	(pc) =	sbr.rel @p1 .LBB2_9-.Ltmp6, $4  }
0xc1: {  	[spmem:s2] =	stream.indirect.scatter.add.f32 [tilespmem:s1], [sflag:$0x2], $0x80, s31, s22, $0xb8;
	[tilespmem:$0x1DC00] =	vst v63  }
0xc2: {  	s1 =	smov.u32 s0;
	_ =	swait.ge [sflag:s26], $0x4000  }
0xc3: {  	s31 =	sadd.s32 $0x80, s31;
	[sflag:s26] =	ssyncset.done $0x0  }
0xc4: {  	s7 =	sxor.u32 $0x6000, s7;
	s0 =	sadd.s32 $0x80, s0;
	[sflag:s26] =	ssyncadd.s32 $0xFFFFC000  }
.Ltmp7:
0xc5: {  	(pc) =	sbr.rel .LBB2_14-.Ltmp7, $2  }
0xc6: {  	_ =	sdelay $0x2  }
0xc7: {  	[tilespmem:s7], [sflag:$0x1] =	stream.indirect.gather [hbm4b:s4+s22], $0x80, s1, s22, $0xb8;
	[tilespmem:$0x1DC00] =	vst v63  }
.LBB2_11:
0xc8: {  	s0 =	rddreg [dreg:$0x3]  }
0xc9: {  	[tilespmem:s3], [sflag:$0x3] =	stream.linear.gather [hbm4b:s0+s3], $0x1000, $0x38;
	[tilespmem:$0x1DC00] =	vst v63  }
0xca: {  	_ =	swait.ge [sflag:s20], $0x1000  }
0xcb: {  	[sflag:s20] =	ssyncset.done $0x0  }
0xcc: {  	[sflag:s20] =	ssyncadd.s32 $0xFFFFF000  }
0xcd: {  	[tilespmem:s21], [sflag:$0x3] =	stream.linear.gather [hbm4b:s8+s3], $0x1000, $0x38;
	[tilespmem:$0x1DC00] =	vst v63  }
0xce: {  	_ =	swait.ge [sflag:s20], $0x1000  }
0xcf: {  	[sflag:s20] =	ssyncset.done $0x0  }
0xd0: {  	s1 =	simm.s32 $0x1;
	[sflag:s20] =	ssyncadd.s32 $0xFFFFF000  }
0xd1: {  	[tilespmem:s23], [sflag:$0x1] =	stream.indirect.gather [hbm4b:s4+s22], $0x80, s3, s22, $0xb8;
	[tilespmem:$0x1DC00] =	vst v63  }
0xd2: {  	_ =	swait.ge [sflag:s1], $0x4000  }
0xd3: {  	[sflag:s1] =	ssyncset.done $0x0  }
0xd4: {  	[sflag:s1] =	ssyncadd.s32 $0xFFFFC000  }
0xd5: {  	[spmem:s2] =	stream.indirect.scatter.add.f32 [tilespmem:s23], [sflag:$0x2], $0x80, s21, s22, $0xb8;
	[tilespmem:$0x1DC00] =	vst v63  }
0xd6: {  	_ = 	snop  }
0xd7: {  	[tilespmem:s24], [sflag:$0x1] =	stream.indirect.gather [hbm4b:s4+s22], $0x80, s22, s22, $0xb8;
	[tilespmem:$0x1DC00] =	vst v63  }
0xd8: {  	s7 =	simm.s32 $0x4000;
	_ =	swait.ge [sflag:s25], $0x4000  }
0xd9: {  	s0 =	sand.u32 $0x4000, s7;
	[sflag:s25] =	ssyncset.done $0x0  }
0xda: {  	s7 =	sor.u32 $0x2000, s0;
	s1 =	simm.s32 $0x1080;
	[sflag:s25] =	ssyncadd.s32 $0xFFFFC000  }
0xdb: {  	[spmem:s2] =	stream.indirect.scatter.add.f32 [tilespmem:s7], [sflag:$0x2], $0x80, s1, s22, $0xb8;
	[tilespmem:$0x1DC00] =	vst v63  }
0xdc: {  	s30 =	simm.s32 $0x2;
	_ =	swait.ge [sflag:s26], $0x4000  }
0xdd: {  	s31 =	simm.s32 $0x1100;
	s1 =	simm.s32 $0x100;
	[sflag:s26] =	ssyncset.done $0x0  }
0xde: {  	s7 =	sxor.u32 $0x6000, s0;
	s0 =	simm.s32 $0x180;
	[sflag:s26] =	ssyncadd.s32 $0xFFFFC000  }
.LBB2_12:
0xdf: {  	[tilespmem:s7], [sflag:$0x1] =	stream.indirect.gather [hbm4b:s4+s22], $0x80, s1, s22, $0xb8;
	[tilespmem:$0x1DC00] =	vst v63  }
0xe0: {  	s1 =	sshll.u32 s30, $0xE;
	p1 =	seq.s32 s30, $0x1E;
	_ =	swait.ge [sflag:s25], $0x4000  }
0xe1: {  	s30 =	sadd.s32 $0x1, s30;
	s7 =	sand.u32 $0x4000, s1;
	[sflag:s25] =	ssyncset.done $0x0  }
.Ltmp8:
0xe2: {  	s1 =	sor.u32 $0x2000, s7;
	[sflag:s25] =	ssyncadd.s32 $0xFFFFC000;
	(pc) =	sbr.rel @!p1 .LBB2_12-.Ltmp8, $4  }
0xe3: {  	[spmem:s2] =	stream.indirect.scatter.add.f32 [tilespmem:s1], [sflag:$0x2], $0x80, s31, s22, $0xb8;
	[tilespmem:$0x1DC00] =	vst v63  }
0xe4: {  	s1 =	smov.u32 s0;
	_ =	swait.ge [sflag:s26], $0x4000  }
0xe5: {  	s31 =	sadd.s32 $0x80, s31;
	[sflag:s26] =	ssyncset.done $0x0  }
0xe6: {  	s7 =	sxor.u32 $0x6000, s7;
	s0 =	sadd.s32 $0x80, s0;
	[sflag:s26] =	ssyncadd.s32 $0xFFFFC000  }
.Ltmp9:
0xe7: {  	_ = 	snop;
	(pc) =	sbr.rel .LBB2_13-.Ltmp9, $1  }
0xe8: {  	_ =	sdelay $0x3  }
.LBB2_15:
0xe9: {  	_ =	sfence.sel $0x180000  }
0xea: {  	[bflag:$0x0] =	sbarrier.arrive $0xFFFF  }
0xeb: {  	_ =	strace $0x9000004D  }
0xec: {  	s0 =	stileid.u32;
	[bflag:$0x2] =	sbarrier.arrive $0xFFFF  }
0xed: {  	p0 =	sne.s32 s0, $0x0;
	s0 =	rddreg [dreg:$0x2]  }
0xee: {  	s0 =	sadd.s32 @!p0 $0x100000, s0  }
0xef: {  	[sflag:s0] =	ssyncadd.tile.s32 @!p0 $0x1;
	_ =	shalt  }
.Lfunc_end2:
_tile_overlayer_lowered:
.L_overlay_start_2:
0xf0: {  	(tag) =	ssettag $0x2  }
0xf1: {  	s0 =	rddreg [dreg:$0x0];
	s2 =	stileid.u32  }
0xf2: {  	s1 =	rddreg [dreg:$0x1];
	p0 =	sne.s32 s2, $0x0  }
0xf3: {  	s3 =	rddreg [dreg:$0x2];
	[bflag:$0x3] =	sbarrier.arrive $0xFFFF;
	s2 =	simm.s32 @!p0 $0x1C03  }
0xf4: {  	[timem:s3], [sflag:s2] =	dma.local @!p0 [hbm:s0], s1  }
0xf5: {  	s0 =	simm.s32 @!p0 $0x3  }
0xf6: {  	_ =	swait.ge @!p0 [sflag:s0], s1  }
0xf7: {  	s1 =	ssub.s32 @!p0 $0x0, s1;
	[sflag:s0] =	ssyncset.done @!p0 $0x0  }
0xf8: {  	[sflag:s0] =	ssyncadd.s32 @!p0 s1  }
0xf9: {  	[bflag:$0x3] =	sbarrier.arrive $0xFFFF  }
0xfa: {  	_ =	shalt  }

// kernel: kernel.8.cloned.1.call-start
scs
__scs_entry_jumppad:
0x0: {  	(pc) =	sbr.rel $0x88, $3  }
0x1: {  	(tag) =	ssettag $0x0;
	lr =	simm.s32 $0x1  }
0x2: {  	[smem:$0x3F93] =	sst lr;
	_ =	strace $0xD0000000  }
0x3: {  	_ = 	snop  }
0x4: {  	_ = 	snop  }
0x5: {  	_ = 	snop  }
0x6: {  	_ = 	snop  }
0x7: {  	_ = 	snop  }
__scs_overlays_trampoline_lowered:
0x8: {  	[smem:$0x3FA2] =	sst s0  }
0x9: {  	[smem:$0x3FA3] =	sst s1  }
0xa: {  	[smem:$0x3FA4] =	sst s2  }
0xb: {  	[smem:$0x3FA5] =	sst s3  }
0xc: {  	[smem:$0x3FA6] =	sst s4  }
0xd: {  	[smem:$0x3FA7] =	sst s5  }
0xe: {  	[smem:$0x3FA8] =	sst s6  }
0xf: {  	[smem:$0x3FA9] =	sst s7  }
0x10: {  	[smem:$0x3FAA] =	sst s8  }
0x11: {  	[smem:$0x3FAB] =	sst s9;
	s0 =	simm.s32 @!p0 $0x0  }
0x12: {  	s1 =	sld [smem:$0x3F91];
	s0 =	simm.s32 @p0 $0x1  }
0x13: {  	[smem:$0x3FAC] =	sst s0;
	s0 =	simm.s32 @!p1 $0x0  }
0x14: {  	s2 =	sld [smem:$0x3F90];
	s0 =	simm.s32 @p1 $0x1  }
0x15: {  	[smem:$0x3FAD] =	sst s0;
	s0 =	simm.s32 @!p2 $0x0  }
0x16: {  	s3 =	sld [smem:$0x3FDB];
	s0 =	simm.s32 @p2 $0x1  }
0x17: {  	s4 =	simm.s32 $0x1BF5;
	[smem:$0x3FAF] =	sst s0  }
0x18: {  	s0 =	sld [smem:$0x3F92];
	_ =	swait.ge [sflag:s4], $0x0  }
0x19: {  	s7 =	sld [smem:$0x3F93]  }
0x1a: {  	s8 =	sadd.s32 $0xFFFFE003, lr  }
0x1b: {  	s9 =	sadd.s32 $0xFFFFFEF7, lr;
	s5 =	simm.s32 $0xFFFFFFFF;
	p2 =	slt.u32 s8, $0xFFFFF086  }
0x1c: {  	p1 =	slt.u32 s9, $0xF7A;
	s5 =	simm.s32 @!p2 $0x0  }
0x1d: {  	s5 =	simm.s32 @p1 $0x1;
	p0 =	seq.s32 s7, s2  }
0x1e: {  	s7 =	smul.u32 @!p0 $0xF7A, s2;
	p2 =	seq.s32 @!p0 s5, $0x0  }
0x1f: {  	s9 =	smul.u32 $0xF7A, s1;
	s8 =	simm.s32 @!p0 $0x1BF5;
	p2 =	por !p2, p0  }
0x20: {  	[sflag:s8] =	ssyncset.s32 @!p0 $0xFFFFF086;
	s6 =	sadd.s32 @!p0 s3, s7;
	s7 =	simm.s32 @!p0 $0x108  }
0x21: {  	s3 =	sadd.s32 s3, s9;
	s6 =	sadd.s32 @!p0 $0x88, s6;
	s7 =	simm.s32 @p2 $0x1082  }
0x22: {  	[simem:s7], [sflag:s8] =	dma.local @!p0 [hbm:s6], $0xF7A  }
0x23: {  	s9 =	sor.u32 $0xD0000000, s2;
	s6 =	simm.s32 $0x108;
	_ =	swait.ge @!p0 [sflag:s8], $0x0  }
0x24: {  	s3 =	sadd.s32 $0x88, s3;
	s6 =	simm.s32 @!p1 $0x1082;
	[sflag:s4] =	ssyncset.s32 $0xFFFFF086  }
0x25: {  	[simem:s6], [sflag:s4] =	dma.local [hbm:s3], $0xF7A  }
0x26: {  	[smem:$0x3F93] =	sst s1;
	(tag) =	ssettag s2;
	_ =	strace s9  }
0x27: {  	s1 =	sld [smem:$0x3FA3]  }
0x28: {  	s2 =	sld [smem:$0x3FA4]  }
0x29: {  	s4 =	sld [smem:$0x3FA6]  }
0x2a: {  	p0 =	seq.s32 s5, $0x0;
	s5 =	sld [smem:$0x3FA7]  }
0x2b: {  	s6 =	sld [smem:$0x3FA8]  }
0x2c: {  	s7 =	sld [smem:$0x3FA9]  }
0x2d: {  	s3 =	simm.s32 $0x108;
	s8 =	sld [smem:$0x3FAA]  }
0x2e: {  	s3 =	simm.s32 @!p0 $0x1082;
	s9 =	sld [smem:$0x3FAB]  }
0x2f: {  	lr =	sadd.s32 s0, s3;
	s0 =	sld [smem:$0x3FA2]  }
0x30: {  	s3 =	sld [smem:$0x3FA5]  }
0x31: {  	[smem:$0x3FAE] =	sst s10  }
0x32: {  	s10 =	sld [smem:$0x3FAC];
	_ =	sdelay $0x3  }
0x33: {  	p0 =	seq.s32 s10, $0x1;
	s10 =	sld [smem:$0x3FAE];
	_ =	sdelay $0x3  }
0x34: {  	[smem:$0x3FAE] =	sst s10  }
0x35: {  	s10 =	sld [smem:$0x3FAD];
	_ =	sdelay $0x3  }
0x36: {  	p1 =	seq.s32 s10, $0x1;
	s10 =	sld [smem:$0x3FAE];
	_ =	sdelay $0x3  }
0x37: {  	[smem:$0x3FAE] =	sst s10  }
0x38: {  	s10 =	sld [smem:$0x3FAF]  }
0x39: {  	_ = 	snop;
	(pc) =	sbr.ind lr, $3  }
0x3a: {  	_ = 	snop  }
0x3b: {  	_ = 	snop  }
0x3c: {  	p2 =	seq.s32 s10, $0x1;
	s10 =	sld [smem:$0x3FAE]  }
0x3d: {  	_ =	shalt  }
0x3e: {  	_ =	shalt  }
0x3f: {  	_ =	shalt  }
0x40: {  	_ =	shalt  }
0x41: {  	_ =	shalt  }
0x42: {  	_ =	shalt  }
0x43: {  	_ =	shalt  }
0x44: {  	_ =	shalt  }
0x45: {  	_ =	shalt  }
0x46: {  	_ =	shalt  }
0x47: {  	_ =	shalt  }
0x48: {  	_ =	shalt  }
0x49: {  	_ =	shalt  }
0x4a: {  	_ =	shalt  }
0x4b: {  	_ =	shalt  }
0x4c: {  	_ =	shalt  }
0x4d: {  	_ =	shalt  }
0x4e: {  	_ =	shalt  }
0x4f: {  	_ =	shalt  }
0x50: {  	_ =	shalt  }
0x51: {  	_ =	shalt  }
0x52: {  	_ =	shalt  }
0x53: {  	_ =	shalt  }
0x54: {  	_ =	shalt  }
0x55: {  	_ =	shalt  }
0x56: {  	_ =	shalt  }
0x57: {  	_ =	shalt  }
0x58: {  	_ =	shalt  }
0x59: {  	_ =	shalt  }
0x5a: {  	_ =	shalt  }
0x5b: {  	_ =	shalt  }
0x5c: {  	_ =	shalt  }
0x5d: {  	_ =	shalt  }
0x5e: {  	_ =	shalt  }
0x5f: {  	_ =	shalt  }
0x60: {  	_ =	shalt  }
0x61: {  	_ =	shalt  }
0x62: {  	_ =	shalt  }
0x63: {  	_ =	shalt  }
0x64: {  	_ =	shalt  }
0x65: {  	_ =	shalt  }
0x66: {  	_ =	shalt  }
0x67: {  	_ =	shalt  }
0x68: {  	_ =	shalt  }
0x69: {  	_ =	shalt  }
0x6a: {  	_ =	shalt  }
0x6b: {  	_ =	shalt  }
0x6c: {  	_ =	shalt  }
0x6d: {  	_ =	shalt  }
0x6e: {  	_ =	shalt  }
0x6f: {  	_ =	shalt  }
0x70: {  	_ =	shalt  }
0x71: {  	_ =	shalt  }
0x72: {  	_ =	shalt  }
0x73: {  	_ =	shalt  }
0x74: {  	_ =	shalt  }
0x75: {  	_ =	shalt  }
0x76: {  	_ =	shalt  }
0x77: {  	_ =	shalt  }
0x78: {  	_ =	shalt  }
0x79: {  	_ =	shalt  }
0x7a: {  	_ =	shalt  }
0x7b: {  	_ =	shalt  }
0x7c: {  	_ =	shalt  }
0x7d: {  	_ =	shalt  }
0x7e: {  	_ =	shalt  }
0x7f: {  	_ =	shalt  }
0x80: {  	_ =	shalt  }
0x81: {  	_ =	shalt  }
0x82: {  	_ =	shalt  }
0x83: {  	_ =	shalt  }
0x84: {  	_ =	shalt  }
0x85: {  	_ =	shalt  }
0x86: {  	_ =	shalt  }
0x87: {  	_ =	shalt  }
.Lfunc_end0:
.L_simem_size_0:
called_computation_lowered:
.L_overlay_start_0:
0x88: {  	s2 =	sld [smem:$0x3FD9]  }
0x89: {  	s3 =	sld [smem:$0x3FFE];
	_ =	sdelay $0x1  }
0x8a: {  	s1 =	srdreg.scid  }
0x8b: {  	s0 =	sand.u32 $0x1, s1  }
0x8c: {  	s16 =	sshll.u32 s0, $0xA;
	s2 =	sadd.s32 s3, s2  }
0x8d: {  	s2 =	sadd.s32 s2, s16  }
0x8e: {  	[smem:$0x3FBA] =	sst s2  }
0x8f: {  	_ = 	snop  }
0x90: {  	(tm) =	ssettm $0x1  }
0x91: {  	s17 =	sld [smem:$0x3FFB];
	_ =	sdelay $0x3  }
0x92: {  	_ =	strace s17  }
0x93: {  	s2 =	sld [smem:$0x3FFC];
	_ =	sdelay $0x3  }
0x94: {  	_ =	strace s2  }
0x95: {  	s2 =	sld [smem:$0x3FFD];
	_ =	sdelay $0x3  }
0x96: {  	_ =	strace s2  }
0x97: {  	_ =	strace $0x8FFFFFFF  }
0x98: {  	s18 =	sld [smem:$0x3FDB];
	_ =	sdelay $0x1  }
0x99: {  	s19 =	simm.s32 $_scs_section_size  }
0x9a: {  	s4 =	simm.s32 $_size__tile_overlayer_lowered;
	s5 =	simm.s32 $_tile_overlayer_lowered  }
0x9b: {  	s22 =	simm.s32 $0x1BFF;
	s21 =	sshll.u32 s5, $0x1;
	s2 =	sadd.s32 s19, s18  }
0x9c: {  	s6 =	simm.s32 $0x0;
	s20 =	sshll.u32 s4, $0x1;
	s4 =	sadd.s32 s21, s2  }
0x9d: {  	[timem:s6], [sflag:s22] =	dma.local [hbm:s4], s20  }
0x9e: {  	_ =	swait.ge [sflag:s22], s20  }
0x9f: {  	s3 =	ssub.s32 $0x0, s20;
	[sflag:s22] =	ssyncset.done $0x0  }
0xa0: {  	[sflag:s22] =	ssyncadd.s32 s3;
	_ =	sdelay $0x1  }
0xa1: {  	s23 =	simm.s32 $0x1B8B  }
0xa2: {  	_ =	swait.ge [sflag:s23], $0x1  }
0xa3: {  	[sflag:s23] =	ssyncset.done $0x0  }
0xa4: {  	s25 =	simm.s32 $0x1B8E;
	s24 =	sld [smem:$0x3FFE];
	[sflag:s23] =	ssyncadd.s32 $0xFFFFFFFF  }
0xa5: {  	s26 =	simm.s32 $execute0_lowered;
	[smem:$0x3FD2] =	sst s25  }
0xa6: {  	s4 =	sshll.u32 s26, $0x1;
	_ =	strace $0x80000046;
	[dreg:$0x1] =	wrdreg $0xFFFFFFFF  }
0xa7: {  	s28 =	simm.s32 $_size_execute0_lowered;
	s2 =	sadd.s32 s2, s4;
	[dreg:$0x0] =	wrdreg $0x0  }
0xa8: {  	s4 =	sshll.u32 s28, $0x1;
	[dreg:$0x2] =	wrdreg s2  }
0xa9: {  	[dreg:$0x3] =	wrdreg s4  }
0xaa: {  	[dreg:$0x4] =	wrdreg $0xC0  }
0xab: {  	_ =	task [dreg:s6], $0x5FFFF  }
0xac: {  	[dreg:$0x1] =	wrdreg $0xFFFFFFFF  }
0xad: {  	[dreg:$0x0] =	wrdreg $0x60  }
0xae: {  	[dreg:$0x2] =	wrdreg s24  }
0xaf: {  	[dreg:$0x3] =	wrdreg $0x68000  }
0xb0: {  	[dreg:$0x4] =	wrdreg $0x9  }
0xb1: {  	_ =	task.clear_ibuf [dreg:s6], $0x5FFFF;
	_ =	strace $0x90000046  }
0xb2: {  	s29 =	simm.s32 $0x9;
	_ =	strace $0x80000048  }
0xb3: {  	_ =	swait.ge [sflag:s29], $0x1  }
0xb4: {  	[sflag:s29] =	ssyncadd.s32 $0xFFFFFFFF  }
0xb5: {  	_ =	strace $0x90000048  }
0xb6: {  	_ =	sfence  }
0xb7: {  	s30 =	sld [smem:$0x0];
	_ =	sdelay $0x2  }
0xb8: {  	s31 =	sshll.u32 s1, $0xD;
	s1 =	sshrl.u32 s1, $0x2  }
0xb9: {  	s3 =	sand.u32 $0x4000, s31;
	s1 =	sadd.s32 s1, s30  }
0xba: {  	s0 =	sor.u32 s3, s0;
	s1 =	sshll.u32 s1, $0x11  }
0xbb: {  	s0 =	sor.u32 s1, s0  }
0xbc: {  	s0 =	sadd.s32 $0x8F2B, s0  }
0xbd: {  	[sflag:s0] =	ssyncadd.remote.s32 $0x1  }
0xbe: {  	_ =	sfence.sel $0xFFFF  }
0xbf: {  	[dreg:$0x0] =	wrdreg $0xFFFFFFFF;
	(pc) =	sbr.abs _section_cstart, $3  }
0xc0: {  	[dreg:$0x1] =	wrdreg $0xFFFFFFFF  }
0xc1: {  	_ =	task.clear_ibuf [dreg:s6], $0x2FFFF;
	_ =	strace $0x9FFFFFFF  }
0xc2: {  	(tm) =	ssettm $0x7FFFFFFF  }
0xc3: {  	_ =	shalt  }
tec
execute0_lowered:
.L_overlay_start_1:
0x0: {  	(tag) =	ssettag $0x1  }
0x1: {  	s0 =	srdreg.scid;
	s7 =	rddreg [dreg:$0x0]  }
0x2: {  	s2 =	rddreg [dreg:$0x1];
	s6 =	sand.u32 $0x1, s0;
	s0 =	stileid.u32  }
0x3: {  	s3 =	simm.s32 $0x0;
	s13 =	simm.s32 $0x80;
	s8 =	smul.u32 $0x2780, s0  }
0x4: {  	s14 =	simm.s32 $0x0;
	[smem:$0x7FF] =	sst s3;
	s9 =	smul.u32 $0x27800, s6  }
0x5: {  	s5 =	sadd.s32 $0x17A00, s7;
	s1 =	sshll.u32 s6, $0x4;
	s11 =	smul.u32 $0x4F000, s0  }
0x6: {  	s6 =	ssub.s32 $0x2, s6;
	s31 =	sshll.u32 s0, $0x6;
	s4 =	sor.u32 s0, s1  }
0x7: {  	s1 =	rddreg [dreg:$0x2];
	_ =	strace $0x80000047;
	s29 =	sshrl.u32 s6, $0x1  }
0x8: {  	s4 =	smul.u32 $0x500, s4;
	s8 =	sadd.s32 s8, s9;
	s30 =	sshrl.u32 s11, $0x2  }
0x9: {  	s9 =	simm.s32 $0x1;
	s11 =	sor.u32 $0x1C01, s31;
	s12 =	sadd.s32 s30, s2  }
0xa: {  	s10 =	sadd.s32 s4, s7;
	s4 =	sadd.s32 $0x1A200, s7;
	s7 =	sadd.s32 s8, s7  }
0xb: {  	s8 =	ssub.s32 s6, s29;
	s12 =	sshrl.u32 s12, $0x3;
	s6 =	sadd.s32 $0xDA00, s10  }
0xc: {  	s7 =	sadd.s32 $0x1AA00, s7;
	s8 =	smax.u32 s8, $0x1;
	s10 =	simm.s32 $0x2800  }
.LBB2_1:
0xd: {  	[tilespmem:s3], [sflag:$0x1] =	stream.linear.gather [hbm4b:s6+s3], $0x2800, $0x38;
	[tilespmem:$0x1A400] =	vst v63  }
0xe: {  	_ =	swait.ge [sflag:s9], $0x2800  }
0xf: {  	[sflag:s9] =	ssyncset.done $0x0  }
0x10: {  	[sflag:s9] =	ssyncadd.s32 $0xFFFFD800  }
0x11: {  	[tilespmem:s10], [sflag:$0x1] =	stream.linear.gather [hbm4b:s4+s3], $0x4000, $0x38;
	[tilespmem:$0x1A400] =	vst v63  }
0x12: {  	_ =	swait.ge [sflag:s9], $0x4000  }
0x13: {  	[sflag:s9] =	ssyncset.done $0x0  }
0x14: {  	[sflag:s9] =	ssyncadd.s32 $0xFFFFC000  }
0x15: {  	[spmem:s12], [sflag:s11] =	dma.local [hbm:s5], $0x2780  }
0x16: {  	_ =	swait.ge [sflag:s9], $0x2780  }
0x17: {  	[sflag:s9] =	ssyncset.done $0x0  }
0x18: {  	[sflag:s9] =	ssyncadd.s32 $0xFFFFD880  }
0x19: {  	s15 =	simm.s32 $0x0;
	[bflag:$0x0] =	sbarrier.arrive $0xFFFF  }
0x1a: {  	[spmem:s2] =	stream.indirect.scatter.add.f32 [tilespmem:s10], [sflag:$0x1], $0x80, s15, s13, $0xb8;
	[tilespmem:$0x1A400] =	vst v63  }
0x1b: {  	_ =	swait.ge [sflag:s9], $0x4000  }
0x1c: {  	s15 =	simm.s32 $0x200;
	[sflag:s9] =	ssyncset.done $0x0  }
.LBB2_2:
0x1d: {  	s16 =	sshra.s32 s15, $0x2;
	[sflag:s9] =	ssyncadd.s32 $0xFFFFC000;
	p0 =	sne.s32 s15, $0x9E00  }
0x1e: {  	[spmem:s2] =	stream.indirect.scatter.add.f32 [tilespmem:s10], [sflag:$0x1], $0x80, s16, s13, $0xb8;
	[tilespmem:$0x1A400] =	vst v63  }
.Ltmp0:
0x1f: {  	_ = 	snop;
	(pc) =	sbr.rel @p0 .LBB2_2-.Ltmp0, $4  }
0x20: {  	_ = 	snop  }
0x21: {  	s15 =	sadd.s32 $0x200, s15  }
0x22: {  	_ =	swait.ge [sflag:s9], $0x4000  }
0x23: {  	[sflag:s9] =	ssyncset.done $0x0  }
0x24: {  	s14 =	sadd.s32 $0x1, s14  }
0x25: {  	[sflag:s9] =	ssyncadd.s32 $0xFFFFC000;
	p0 =	sne.s32 s14, s8  }
.Ltmp1:
0x26: {  	[bflag:$0x0] =	sbarrier.arrive $0xFFFF;
	(pc) =	sbr.rel @p0 .LBB2_1-.Ltmp1, $4  }
0x27: {  	[hbm:s7], [sflag:s11] =	dma.local [spmem:s12], $0x2780  }
0x28: {  	_ =	swait.ge [sflag:s9], $0x2780  }
0x29: {  	[sflag:s9] =	ssyncset.done $0x0  }
0x2a: {  	[sflag:s9] =	ssyncadd.s32 $0xFFFFD880  }
0x2b: {  	_ =	sfence.sel $0x180000  }
0x2c: {  	[bflag:$0x0] =	sbarrier.arrive $0xFFFF  }
0x2d: {  	p0 =	sne.s32 s0, $0x0;
	_ =	strace $0x90000047  }
0x2e: {  	s0 =	sadd.s32 @!p0 $0x100000, s1;
	[bflag:$0x2] =	sbarrier.arrive $0xFFFF  }
0x2f: {  	[sflag:s0] =	ssyncadd.tile.s32 @!p0 $0x1;
	_ =	shalt  }
.Lfunc_end2:
_tile_overlayer_lowered:
.L_overlay_start_2:
0x30: {  	(tag) =	ssettag $0x2  }
0x31: {  	s0 =	rddreg [dreg:$0x0];
	s2 =	stileid.u32  }
0x32: {  	s1 =	rddreg [dreg:$0x1];
	p0 =	sne.s32 s2, $0x0  }
0x33: {  	s3 =	rddreg [dreg:$0x2];
	[bflag:$0x3] =	sbarrier.arrive $0xFFFF;
	s2 =	simm.s32 @!p0 $0x1C01  }
0x34: {  	[timem:s3], [sflag:s2] =	dma.local @!p0 [hbm:s0], s1  }
0x35: {  	s0 =	simm.s32 @!p0 $0x1  }
0x36: {  	_ =	swait.ge @!p0 [sflag:s0], s1  }
0x37: {  	s1 =	ssub.s32 @!p0 $0x0, s1;
	[sflag:s0] =	ssyncset.done @!p0 $0x0  }
0x38: {  	[sflag:s0] =	ssyncadd.s32 @!p0 s1  }
0x39: {  	[bflag:$0x3] =	sbarrier.arrive $0xFFFF  }
0x3a: {  	_ =	shalt  }

</sc_bundles>
